<compile_context>
chip_gen: v7x
topology: tpu7x:2x2x1
jax: 0.10.2.dev20260603
libtpu: 0.0.44.dev20260713+nightly
codegen_flags: <defaults>
</compile_context>

<pallas_src>
import functools

import jax
import jax.numpy as jnp
from jax import lax
from jax.experimental import pallas as pl
from jax.experimental.pallas import tpu as pltpu
from jax.experimental.pallas import tpu_sc as plsc

_N = 10000
_D = 128
_H = 16
_O = 16
_E = 320000

_LANES = 128
_EROWS = 2560
_RPT = _EROWS // 32
_NACC = 10112
_PER_TILE = _NACC // 16
_BN = 1000
_K = 8


def _make_sc_pass(with_counts):
    mesh = plsc.VectorSubcoreMesh(core_axis_name="c", subcore_axis_name="s")

    def body(vals_hbm, src_hbm, dst_hbm, zeros_hbm, ones_hbm, *rest):
        if with_counts:
            (out_hbm, outc_hbm, acc, acc_cnt, src_t, dst_t, slab, ones_t,
             gsem, ssem, osem) = rest
        else:
            (out_hbm, acc, src_t, dst_t, slab, gsem, ssem) = rest
        c = lax.axis_index("c")
        s = lax.axis_index("s")
        wid = s * 2 + c

        pltpu.sync_copy(zeros_hbm.at[pl.ds(s * _PER_TILE, _PER_TILE)],
                        acc.at[pl.ds(s * _PER_TILE, _PER_TILE)])
        if with_counts:
            pltpu.sync_copy(zeros_hbm.at[pl.ds(s * _PER_TILE, _PER_TILE)],
                            acc_cnt.at[pl.ds(s * _PER_TILE, _PER_TILE)])
            pltpu.sync_copy(ones_hbm, ones_t)
        pltpu.sync_copy(src_hbm.at[pl.ds(wid * _RPT, _RPT)], src_t)
        pltpu.sync_copy(dst_hbm.at[pl.ds(wid * _RPT, _RPT)], dst_t)
        plsc.subcore_barrier()

        def step(it, carry):
            base = it * _K
            hg = [pltpu.async_copy(vals_hbm.at[src_t.at[base + j]],
                                   slab.at[pl.ds(j * _LANES, _LANES)], gsem)
                  for j in range(_K)]
            hc = []
            if with_counts:
                hc = [pltpu.async_copy(ones_t, acc_cnt.at[dst_t.at[base + j]],
                                       osem, add=True)
                      for j in range(_K)]
            for h in hg:
                h.wait()
            hs = [pltpu.async_copy(slab.at[pl.ds(j * _LANES, _LANES)],
                                   acc.at[dst_t.at[base + j]], ssem, add=True)
                  for j in range(_K)]
            for h in hs:
                h.wait()
            for h in hc:
                h.wait()
            return carry

        lax.fori_loop(0, _RPT // _K, step, 0)
        plsc.subcore_barrier()

        pltpu.sync_copy(acc.at[pl.ds(s * _PER_TILE, _PER_TILE)],
                        out_hbm.at[c].at[pl.ds(s * _PER_TILE, _PER_TILE)])
        if with_counts:
            pltpu.sync_copy(acc_cnt.at[pl.ds(s * _PER_TILE, _PER_TILE)],
                            outc_hbm.at[c].at[pl.ds(s * _PER_TILE, _PER_TILE)])

    out_type = [jax.ShapeDtypeStruct((2, _NACC, _H), jnp.float32)]
    scratch = [pltpu.VMEM_SHARED((_NACC, _H), jnp.float32)]
    if with_counts:
        out_type.append(jax.ShapeDtypeStruct((2, _NACC, _H), jnp.float32))
        scratch.append(pltpu.VMEM_SHARED((_NACC, _H), jnp.float32))
    scratch += [
        pltpu.VMEM((_RPT, _LANES), jnp.int32),
        pltpu.VMEM((_RPT, _LANES), jnp.int32),
        pltpu.VMEM((_K * _LANES, _H), jnp.float32),
    ]
    if with_counts:
        scratch.append(pltpu.VMEM((_LANES, _H), jnp.float32))
    scratch += [pltpu.SemaphoreType.DMA] * (3 if with_counts else 2)

    return pl.kernel(
        body,
        mesh=mesh,
        compiler_params=pltpu.CompilerParams(use_tc_tiling_on_sc=False),
        out_type=out_type,
        scratch_types=scratch,
    )


_sc_pass_cached = functools.lru_cache(maxsize=None)(_make_sc_pass)


def _tc1_body(x_ref, wl_ref, wr_ref, vals_ref, z_ref):
    xb = x_ref[...]
    vals_ref[...] = jnp.dot(xb, wl_ref[...], preferred_element_type=jnp.float32)
    z_ref[...] = jnp.dot(xb, wr_ref[...], preferred_element_type=jnp.float32)


def _tc1(x, wl, wr):
    return pl.pallas_call(
        _tc1_body,
        grid=(_N // _BN,),
        in_specs=[
            pl.BlockSpec((_BN, _D), lambda i: (i, 0)),
            pl.BlockSpec((_D, _H), lambda i: (0, 0)),
            pl.BlockSpec((_D, _H), lambda i: (0, 0)),
        ],
        out_specs=[
            pl.BlockSpec((_BN, _H), lambda i: (i, 0)),
            pl.BlockSpec((_BN, _H), lambda i: (i, 0)),
        ],
        out_shape=[
            jax.ShapeDtypeStruct((_N, _H), jnp.float32),
            jax.ShapeDtypeStruct((_N, _H), jnp.float32),
        ],
    )(x, wl, wr)


def _tc2_body(p_ref, pc_ref, z1_ref, b1_ref, w2l_ref, w2r_ref, b2_ref,
              vals2_ref, z2_ref, inv_ref):
    ssum = p_ref[0] + p_ref[1]
    cnt = pc_ref[0] + pc_ref[1]
    inv = 1.0 / jnp.maximum(cnt, 1.0)
    h = jnp.maximum(ssum * inv + b1_ref[...] + z1_ref[...], 0.0)
    vals2_ref[...] = jnp.dot(h, w2l_ref[...], preferred_element_type=jnp.float32)
    z2_ref[...] = jnp.dot(h, w2r_ref[...],
                          preferred_element_type=jnp.float32) + b2_ref[...]
    inv_ref[...] = inv


def _tc2(parts1, parts1c, z1, b1t, w2l, w2r, b2t):
    return pl.pallas_call(
        _tc2_body,
        grid=(_N // _BN,),
        in_specs=[
            pl.BlockSpec((2, _BN, _H), lambda i: (0, i, 0)),
            pl.BlockSpec((2, _BN, _H), lambda i: (0, i, 0)),
            pl.BlockSpec((_BN, _H), lambda i: (i, 0)),
            pl.BlockSpec((_BN, _H), lambda i: (0, 0)),
            pl.BlockSpec((_H, _H), lambda i: (0, 0)),
            pl.BlockSpec((_H, _O), lambda i: (0, 0)),
            pl.BlockSpec((_BN, _O), lambda i: (0, 0)),
        ],
        out_specs=[
            pl.BlockSpec((_BN, _H), lambda i: (i, 0)),
            pl.BlockSpec((_BN, _O), lambda i: (i, 0)),
            pl.BlockSpec((_BN, _H), lambda i: (i, 0)),
        ],
        out_shape=[
            jax.ShapeDtypeStruct((_N, _H), jnp.float32),
            jax.ShapeDtypeStruct((_N, _O), jnp.float32),
            jax.ShapeDtypeStruct((_N, _H), jnp.float32),
        ],
    )(parts1, parts1c, z1, b1t, w2l, w2r, b2t)


def _tc3_body(p_ref, inv_ref, z2_ref, out_ref):
    out_ref[...] = (p_ref[0] + p_ref[1]) * inv_ref[...] + z2_ref[...]


def _tc3(parts2, inv, z2):
    return pl.pallas_call(
        _tc3_body,
        grid=(_N // _BN,),
        in_specs=[
            pl.BlockSpec((2, _BN, _O), lambda i: (0, i, 0)),
            pl.BlockSpec((_BN, _O), lambda i: (i, 0)),
            pl.BlockSpec((_BN, _O), lambda i: (i, 0)),
        ],
        out_specs=pl.BlockSpec((_BN, _O), lambda i: (i, 0)),
        out_shape=jax.ShapeDtypeStruct((_N, _O), jnp.float32),
    )(parts2, inv, z2)


def kernel(x, edge_index, W1_l, W1_r, b1, W2_l, W2_r, b2):
    src = edge_index[0]
    dst = edge_index[1]
    pad = _EROWS * _LANES - _E
    src_p = jnp.concatenate(
        [src, jnp.zeros((pad,), jnp.int32)]).reshape(_EROWS, _LANES)
    dst_p = jnp.concatenate(
        [dst, jnp.full((pad,), _N, jnp.int32)]).reshape(_EROWS, _LANES)
    zeros16 = jnp.zeros((_NACC, _H), jnp.float32)
    ones16 = jnp.ones((_LANES, _H), jnp.float32)
    b1t = jnp.broadcast_to(b1.reshape(1, _H), (_BN, _H))
    b2t = jnp.broadcast_to(b2.reshape(1, _O), (_BN, _O))

    vals1, z1 = _tc1(x, W1_l, W1_r)
    parts1, parts1c = _sc_pass_cached(True)(vals1, src_p, dst_p, zeros16, ones16)
    vals2, z2, inv = _tc2(parts1, parts1c, z1, b1t, W2_l, W2_r, b2t)
    (parts2,) = _sc_pass_cached(False)(vals2, src_p, dst_p, zeros16, ones16)
    return _tc3(parts2, inv, z2)

# --- scband reference (transcript-rebuilt; emitter-appended) ---
"""Pipeline reference for scband-sage-69097433858682 (READ-ONLY COPY).

The authoritative reference and input builder live on the scoring server;
editing this copy changes nothing except your own understanding.
"""

import jax, jax.numpy as jnp
import numpy as np

N = 10000
E = 320000
D = 128
H = 16
O = 16


def setup_inputs(seed: int = 0) -> dict:
    key = jax.random.key(seed)
    ks = jax.random.split(key, 8)
    x = jax.random.normal(ks[0], (N, D), dtype=jnp.float32)
    edge_index = jax.random.randint(ks[1], (2, E), 0, N, dtype=jnp.int32)
    W1_l = jax.random.normal(ks[2], (D, H), dtype=jnp.float32) * (1.0 / np.sqrt(D))
    W1_r = jax.random.normal(ks[3], (D, H), dtype=jnp.float32) * (1.0 / np.sqrt(D))
    b1 = jnp.zeros((H,), dtype=jnp.float32)
    W2_l = jax.random.normal(ks[4], (H, O), dtype=jnp.float32) * (1.0 / np.sqrt(H))
    W2_r = jax.random.normal(ks[5], (H, O), dtype=jnp.float32) * (1.0 / np.sqrt(H))
    b2 = jnp.zeros((O,), dtype=jnp.float32)
    return {"x": x, "edge_index": edge_index, "W1_l": W1_l, "W1_r": W1_r, "b1": b1,
            "W2_l": W2_l, "W2_r": W2_r, "b2": b2}


def _sage_conv(x, src, dst, W_l, W_r, b, num_nodes):
    # PyG SAGEConv: out = lin_l(mean_{j in N(i)} x_j) + lin_r(x_i)
    msgs = jnp.take(x, src, axis=0)                       # gather source node feats [E, d]
    summed = jax.ops.segment_sum(msgs, dst, num_segments=num_nodes)
    cnt = jax.ops.segment_sum(jnp.ones((msgs.shape[0],), dtype=x.dtype), dst,
                              num_segments=num_nodes)
    mean = summed / jnp.clip(cnt, 1.0, None)[:, None]     # nodes w/o in-edges -> 0
    return mean @ W_l + b + x @ W_r


def reference(x, edge_index, W1_l, W1_r, b1, W2_l, W2_r, b2):
    src = edge_index[0]
    dst = edge_index[1]
    h = jax.nn.relu(_sage_conv(x, src, dst, W1_l, W1_r, b1, N))
    # F.dropout(training=self.training) is identity in eval mode
    out = _sage_conv(h, src, dst, W2_l, W2_r, b2, N)
    return out

if __name__ == "__main__":
    import jax
    _d = setup_inputs()
    print(jax.jit(kernel)(*tuple(_d.values())))

</pallas_src>

<mosaic_0001>
#map = affine_map<(d0, d1) -> (0, 0)>
#map1 = affine_map<(d0, d1) -> (0, 0, 0)>
module attributes {stable_mosaic.version = 14 : i64} {
  func.func @body(%arg0: i32, %arg1: i32, %arg2: memref<10000x16xf32, #tpu.memory_space<hbm>>, %arg3: memref<2560x128xi32, #tpu.memory_space<hbm>>, %arg4: memref<2560x128xi32, #tpu.memory_space<hbm>>, %arg5: memref<10112x16xf32, #tpu.memory_space<hbm>>, %arg6: memref<128x16xf32, #tpu.memory_space<hbm>>, %arg7: memref<2x10112x16xf32, #tpu.memory_space<hbm>>, %arg8: memref<10112x16xf32, #tpu.memory_space<vmem_shared>>, %arg9: memref<80x128xi32, #tpu.memory_space<vmem>>, %arg10: memref<80x128xi32, #tpu.memory_space<vmem>>, %arg11: memref<1024x16xf32, #tpu.memory_space<vmem>>, %arg12: memref<!tpu.dma_semaphore, #tpu.memory_space<semaphore_mem>>, %arg13: memref<!tpu.dma_semaphore, #tpu.memory_space<semaphore_mem>>) attributes {dimension_semantics = [#tpu.dimension_semantics<core_parallel>, #tpu.dimension_semantics<subcore_parallel>], iteration_bounds = array<i64: 2, 16>, scalar_prefetch = 0 : i64, scratch_operands = 6 : i64, tpu.core_type = #tpu.core_type<sc_vector_subcore>, window_params = [{transform_indices = #map}, {transform_indices = #map}, {transform_indices = #map}, {transform_indices = #map}, {transform_indices = #map}, {transform_indices = #map1}]} {
    %mul3A = arith.constant 2 : i32
    %mul3A_0 = arith.muli %arg1, %mul3A : i32
    %add3A = arith.addi %mul3A_0, %arg0 : i32
    %mul3A_1 = arith.constant 632 : i32
    %mul3A_2 = arith.muli %arg1, %mul3A_1 : i32
    %mul3A_3 = arith.constant 632 : i32
    %mul3A_4 = arith.muli %arg1, %mul3A_3 : i32
    "tpu.region"() ({
      %run_scoped3A = tpu.sem_alloc : memref<!tpu.dma_semaphore, #tpu.memory_space<semaphore_mem>>
      %dma_start3A = arith.constant 0 : i32
      %dma_start3A_19 = tpu.memref_slice %arg8[%mul3A_4, %dma_start3A] : memref<10112x16xf32, #tpu.memory_space<vmem_shared>> -> memref<632x16xf32, #tpu.memory_space<vmem_shared>>
      %dma_start3A_20 = arith.constant 0 : i32
      %dma_start3A_21 = tpu.memref_slice %arg5[%mul3A_2, %dma_start3A_20] : memref<10112x16xf32, #tpu.memory_space<hbm>> -> memref<632x16xf32, #tpu.memory_space<hbm>>
      tpu.enqueue_dma source(%dma_start3A_21 : memref<632x16xf32, #tpu.memory_space<hbm>>) target(%dma_start3A_19 : memref<632x16xf32, #tpu.memory_space<vmem_shared>>) target_semaphore(%run_scoped3A : memref<!tpu.dma_semaphore, #tpu.memory_space<semaphore_mem>>)
      %dma_wait3A = arith.constant 0 : i32
      %dma_wait3A_22 = tpu.memref_slice %arg8[%mul3A_4, %dma_wait3A] : memref<10112x16xf32, #tpu.memory_space<vmem_shared>> -> memref<632x16xf32, #tpu.memory_space<vmem_shared>>
      %dma_wait3A_23 = arith.constant 0 : i32
      %dma_wait3A_24 = tpu.memref_slice %arg5[%mul3A_2, %dma_wait3A_23] : memref<10112x16xf32, #tpu.memory_space<hbm>> -> memref<632x16xf32, #tpu.memory_space<hbm>>
      tpu.wait_dma2 semaphore(%run_scoped3A : memref<!tpu.dma_semaphore, #tpu.memory_space<semaphore_mem>>) src(%dma_wait3A_24 : memref<632x16xf32, #tpu.memory_space<hbm>>) dst(%dma_wait3A_22 : memref<632x16xf32, #tpu.memory_space<vmem_shared>>)
      tpu.yield
    }) : () -> ()
    %mul3A_5 = arith.constant 80 : i32
    %mul3A_6 = arith.muli %add3A, %mul3A_5 : i32
    "tpu.region"() ({
      %run_scoped3A = tpu.sem_alloc : memref<!tpu.dma_semaphore, #tpu.memory_space<semaphore_mem>>
      %dma_start3A = arith.constant 0 : i32
      %dma_start3A_19 = tpu.memref_slice %arg3[%mul3A_6, %dma_start3A] : memref<2560x128xi32, #tpu.memory_space<hbm>> -> memref<80x128xi32, #tpu.memory_space<hbm>>
      %dma_start3A_20 = arith.constant 0 : i32
      %dma_start3A_21 = tpu.memref_slice %arg3[%mul3A_6, %dma_start3A_20] : memref<2560x128xi32, #tpu.memory_space<hbm>> -> memref<80x128xi32, #tpu.memory_space<hbm>>
      tpu.enqueue_dma source(%dma_start3A_21 : memref<80x128xi32, #tpu.memory_space<hbm>>) target(%arg9 : memref<80x128xi32, #tpu.memory_space<vmem>>) target_semaphore(%run_scoped3A : memref<!tpu.dma_semaphore, #tpu.memory_space<semaphore_mem>>)
      %dma_wait3A = arith.constant 0 : i32
      %dma_wait3A_22 = tpu.memref_slice %arg3[%mul3A_6, %dma_wait3A] : memref<2560x128xi32, #tpu.memory_space<hbm>> -> memref<80x128xi32, #tpu.memory_space<hbm>>
      %dma_wait3A_23 = arith.constant 0 : i32
      %dma_wait3A_24 = tpu.memref_slice %arg3[%mul3A_6, %dma_wait3A_23] : memref<2560x128xi32, #tpu.memory_space<hbm>> -> memref<80x128xi32, #tpu.memory_space<hbm>>
      tpu.wait_dma2 semaphore(%run_scoped3A : memref<!tpu.dma_semaphore, #tpu.memory_space<semaphore_mem>>) src(%dma_wait3A_24 : memref<80x128xi32, #tpu.memory_space<hbm>>) dst(%arg9 : memref<80x128xi32, #tpu.memory_space<vmem>>)
      tpu.yield
    }) : () -> ()
    %mul3A_7 = arith.constant 80 : i32
    %mul3A_8 = arith.muli %add3A, %mul3A_7 : i32
    "tpu.region"() ({
      %run_scoped3A = tpu.sem_alloc : memref<!tpu.dma_semaphore, #tpu.memory_space<semaphore_mem>>
      %dma_start3A = arith.constant 0 : i32
      %dma_start3A_19 = tpu.memref_slice %arg4[%mul3A_8, %dma_start3A] : memref<2560x128xi32, #tpu.memory_space<hbm>> -> memref<80x128xi32, #tpu.memory_space<hbm>>
      %dma_start3A_20 = arith.constant 0 : i32
      %dma_start3A_21 = tpu.memref_slice %arg4[%mul3A_8, %dma_start3A_20] : memref<2560x128xi32, #tpu.memory_space<hbm>> -> memref<80x128xi32, #tpu.memory_space<hbm>>
      tpu.enqueue_dma source(%dma_start3A_21 : memref<80x128xi32, #tpu.memory_space<hbm>>) target(%arg10 : memref<80x128xi32, #tpu.memory_space<vmem>>) target_semaphore(%run_scoped3A : memref<!tpu.dma_semaphore, #tpu.memory_space<semaphore_mem>>)
      %dma_wait3A = arith.constant 0 : i32
      %dma_wait3A_22 = tpu.memref_slice %arg4[%mul3A_8, %dma_wait3A] : memref<2560x128xi32, #tpu.memory_space<hbm>> -> memref<80x128xi32, #tpu.memory_space<hbm>>
      %dma_wait3A_23 = arith.constant 0 : i32
      %dma_wait3A_24 = tpu.memref_slice %arg4[%mul3A_8, %dma_wait3A_23] : memref<2560x128xi32, #tpu.memory_space<hbm>> -> memref<80x128xi32, #tpu.memory_space<hbm>>
      tpu.wait_dma2 semaphore(%run_scoped3A : memref<!tpu.dma_semaphore, #tpu.memory_space<semaphore_mem>>) src(%dma_wait3A_24 : memref<80x128xi32, #tpu.memory_space<hbm>>) dst(%arg10 : memref<80x128xi32, #tpu.memory_space<vmem>>)
      tpu.yield
    }) : () -> ()
    %barrier3A = arith.constant 0 : index
    tpu.barrier barrier_id(%barrier3A)
    %scan3A = arith.constant 0 : i32
    %scan3A_9 = arith.constant 0 : i32
    %scan3A_10 = arith.constant 10 : i32
    %scan3A_11 = arith.addi %scan3A_9, %scan3A_10 : i32
    %scan3A_12 = arith.constant 1 : i32
    scf.for %scan3A_19 = %scan3A_9 to %scan3A_11 step %scan3A_12  : i32 {
      %mul3A_20 = arith.constant 8 : i32
      %mul3A_21 = arith.muli %scan3A_19, %mul3A_20 : i32
      %add3A_22 = arith.constant 0 : i32
      %add3A_23 = arith.addi %mul3A_21, %add3A_22 : i32
      %dma_start3A = arith.constant 0 : i32
      %dma_start3A_24 = arith.constant 0 : i32
      %dma_start3A_25 = tpu.memref_slice %arg11[%dma_start3A, %dma_start3A_24] : memref<1024x16xf32, #tpu.memory_space<vmem>> -> memref<128x16xf32, #tpu.memory_space<vmem>>
      %dma_start3A_26 = arith.constant 0 : i32
      %dma_start3A_27 = tpu.memref_slice %arg9[%add3A_23, %dma_start3A_26] : memref<80x128xi32, #tpu.memory_space<vmem>> -> memref<1x128xi32, #tpu.memory_space<vmem>>
      %dma_start3A_28 = tpu.memref_squeeze %dma_start3A_27 : memref<1x128xi32, #tpu.memory_space<vmem>> -> memref<128xi32, #tpu.memory_space<vmem>>
      %dma_start3A_29 = arith.constant 0 : i32
      %dma_start3A_30 = arith.constant 0 : i32
      %dma_start3A_31 = tpu.memref_slice %arg2[%dma_start3A_29, %dma_start3A_30] : memref<10000x16xf32, #tpu.memory_space<hbm>> -> memref<10000x16xf32, #tpu.memory_space<hbm>>
      tpu.enqueue_indirect_dma source(%dma_start3A_31 : memref<10000x16xf32, #tpu.memory_space<hbm>>) target(%dma_start3A_25 : memref<128x16xf32, #tpu.memory_space<vmem>>) offsets(%dma_start3A_28 : memref<128xi32, #tpu.memory_space<vmem>>) semaphore(%arg12 : memref<!tpu.dma_semaphore, #tpu.memory_space<semaphore_mem>>)
      %add3A_32 = arith.constant 1 : i32
      %add3A_33 = arith.addi %mul3A_21, %add3A_32 : i32
      %dma_start3A_34 = arith.constant 128 : i32
      %dma_start3A_35 = arith.constant 0 : i32
      %dma_start3A_36 = tpu.memref_slice %arg11[%dma_start3A_34, %dma_start3A_35] : memref<1024x16xf32, #tpu.memory_space<vmem>> -> memref<128x16xf32, #tpu.memory_space<vmem>>
      %dma_start3A_37 = arith.constant 0 : i32
      %dma_start3A_38 = tpu.memref_slice %arg9[%add3A_33, %dma_start3A_37] : memref<80x128xi32, #tpu.memory_space<vmem>> -> memref<1x128xi32, #tpu.memory_space<vmem>>
      %dma_start3A_39 = tpu.memref_squeeze %dma_start3A_38 : memref<1x128xi32, #tpu.memory_space<vmem>> -> memref<128xi32, #tpu.memory_space<vmem>>
      %dma_start3A_40 = arith.constant 0 : i32
      %dma_start3A_41 = arith.constant 0 : i32
      %dma_start3A_42 = tpu.memref_slice %arg2[%dma_start3A_40, %dma_start3A_41] : memref<10000x16xf32, #tpu.memory_space<hbm>> -> memref<10000x16xf32, #tpu.memory_space<hbm>>
      tpu.enqueue_indirect_dma source(%dma_start3A_42 : memref<10000x16xf32, #tpu.memory_space<hbm>>) target(%dma_start3A_36 : memref<128x16xf32, #tpu.memory_space<vmem>>) offsets(%dma_start3A_39 : memref<128xi32, #tpu.memory_space<vmem>>) semaphore(%arg12 : memref<!tpu.dma_semaphore, #tpu.memory_space<semaphore_mem>>)
      %add3A_43 = arith.constant 2 : i32
      %add3A_44 = arith.addi %mul3A_21, %add3A_43 : i32
      %dma_start3A_45 = arith.constant 256 : i32
      %dma_start3A_46 = arith.constant 0 : i32
      %dma_start3A_47 = tpu.memref_slice %arg11[%dma_start3A_45, %dma_start3A_46] : memref<1024x16xf32, #tpu.memory_space<vmem>> -> memref<128x16xf32, #tpu.memory_space<vmem>>
      %dma_start3A_48 = arith.constant 0 : i32
      %dma_start3A_49 = tpu.memref_slice %arg9[%add3A_44, %dma_start3A_48] : memref<80x128xi32, #tpu.memory_space<vmem>> -> memref<1x128xi32, #tpu.memory_space<vmem>>
      %dma_start3A_50 = tpu.memref_squeeze %dma_start3A_49 : memref<1x128xi32, #tpu.memory_space<vmem>> -> memref<128xi32, #tpu.memory_space<vmem>>
      %dma_start3A_51 = arith.constant 0 : i32
      %dma_start3A_52 = arith.constant 0 : i32
      %dma_start3A_53 = tpu.memref_slice %arg2[%dma_start3A_51, %dma_start3A_52] : memref<10000x16xf32, #tpu.memory_space<hbm>> -> memref<10000x16xf32, #tpu.memory_space<hbm>>
      tpu.enqueue_indirect_dma source(%dma_start3A_53 : memref<10000x16xf32, #tpu.memory_space<hbm>>) target(%dma_start3A_47 : memref<128x16xf32, #tpu.memory_space<vmem>>) offsets(%dma_start3A_50 : memref<128xi32, #tpu.memory_space<vmem>>) semaphore(%arg12 : memref<!tpu.dma_semaphore, #tpu.memory_space<semaphore_mem>>)
      %add3A_54 = arith.constant 3 : i32
      %add3A_55 = arith.addi %mul3A_21, %add3A_54 : i32
      %dma_start3A_56 = arith.constant 384 : i32
      %dma_start3A_57 = arith.constant 0 : i32
      %dma_start3A_58 = tpu.memref_slice %arg11[%dma_start3A_56, %dma_start3A_57] : memref<1024x16xf32, #tpu.memory_space<vmem>> -> memref<128x16xf32, #tpu.memory_space<vmem>>
      %dma_start3A_59 = arith.constant 0 : i32
      %dma_start3A_60 = tpu.memref_slice %arg9[%add3A_55, %dma_start3A_59] : memref<80x128xi32, #tpu.memory_space<vmem>> -> memref<1x128xi32, #tpu.memory_space<vmem>>
      %dma_start3A_61 = tpu.memref_squeeze %dma_start3A_60 : memref<1x128xi32, #tpu.memory_space<vmem>> -> memref<128xi32, #tpu.memory_space<vmem>>
      %dma_start3A_62 = arith.constant 0 : i32
      %dma_start3A_63 = arith.constant 0 : i32
      %dma_start3A_64 = tpu.memref_slice %arg2[%dma_start3A_62, %dma_start3A_63] : memref<10000x16xf32, #tpu.memory_space<hbm>> -> memref<10000x16xf32, #tpu.memory_space<hbm>>
      tpu.enqueue_indirect_dma source(%dma_start3A_64 : memref<10000x16xf32, #tpu.memory_space<hbm>>) target(%dma_start3A_58 : memref<128x16xf32, #tpu.memory_space<vmem>>) offsets(%dma_start3A_61 : memref<128xi32, #tpu.memory_space<vmem>>) semaphore(%arg12 : memref<!tpu.dma_semaphore, #tpu.memory_space<semaphore_mem>>)
      %add3A_65 = arith.constant 4 : i32
      %add3A_66 = arith.addi %mul3A_21, %add3A_65 : i32
      %dma_start3A_67 = arith.constant 512 : i32
      %dma_start3A_68 = arith.constant 0 : i32
      %dma_start3A_69 = tpu.memref_slice %arg11[%dma_start3A_67, %dma_start3A_68] : memref<1024x16xf32, #tpu.memory_space<vmem>> -> memref<128x16xf32, #tpu.memory_space<vmem>>
      %dma_start3A_70 = arith.constant 0 : i32
      %dma_start3A_71 = tpu.memref_slice %arg9[%add3A_66, %dma_start3A_70] : memref<80x128xi32, #tpu.memory_space<vmem>> -> memref<1x128xi32, #tpu.memory_space<vmem>>
      %dma_start3A_72 = tpu.memref_squeeze %dma_start3A_71 : memref<1x128xi32, #tpu.memory_space<vmem>> -> memref<128xi32, #tpu.memory_space<vmem>>
      %dma_start3A_73 = arith.constant 0 : i32
      %dma_start3A_74 = arith.constant 0 : i32
      %dma_start3A_75 = tpu.memref_slice %arg2[%dma_start3A_73, %dma_start3A_74] : memref<10000x16xf32, #tpu.memory_space<hbm>> -> memref<10000x16xf32, #tpu.memory_space<hbm>>
      tpu.enqueue_indirect_dma source(%dma_start3A_75 : memref<10000x16xf32, #tpu.memory_space<hbm>>) target(%dma_start3A_69 : memref<128x16xf32, #tpu.memory_space<vmem>>) offsets(%dma_start3A_72 : memref<128xi32, #tpu.memory_space<vmem>>) semaphore(%arg12 : memref<!tpu.dma_semaphore, #tpu.memory_space<semaphore_mem>>)
      %add3A_76 = arith.constant 5 : i32
      %add3A_77 = arith.addi %mul3A_21, %add3A_76 : i32
      %dma_start3A_78 = arith.constant 640 : i32
      %dma_start3A_79 = arith.constant 0 : i32
      %dma_start3A_80 = tpu.memref_slice %arg11[%dma_start3A_78, %dma_start3A_79] : memref<1024x16xf32, #tpu.memory_space<vmem>> -> memref<128x16xf32, #tpu.memory_space<vmem>>
      %dma_start3A_81 = arith.constant 0 : i32
      %dma_start3A_82 = tpu.memref_slice %arg9[%add3A_77, %dma_start3A_81] : memref<80x128xi32, #tpu.memory_space<vmem>> -> memref<1x128xi32, #tpu.memory_space<vmem>>
      %dma_start3A_83 = tpu.memref_squeeze %dma_start3A_82 : memref<1x128xi32, #tpu.memory_space<vmem>> -> memref<128xi32, #tpu.memory_space<vmem>>
      %dma_start3A_84 = arith.constant 0 : i32
      %dma_start3A_85 = arith.constant 0 : i32
      %dma_start3A_86 = tpu.memref_slice %arg2[%dma_start3A_84, %dma_start3A_85] : memref<10000x16xf32, #tpu.memory_space<hbm>> -> memref<10000x16xf32, #tpu.memory_space<hbm>>
      tpu.enqueue_indirect_dma source(%dma_start3A_86 : memref<10000x16xf32, #tpu.memory_space<hbm>>) target(%dma_start3A_80 : memref<128x16xf32, #tpu.memory_space<vmem>>) offsets(%dma_start3A_83 : memref<128xi32, #tpu.memory_space<vmem>>) semaphore(%arg12 : memref<!tpu.dma_semaphore, #tpu.memory_space<semaphore_mem>>)
      %add3A_87 = arith.constant 6 : i32
      %add3A_88 = arith.addi %mul3A_21, %add3A_87 : i32
      %dma_start3A_89 = arith.constant 768 : i32
      %dma_start3A_90 = arith.constant 0 : i32
      %dma_start3A_91 = tpu.memref_slice %arg11[%dma_start3A_89, %dma_start3A_90] : memref<1024x16xf32, #tpu.memory_space<vmem>> -> memref<128x16xf32, #tpu.memory_space<vmem>>
      %dma_start3A_92 = arith.constant 0 : i32
      %dma_start3A_93 = tpu.memref_slice %arg9[%add3A_88, %dma_start3A_92] : memref<80x128xi32, #tpu.memory_space<vmem>> -> memref<1x128xi32, #tpu.memory_space<vmem>>
      %dma_start3A_94 = tpu.memref_squeeze %dma_start3A_93 : memref<1x128xi32, #tpu.memory_space<vmem>> -> memref<128xi32, #tpu.memory_space<vmem>>
      %dma_start3A_95 = arith.constant 0 : i32
      %dma_start3A_96 = arith.constant 0 : i32
      %dma_start3A_97 = tpu.memref_slice %arg2[%dma_start3A_95, %dma_start3A_96] : memref<10000x16xf32, #tpu.memory_space<hbm>> -> memref<10000x16xf32, #tpu.memory_space<hbm>>
      tpu.enqueue_indirect_dma source(%dma_start3A_97 : memref<10000x16xf32, #tpu.memory_space<hbm>>) target(%dma_start3A_91 : memref<128x16xf32, #tpu.memory_space<vmem>>) offsets(%dma_start3A_94 : memref<128xi32, #tpu.memory_space<vmem>>) semaphore(%arg12 : memref<!tpu.dma_semaphore, #tpu.memory_space<semaphore_mem>>)
      %add3A_98 = arith.constant 7 : i32
      %add3A_99 = arith.addi %mul3A_21, %add3A_98 : i32
      %dma_start3A_100 = arith.constant 896 : i32
      %dma_start3A_101 = arith.constant 0 : i32
      %dma_start3A_102 = tpu.memref_slice %arg11[%dma_start3A_100, %dma_start3A_101] : memref<1024x16xf32, #tpu.memory_space<vmem>> -> memref<128x16xf32, #tpu.memory_space<vmem>>
      %dma_start3A_103 = arith.constant 0 : i32
      %dma_start3A_104 = tpu.memref_slice %arg9[%add3A_99, %dma_start3A_103] : memref<80x128xi32, #tpu.memory_space<vmem>> -> memref<1x128xi32, #tpu.memory_space<vmem>>
      %dma_start3A_105 = tpu.memref_squeeze %dma_start3A_104 : memref<1x128xi32, #tpu.memory_space<vmem>> -> memref<128xi32, #tpu.memory_space<vmem>>
      %dma_start3A_106 = arith.constant 0 : i32
      %dma_start3A_107 = arith.constant 0 : i32
      %dma_start3A_108 = tpu.memref_slice %arg2[%dma_start3A_106, %dma_start3A_107] : memref<10000x16xf32, #tpu.memory_space<hbm>> -> memref<10000x16xf32, #tpu.memory_space<hbm>>
      tpu.enqueue_indirect_dma source(%dma_start3A_108 : memref<10000x16xf32, #tpu.memory_space<hbm>>) target(%dma_start3A_102 : memref<128x16xf32, #tpu.memory_space<vmem>>) offsets(%dma_start3A_105 : memref<128xi32, #tpu.memory_space<vmem>>) semaphore(%arg12 : memref<!tpu.dma_semaphore, #tpu.memory_space<semaphore_mem>>)
      %dma_wait3A = arith.constant 0 : i32
      %dma_wait3A_109 = arith.constant 0 : i32
      %dma_wait3A_110 = tpu.memref_slice %arg11[%dma_wait3A, %dma_wait3A_109] : memref<1024x16xf32, #tpu.memory_space<vmem>> -> memref<128x16xf32, #tpu.memory_space<vmem>>
      %dma_wait3A_111 = arith.constant 0 : i32
      %dma_wait3A_112 = tpu.memref_slice %arg9[%add3A_23, %dma_wait3A_111] : memref<80x128xi32, #tpu.memory_space<vmem>> -> memref<1x128xi32, #tpu.memory_space<vmem>>
      %dma_wait3A_113 = tpu.memref_squeeze %dma_wait3A_112 : memref<1x128xi32, #tpu.memory_space<vmem>> -> memref<128xi32, #tpu.memory_space<vmem>>
      %dma_wait3A_114 = arith.constant 0 : i32
      %dma_wait3A_115 = arith.constant 0 : i32
      %dma_wait3A_116 = tpu.memref_slice %arg2[%dma_wait3A_114, %dma_wait3A_115] : memref<10000x16xf32, #tpu.memory_space<hbm>> -> memref<10000x16xf32, #tpu.memory_space<hbm>>
      tpu.wait_indirect_dma semaphore(%arg12 : memref<!tpu.dma_semaphore, #tpu.memory_space<semaphore_mem>>) src(%dma_wait3A_116 : memref<10000x16xf32, #tpu.memory_space<hbm>>) dst(%dma_wait3A_110 : memref<128x16xf32, #tpu.memory_space<vmem>>)
      %dma_wait3A_117 = arith.constant 128 : i32
      %dma_wait3A_118 = arith.constant 0 : i32
      %dma_wait3A_119 = tpu.memref_slice %arg11[%dma_wait3A_117, %dma_wait3A_118] : memref<1024x16xf32, #tpu.memory_space<vmem>> -> memref<128x16xf32, #tpu.memory_space<vmem>>
      %dma_wait3A_120 = arith.constant 0 : i32
      %dma_wait3A_121 = tpu.memref_slice %arg9[%add3A_33, %dma_wait3A_120] : memref<80x128xi32, #tpu.memory_space<vmem>> -> memref<1x128xi32, #tpu.memory_space<vmem>>
      %dma_wait3A_122 = tpu.memref_squeeze %dma_wait3A_121 : memref<1x128xi32, #tpu.memory_space<vmem>> -> memref<128xi32, #tpu.memory_space<vmem>>
      %dma_wait3A_123 = arith.constant 0 : i32
      %dma_wait3A_124 = arith.constant 0 : i32
      %dma_wait3A_125 = tpu.memref_slice %arg2[%dma_wait3A_123, %dma_wait3A_124] : memref<10000x16xf32, #tpu.memory_space<hbm>> -> memref<10000x16xf32, #tpu.memory_space<hbm>>
      tpu.wait_indirect_dma semaphore(%arg12 : memref<!tpu.dma_semaphore, #tpu.memory_space<semaphore_mem>>) src(%dma_wait3A_125 : memref<10000x16xf32, #tpu.memory_space<hbm>>) dst(%dma_wait3A_119 : memref<128x16xf32, #tpu.memory_space<vmem>>)
      %dma_wait3A_126 = arith.constant 256 : i32
      %dma_wait3A_127 = arith.constant 0 : i32
      %dma_wait3A_128 = tpu.memref_slice %arg11[%dma_wait3A_126, %dma_wait3A_127] : memref<1024x16xf32, #tpu.memory_space<vmem>> -> memref<128x16xf32, #tpu.memory_space<vmem>>
      %dma_wait3A_129 = arith.constant 0 : i32
      %dma_wait3A_130 = tpu.memref_slice %arg9[%add3A_44, %dma_wait3A_129] : memref<80x128xi32, #tpu.memory_space<vmem>> -> memref<1x128xi32, #tpu.memory_space<vmem>>
      %dma_wait3A_131 = tpu.memref_squeeze %dma_wait3A_130 : memref<1x128xi32, #tpu.memory_space<vmem>> -> memref<128xi32, #tpu.memory_space<vmem>>
      %dma_wait3A_132 = arith.constant 0 : i32
      %dma_wait3A_133 = arith.constant 0 : i32
      %dma_wait3A_134 = tpu.memref_slice %arg2[%dma_wait3A_132, %dma_wait3A_133] : memref<10000x16xf32, #tpu.memory_space<hbm>> -> memref<10000x16xf32, #tpu.memory_space<hbm>>
      tpu.wait_indirect_dma semaphore(%arg12 : memref<!tpu.dma_semaphore, #tpu.memory_space<semaphore_mem>>) src(%dma_wait3A_134 : memref<10000x16xf32, #tpu.memory_space<hbm>>) dst(%dma_wait3A_128 : memref<128x16xf32, #tpu.memory_space<vmem>>)
      %dma_wait3A_135 = arith.constant 384 : i32
      %dma_wait3A_136 = arith.constant 0 : i32
      %dma_wait3A_137 = tpu.memref_slice %arg11[%dma_wait3A_135, %dma_wait3A_136] : memref<1024x16xf32, #tpu.memory_space<vmem>> -> memref<128x16xf32, #tpu.memory_space<vmem>>
      %dma_wait3A_138 = arith.constant 0 : i32
      %dma_wait3A_139 = tpu.memref_slice %arg9[%add3A_55, %dma_wait3A_138] : memref<80x128xi32, #tpu.memory_space<vmem>> -> memref<1x128xi32, #tpu.memory_space<vmem>>
      %dma_wait3A_140 = tpu.memref_squeeze %dma_wait3A_139 : memref<1x128xi32, #tpu.memory_space<vmem>> -> memref<128xi32, #tpu.memory_space<vmem>>
      %dma_wait3A_141 = arith.constant 0 : i32
      %dma_wait3A_142 = arith.constant 0 : i32
      %dma_wait3A_143 = tpu.memref_slice %arg2[%dma_wait3A_141, %dma_wait3A_142] : memref<10000x16xf32, #tpu.memory_space<hbm>> -> memref<10000x16xf32, #tpu.memory_space<hbm>>
      tpu.wait_indirect_dma semaphore(%arg12 : memref<!tpu.dma_semaphore, #tpu.memory_space<semaphore_mem>>) src(%dma_wait3A_143 : memref<10000x16xf32, #tpu.memory_space<hbm>>) dst(%dma_wait3A_137 : memref<128x16xf32, #tpu.memory_space<vmem>>)
      %dma_wait3A_144 = arith.constant 512 : i32
      %dma_wait3A_145 = arith.constant 0 : i32
      %dma_wait3A_146 = tpu.memref_slice %arg11[%dma_wait3A_144, %dma_wait3A_145] : memref<1024x16xf32, #tpu.memory_space<vmem>> -> memref<128x16xf32, #tpu.memory_space<vmem>>
      %dma_wait3A_147 = arith.constant 0 : i32
      %dma_wait3A_148 = tpu.memref_slice %arg9[%add3A_66, %dma_wait3A_147] : memref<80x128xi32, #tpu.memory_space<vmem>> -> memref<1x128xi32, #tpu.memory_space<vmem>>
      %dma_wait3A_149 = tpu.memref_squeeze %dma_wait3A_148 : memref<1x128xi32, #tpu.memory_space<vmem>> -> memref<128xi32, #tpu.memory_space<vmem>>
      %dma_wait3A_150 = arith.constant 0 : i32
      %dma_wait3A_151 = arith.constant 0 : i32
      %dma_wait3A_152 = tpu.memref_slice %arg2[%dma_wait3A_150, %dma_wait3A_151] : memref<10000x16xf32, #tpu.memory_space<hbm>> -> memref<10000x16xf32, #tpu.memory_space<hbm>>
      tpu.wait_indirect_dma semaphore(%arg12 : memref<!tpu.dma_semaphore, #tpu.memory_space<semaphore_mem>>) src(%dma_wait3A_152 : memref<10000x16xf32, #tpu.memory_space<hbm>>) dst(%dma_wait3A_146 : memref<128x16xf32, #tpu.memory_space<vmem>>)
      %dma_wait3A_153 = arith.constant 640 : i32
      %dma_wait3A_154 = arith.constant 0 : i32
      %dma_wait3A_155 = tpu.memref_slice %arg11[%dma_wait3A_153, %dma_wait3A_154] : memref<1024x16xf32, #tpu.memory_space<vmem>> -> memref<128x16xf32, #tpu.memory_space<vmem>>
      %dma_wait3A_156 = arith.constant 0 : i32
      %dma_wait3A_157 = tpu.memref_slice %arg9[%add3A_77, %dma_wait3A_156] : memref<80x128xi32, #tpu.memory_space<vmem>> -> memref<1x128xi32, #tpu.memory_space<vmem>>
      %dma_wait3A_158 = tpu.memref_squeeze %dma_wait3A_157 : memref<1x128xi32, #tpu.memory_space<vmem>> -> memref<128xi32, #tpu.memory_space<vmem>>
      %dma_wait3A_159 = arith.constant 0 : i32
      %dma_wait3A_160 = arith.constant 0 : i32
      %dma_wait3A_161 = tpu.memref_slice %arg2[%dma_wait3A_159, %dma_wait3A_160] : memref<10000x16xf32, #tpu.memory_space<hbm>> -> memref<10000x16xf32, #tpu.memory_space<hbm>>
      tpu.wait_indirect_dma semaphore(%arg12 : memref<!tpu.dma_semaphore, #tpu.memory_space<semaphore_mem>>) src(%dma_wait3A_161 : memref<10000x16xf32, #tpu.memory_space<hbm>>) dst(%dma_wait3A_155 : memref<128x16xf32, #tpu.memory_space<vmem>>)
      %dma_wait3A_162 = arith.constant 768 : i32
      %dma_wait3A_163 = arith.constant 0 : i32
      %dma_wait3A_164 = tpu.memref_slice %arg11[%dma_wait3A_162, %dma_wait3A_163] : memref<1024x16xf32, #tpu.memory_space<vmem>> -> memref<128x16xf32, #tpu.memory_space<vmem>>
      %dma_wait3A_165 = arith.constant 0 : i32
      %dma_wait3A_166 = tpu.memref_slice %arg9[%add3A_88, %dma_wait3A_165] : memref<80x128xi32, #tpu.memory_space<vmem>> -> memref<1x128xi32, #tpu.memory_space<vmem>>
      %dma_wait3A_167 = tpu.memref_squeeze %dma_wait3A_166 : memref<1x128xi32, #tpu.memory_space<vmem>> -> memref<128xi32, #tpu.memory_space<vmem>>
      %dma_wait3A_168 = arith.constant 0 : i32
      %dma_wait3A_169 = arith.constant 0 : i32
      %dma_wait3A_170 = tpu.memref_slice %arg2[%dma_wait3A_168, %dma_wait3A_169] : memref<10000x16xf32, #tpu.memory_space<hbm>> -> memref<10000x16xf32, #tpu.memory_space<hbm>>
      tpu.wait_indirect_dma semaphore(%arg12 : memref<!tpu.dma_semaphore, #tpu.memory_space<semaphore_mem>>) src(%dma_wait3A_170 : memref<10000x16xf32, #tpu.memory_space<hbm>>) dst(%dma_wait3A_164 : memref<128x16xf32, #tpu.memory_space<vmem>>)
      %dma_wait3A_171 = arith.constant 896 : i32
      %dma_wait3A_172 = arith.constant 0 : i32
      %dma_wait3A_173 = tpu.memref_slice %arg11[%dma_wait3A_171, %dma_wait3A_172] : memref<1024x16xf32, #tpu.memory_space<vmem>> -> memref<128x16xf32, #tpu.memory_space<vmem>>
      %dma_wait3A_174 = arith.constant 0 : i32
      %dma_wait3A_175 = tpu.memref_slice %arg9[%add3A_99, %dma_wait3A_174] : memref<80x128xi32, #tpu.memory_space<vmem>> -> memref<1x128xi32, #tpu.memory_space<vmem>>
      %dma_wait3A_176 = tpu.memref_squeeze %dma_wait3A_175 : memref<1x128xi32, #tpu.memory_space<vmem>> -> memref<128xi32, #tpu.memory_space<vmem>>
      %dma_wait3A_177 = arith.constant 0 : i32
      %dma_wait3A_178 = arith.constant 0 : i32
      %dma_wait3A_179 = tpu.memref_slice %arg2[%dma_wait3A_177, %dma_wait3A_178] : memref<10000x16xf32, #tpu.memory_space<hbm>> -> memref<10000x16xf32, #tpu.memory_space<hbm>>
      tpu.wait_indirect_dma semaphore(%arg12 : memref<!tpu.dma_semaphore, #tpu.memory_space<semaphore_mem>>) src(%dma_wait3A_179 : memref<10000x16xf32, #tpu.memory_space<hbm>>) dst(%dma_wait3A_173 : memref<128x16xf32, #tpu.memory_space<vmem>>)
      %add3A_180 = arith.constant 0 : i32
      %add3A_181 = arith.addi %mul3A_21, %add3A_180 : i32
      %dma_start3A_182 = arith.constant 0 : i32
      %dma_start3A_183 = arith.constant 0 : i32
      %dma_start3A_184 = tpu.memref_slice %arg11[%dma_start3A_182, %dma_start3A_183] : memref<1024x16xf32, #tpu.memory_space<vmem>> -> memref<128x16xf32, #tpu.memory_space<vmem>>
      %dma_start3A_185 = arith.constant 0 : i32
      %dma_start3A_186 = tpu.memref_slice %arg10[%add3A_181, %dma_start3A_185] : memref<80x128xi32, #tpu.memory_space<vmem>> -> memref<1x128xi32, #tpu.memory_space<vmem>>
      %dma_start3A_187 = tpu.memref_squeeze %dma_start3A_186 : memref<1x128xi32, #tpu.memory_space<vmem>> -> memref<128xi32, #tpu.memory_space<vmem>>
      %dma_start3A_188 = arith.constant 0 : i32
      %dma_start3A_189 = arith.constant 0 : i32
      %dma_start3A_190 = tpu.memref_slice %arg8[%dma_start3A_188, %dma_start3A_189] : memref<10112x16xf32, #tpu.memory_space<vmem_shared>> -> memref<10112x16xf32, #tpu.memory_space<vmem_shared>>
      tpu.enqueue_indirect_dma source(%dma_start3A_184 : memref<128x16xf32, #tpu.memory_space<vmem>>) target(%dma_start3A_190 : memref<10112x16xf32, #tpu.memory_space<vmem_shared>>) offsets(%dma_start3A_187 : memref<128xi32, #tpu.memory_space<vmem>>) semaphore(%arg13 : memref<!tpu.dma_semaphore, #tpu.memory_space<semaphore_mem>>) {add = true}
      %add3A_191 = arith.constant 1 : i32
      %add3A_192 = arith.addi %mul3A_21, %add3A_191 : i32
      %dma_start3A_193 = arith.constant 128 : i32
      %dma_start3A_194 = arith.constant 0 : i32
      %dma_start3A_195 = tpu.memref_slice %arg11[%dma_start3A_193, %dma_start3A_194] : memref<1024x16xf32, #tpu.memory_space<vmem>> -> memref<128x16xf32, #tpu.memory_space<vmem>>
      %dma_start3A_196 = arith.constant 0 : i32
      %dma_start3A_197 = tpu.memref_slice %arg10[%add3A_192, %dma_start3A_196] : memref<80x128xi32, #tpu.memory_space<vmem>> -> memref<1x128xi32, #tpu.memory_space<vmem>>
      %dma_start3A_198 = tpu.memref_squeeze %dma_start3A_197 : memref<1x128xi32, #tpu.memory_space<vmem>> -> memref<128xi32, #tpu.memory_space<vmem>>
      %dma_start3A_199 = arith.constant 0 : i32
      %dma_start3A_200 = arith.constant 0 : i32
      %dma_start3A_201 = tpu.memref_slice %arg8[%dma_start3A_199, %dma_start3A_200] : memref<10112x16xf32, #tpu.memory_space<vmem_shared>> -> memref<10112x16xf32, #tpu.memory_space<vmem_shared>>
      tpu.enqueue_indirect_dma source(%dma_start3A_195 : memref<128x16xf32, #tpu.memory_space<vmem>>) target(%dma_start3A_201 : memref<10112x16xf32, #tpu.memory_space<vmem_shared>>) offsets(%dma_start3A_198 : memref<128xi32, #tpu.memory_space<vmem>>) semaphore(%arg13 : memref<!tpu.dma_semaphore, #tpu.memory_space<semaphore_mem>>) {add = true}
      %add3A_202 = arith.constant 2 : i32
      %add3A_203 = arith.addi %mul3A_21, %add3A_202 : i32
      %dma_start3A_204 = arith.constant 256 : i32
      %dma_start3A_205 = arith.constant 0 : i32
      %dma_start3A_206 = tpu.memref_slice %arg11[%dma_start3A_204, %dma_start3A_205] : memref<1024x16xf32, #tpu.memory_space<vmem>> -> memref<128x16xf32, #tpu.memory_space<vmem>>
      %dma_start3A_207 = arith.constant 0 : i32
      %dma_start3A_208 = tpu.memref_slice %arg10[%add3A_203, %dma_start3A_207] : memref<80x128xi32, #tpu.memory_space<vmem>> -> memref<1x128xi32, #tpu.memory_space<vmem>>
      %dma_start3A_209 = tpu.memref_squeeze %dma_start3A_208 : memref<1x128xi32, #tpu.memory_space<vmem>> -> memref<128xi32, #tpu.memory_space<vmem>>
      %dma_start3A_210 = arith.constant 0 : i32
      %dma_start3A_211 = arith.constant 0 : i32
      %dma_start3A_212 = tpu.memref_slice %arg8[%dma_start3A_210, %dma_start3A_211] : memref<10112x16xf32, #tpu.memory_space<vmem_shared>> -> memref<10112x16xf32, #tpu.memory_space<vmem_shared>>
      tpu.enqueue_indirect_dma source(%dma_start3A_206 : memref<128x16xf32, #tpu.memory_space<vmem>>) target(%dma_start3A_212 : memref<10112x16xf32, #tpu.memory_space<vmem_shared>>) offsets(%dma_start3A_209 : memref<128xi32, #tpu.memory_space<vmem>>) semaphore(%arg13 : memref<!tpu.dma_semaphore, #tpu.memory_space<semaphore_mem>>) {add = true}
      %add3A_213 = arith.constant 3 : i32
      %add3A_214 = arith.addi %mul3A_21, %add3A_213 : i32
      %dma_start3A_215 = arith.constant 384 : i32
      %dma_start3A_216 = arith.constant 0 : i32
      %dma_start3A_217 = tpu.memref_slice %arg11[%dma_start3A_215, %dma_start3A_216] : memref<1024x16xf32, #tpu.memory_space<vmem>> -> memref<128x16xf32, #tpu.memory_space<vmem>>
      %dma_start3A_218 = arith.constant 0 : i32
      %dma_start3A_219 = tpu.memref_slice %arg10[%add3A_214, %dma_start3A_218] : memref<80x128xi32, #tpu.memory_space<vmem>> -> memref<1x128xi32, #tpu.memory_space<vmem>>
      %dma_start3A_220 = tpu.memref_squeeze %dma_start3A_219 : memref<1x128xi32, #tpu.memory_space<vmem>> -> memref<128xi32, #tpu.memory_space<vmem>>
      %dma_start3A_221 = arith.constant 0 : i32
      %dma_start3A_222 = arith.constant 0 : i32
      %dma_start3A_223 = tpu.memref_slice %arg8[%dma_start3A_221, %dma_start3A_222] : memref<10112x16xf32, #tpu.memory_space<vmem_shared>> -> memref<10112x16xf32, #tpu.memory_space<vmem_shared>>
      tpu.enqueue_indirect_dma source(%dma_start3A_217 : memref<128x16xf32, #tpu.memory_space<vmem>>) target(%dma_start3A_223 : memref<10112x16xf32, #tpu.memory_space<vmem_shared>>) offsets(%dma_start3A_220 : memref<128xi32, #tpu.memory_space<vmem>>) semaphore(%arg13 : memref<!tpu.dma_semaphore, #tpu.memory_space<semaphore_mem>>) {add = true}
      %add3A_224 = arith.constant 4 : i32
      %add3A_225 = arith.addi %mul3A_21, %add3A_224 : i32
      %dma_start3A_226 = arith.constant 512 : i32
      %dma_start3A_227 = arith.constant 0 : i32
      %dma_start3A_228 = tpu.memref_slice %arg11[%dma_start3A_226, %dma_start3A_227] : memref<1024x16xf32, #tpu.memory_space<vmem>> -> memref<128x16xf32, #tpu.memory_space<vmem>>
      %dma_start3A_229 = arith.constant 0 : i32
      %dma_start3A_230 = tpu.memref_slice %arg10[%add3A_225, %dma_start3A_229] : memref<80x128xi32, #tpu.memory_space<vmem>> -> memref<1x128xi32, #tpu.memory_space<vmem>>
      %dma_start3A_231 = tpu.memref_squeeze %dma_start3A_230 : memref<1x128xi32, #tpu.memory_space<vmem>> -> memref<128xi32, #tpu.memory_space<vmem>>
      %dma_start3A_232 = arith.constant 0 : i32
      %dma_start3A_233 = arith.constant 0 : i32
      %dma_start3A_234 = tpu.memref_slice %arg8[%dma_start3A_232, %dma_start3A_233] : memref<10112x16xf32, #tpu.memory_space<vmem_shared>> -> memref<10112x16xf32, #tpu.memory_space<vmem_shared>>
      tpu.enqueue_indirect_dma source(%dma_start3A_228 : memref<128x16xf32, #tpu.memory_space<vmem>>) target(%dma_start3A_234 : memref<10112x16xf32, #tpu.memory_space<vmem_shared>>) offsets(%dma_start3A_231 : memref<128xi32, #tpu.memory_space<vmem>>) semaphore(%arg13 : memref<!tpu.dma_semaphore, #tpu.memory_space<semaphore_mem>>) {add = true}
      %add3A_235 = arith.constant 5 : i32
      %add3A_236 = arith.addi %mul3A_21, %add3A_235 : i32
      %dma_start3A_237 = arith.constant 640 : i32
      %dma_start3A_238 = arith.constant 0 : i32
      %dma_start3A_239 = tpu.memref_slice %arg11[%dma_start3A_237, %dma_start3A_238] : memref<1024x16xf32, #tpu.memory_space<vmem>> -> memref<128x16xf32, #tpu.memory_space<vmem>>
      %dma_start3A_240 = arith.constant 0 : i32
      %dma_start3A_241 = tpu.memref_slice %arg10[%add3A_236, %dma_start3A_240] : memref<80x128xi32, #tpu.memory_space<vmem>> -> memref<1x128xi32, #tpu.memory_space<vmem>>
      %dma_start3A_242 = tpu.memref_squeeze %dma_start3A_241 : memref<1x128xi32, #tpu.memory_space<vmem>> -> memref<128xi32, #tpu.memory_space<vmem>>
      %dma_start3A_243 = arith.constant 0 : i32
      %dma_start3A_244 = arith.constant 0 : i32
      %dma_start3A_245 = tpu.memref_slice %arg8[%dma_start3A_243, %dma_start3A_244] : memref<10112x16xf32, #tpu.memory_space<vmem_shared>> -> memref<10112x16xf32, #tpu.memory_space<vmem_shared>>
      tpu.enqueue_indirect_dma source(%dma_start3A_239 : memref<128x16xf32, #tpu.memory_space<vmem>>) target(%dma_start3A_245 : memref<10112x16xf32, #tpu.memory_space<vmem_shared>>) offsets(%dma_start3A_242 : memref<128xi32, #tpu.memory_space<vmem>>) semaphore(%arg13 : memref<!tpu.dma_semaphore, #tpu.memory_space<semaphore_mem>>) {add = true}
      %add3A_246 = arith.constant 6 : i32
      %add3A_247 = arith.addi %mul3A_21, %add3A_246 : i32
      %dma_start3A_248 = arith.constant 768 : i32
      %dma_start3A_249 = arith.constant 0 : i32
      %dma_start3A_250 = tpu.memref_slice %arg11[%dma_start3A_248, %dma_start3A_249] : memref<1024x16xf32, #tpu.memory_space<vmem>> -> memref<128x16xf32, #tpu.memory_space<vmem>>
      %dma_start3A_251 = arith.constant 0 : i32
      %dma_start3A_252 = tpu.memref_slice %arg10[%add3A_247, %dma_start3A_251] : memref<80x128xi32, #tpu.memory_space<vmem>> -> memref<1x128xi32, #tpu.memory_space<vmem>>
      %dma_start3A_253 = tpu.memref_squeeze %dma_start3A_252 : memref<1x128xi32, #tpu.memory_space<vmem>> -> memref<128xi32, #tpu.memory_space<vmem>>
      %dma_start3A_254 = arith.constant 0 : i32
      %dma_start3A_255 = arith.constant 0 : i32
      %dma_start3A_256 = tpu.memref_slice %arg8[%dma_start3A_254, %dma_start3A_255] : memref<10112x16xf32, #tpu.memory_space<vmem_shared>> -> memref<10112x16xf32, #tpu.memory_space<vmem_shared>>
      tpu.enqueue_indirect_dma source(%dma_start3A_250 : memref<128x16xf32, #tpu.memory_space<vmem>>) target(%dma_start3A_256 : memref<10112x16xf32, #tpu.memory_space<vmem_shared>>) offsets(%dma_start3A_253 : memref<128xi32, #tpu.memory_space<vmem>>) semaphore(%arg13 : memref<!tpu.dma_semaphore, #tpu.memory_space<semaphore_mem>>) {add = true}
      %add3A_257 = arith.constant 7 : i32
      %add3A_258 = arith.addi %mul3A_21, %add3A_257 : i32
      %dma_start3A_259 = arith.constant 896 : i32
      %dma_start3A_260 = arith.constant 0 : i32
      %dma_start3A_261 = tpu.memref_slice %arg11[%dma_start3A_259, %dma_start3A_260] : memref<1024x16xf32, #tpu.memory_space<vmem>> -> memref<128x16xf32, #tpu.memory_space<vmem>>
      %dma_start3A_262 = arith.constant 0 : i32
      %dma_start3A_263 = tpu.memref_slice %arg10[%add3A_258, %dma_start3A_262] : memref<80x128xi32, #tpu.memory_space<vmem>> -> memref<1x128xi32, #tpu.memory_space<vmem>>
      %dma_start3A_264 = tpu.memref_squeeze %dma_start3A_263 : memref<1x128xi32, #tpu.memory_space<vmem>> -> memref<128xi32, #tpu.memory_space<vmem>>
      %dma_start3A_265 = arith.constant 0 : i32
      %dma_start3A_266 = arith.constant 0 : i32
      %dma_start3A_267 = tpu.memref_slice %arg8[%dma_start3A_265, %dma_start3A_266] : memref<10112x16xf32, #tpu.memory_space<vmem_shared>> -> memref<10112x16xf32, #tpu.memory_space<vmem_shared>>
      tpu.enqueue_indirect_dma source(%dma_start3A_261 : memref<128x16xf32, #tpu.memory_space<vmem>>) target(%dma_start3A_267 : memref<10112x16xf32, #tpu.memory_space<vmem_shared>>) offsets(%dma_start3A_264 : memref<128xi32, #tpu.memory_space<vmem>>) semaphore(%arg13 : memref<!tpu.dma_semaphore, #tpu.memory_space<semaphore_mem>>) {add = true}
      %dma_wait3A_268 = arith.constant 0 : i32
      %dma_wait3A_269 = arith.constant 0 : i32
      %dma_wait3A_270 = tpu.memref_slice %arg11[%dma_wait3A_268, %dma_wait3A_269] : memref<1024x16xf32, #tpu.memory_space<vmem>> -> memref<128x16xf32, #tpu.memory_space<vmem>>
      %dma_wait3A_271 = arith.constant 0 : i32
      %dma_wait3A_272 = tpu.memref_slice %arg10[%add3A_181, %dma_wait3A_271] : memref<80x128xi32, #tpu.memory_space<vmem>> -> memref<1x128xi32, #tpu.memory_space<vmem>>
      %dma_wait3A_273 = tpu.memref_squeeze %dma_wait3A_272 : memref<1x128xi32, #tpu.memory_space<vmem>> -> memref<128xi32, #tpu.memory_space<vmem>>
      %dma_wait3A_274 = arith.constant 0 : i32
      %dma_wait3A_275 = arith.constant 0 : i32
      %dma_wait3A_276 = tpu.memref_slice %arg8[%dma_wait3A_274, %dma_wait3A_275] : memref<10112x16xf32, #tpu.memory_space<vmem_shared>> -> memref<10112x16xf32, #tpu.memory_space<vmem_shared>>
      tpu.wait_indirect_dma semaphore(%arg13 : memref<!tpu.dma_semaphore, #tpu.memory_space<semaphore_mem>>) src(%dma_wait3A_270 : memref<128x16xf32, #tpu.memory_space<vmem>>) dst(%dma_wait3A_276 : memref<10112x16xf32, #tpu.memory_space<vmem_shared>>)
      %dma_wait3A_277 = arith.constant 128 : i32
      %dma_wait3A_278 = arith.constant 0 : i32
      %dma_wait3A_279 = tpu.memref_slice %arg11[%dma_wait3A_277, %dma_wait3A_278] : memref<1024x16xf32, #tpu.memory_space<vmem>> -> memref<128x16xf32, #tpu.memory_space<vmem>>
      %dma_wait3A_280 = arith.constant 0 : i32
      %dma_wait3A_281 = tpu.memref_slice %arg10[%add3A_192, %dma_wait3A_280] : memref<80x128xi32, #tpu.memory_space<vmem>> -> memref<1x128xi32, #tpu.memory_space<vmem>>
      %dma_wait3A_282 = tpu.memref_squeeze %dma_wait3A_281 : memref<1x128xi32, #tpu.memory_space<vmem>> -> memref<128xi32, #tpu.memory_space<vmem>>
      %dma_wait3A_283 = arith.constant 0 : i32
      %dma_wait3A_284 = arith.constant 0 : i32
      %dma_wait3A_285 = tpu.memref_slice %arg8[%dma_wait3A_283, %dma_wait3A_284] : memref<10112x16xf32, #tpu.memory_space<vmem_shared>> -> memref<10112x16xf32, #tpu.memory_space<vmem_shared>>
      tpu.wait_indirect_dma semaphore(%arg13 : memref<!tpu.dma_semaphore, #tpu.memory_space<semaphore_mem>>) src(%dma_wait3A_279 : memref<128x16xf32, #tpu.memory_space<vmem>>) dst(%dma_wait3A_285 : memref<10112x16xf32, #tpu.memory_space<vmem_shared>>)
      %dma_wait3A_286 = arith.constant 256 : i32
      %dma_wait3A_287 = arith.constant 0 : i32
      %dma_wait3A_288 = tpu.memref_slice %arg11[%dma_wait3A_286, %dma_wait3A_287] : memref<1024x16xf32, #tpu.memory_space<vmem>> -> memref<128x16xf32, #tpu.memory_space<vmem>>
      %dma_wait3A_289 = arith.constant 0 : i32
      %dma_wait3A_290 = tpu.memref_slice %arg10[%add3A_203, %dma_wait3A_289] : memref<80x128xi32, #tpu.memory_space<vmem>> -> memref<1x128xi32, #tpu.memory_space<vmem>>
      %dma_wait3A_291 = tpu.memref_squeeze %dma_wait3A_290 : memref<1x128xi32, #tpu.memory_space<vmem>> -> memref<128xi32, #tpu.memory_space<vmem>>
      %dma_wait3A_292 = arith.constant 0 : i32
      %dma_wait3A_293 = arith.constant 0 : i32
      %dma_wait3A_294 = tpu.memref_slice %arg8[%dma_wait3A_292, %dma_wait3A_293] : memref<10112x16xf32, #tpu.memory_space<vmem_shared>> -> memref<10112x16xf32, #tpu.memory_space<vmem_shared>>
      tpu.wait_indirect_dma semaphore(%arg13 : memref<!tpu.dma_semaphore, #tpu.memory_space<semaphore_mem>>) src(%dma_wait3A_288 : memref<128x16xf32, #tpu.memory_space<vmem>>) dst(%dma_wait3A_294 : memref<10112x16xf32, #tpu.memory_space<vmem_shared>>)
      %dma_wait3A_295 = arith.constant 384 : i32
      %dma_wait3A_296 = arith.constant 0 : i32
      %dma_wait3A_297 = tpu.memref_slice %arg11[%dma_wait3A_295, %dma_wait3A_296] : memref<1024x16xf32, #tpu.memory_space<vmem>> -> memref<128x16xf32, #tpu.memory_space<vmem>>
      %dma_wait3A_298 = arith.constant 0 : i32
      %dma_wait3A_299 = tpu.memref_slice %arg10[%add3A_214, %dma_wait3A_298] : memref<80x128xi32, #tpu.memory_space<vmem>> -> memref<1x128xi32, #tpu.memory_space<vmem>>
      %dma_wait3A_300 = tpu.memref_squeeze %dma_wait3A_299 : memref<1x128xi32, #tpu.memory_space<vmem>> -> memref<128xi32, #tpu.memory_space<vmem>>
      %dma_wait3A_301 = arith.constant 0 : i32
      %dma_wait3A_302 = arith.constant 0 : i32
      %dma_wait3A_303 = tpu.memref_slice %arg8[%dma_wait3A_301, %dma_wait3A_302] : memref<10112x16xf32, #tpu.memory_space<vmem_shared>> -> memref<10112x16xf32, #tpu.memory_space<vmem_shared>>
      tpu.wait_indirect_dma semaphore(%arg13 : memref<!tpu.dma_semaphore, #tpu.memory_space<semaphore_mem>>) src(%dma_wait3A_297 : memref<128x16xf32, #tpu.memory_space<vmem>>) dst(%dma_wait3A_303 : memref<10112x16xf32, #tpu.memory_space<vmem_shared>>)
      %dma_wait3A_304 = arith.constant 512 : i32
      %dma_wait3A_305 = arith.constant 0 : i32
      %dma_wait3A_306 = tpu.memref_slice %arg11[%dma_wait3A_304, %dma_wait3A_305] : memref<1024x16xf32, #tpu.memory_space<vmem>> -> memref<128x16xf32, #tpu.memory_space<vmem>>
      %dma_wait3A_307 = arith.constant 0 : i32
      %dma_wait3A_308 = tpu.memref_slice %arg10[%add3A_225, %dma_wait3A_307] : memref<80x128xi32, #tpu.memory_space<vmem>> -> memref<1x128xi32, #tpu.memory_space<vmem>>
      %dma_wait3A_309 = tpu.memref_squeeze %dma_wait3A_308 : memref<1x128xi32, #tpu.memory_space<vmem>> -> memref<128xi32, #tpu.memory_space<vmem>>
      %dma_wait3A_310 = arith.constant 0 : i32
      %dma_wait3A_311 = arith.constant 0 : i32
      %dma_wait3A_312 = tpu.memref_slice %arg8[%dma_wait3A_310, %dma_wait3A_311] : memref<10112x16xf32, #tpu.memory_space<vmem_shared>> -> memref<10112x16xf32, #tpu.memory_space<vmem_shared>>
      tpu.wait_indirect_dma semaphore(%arg13 : memref<!tpu.dma_semaphore, #tpu.memory_space<semaphore_mem>>) src(%dma_wait3A_306 : memref<128x16xf32, #tpu.memory_space<vmem>>) dst(%dma_wait3A_312 : memref<10112x16xf32, #tpu.memory_space<vmem_shared>>)
      %dma_wait3A_313 = arith.constant 640 : i32
      %dma_wait3A_314 = arith.constant 0 : i32
      %dma_wait3A_315 = tpu.memref_slice %arg11[%dma_wait3A_313, %dma_wait3A_314] : memref<1024x16xf32, #tpu.memory_space<vmem>> -> memref<128x16xf32, #tpu.memory_space<vmem>>
      %dma_wait3A_316 = arith.constant 0 : i32
      %dma_wait3A_317 = tpu.memref_slice %arg10[%add3A_236, %dma_wait3A_316] : memref<80x128xi32, #tpu.memory_space<vmem>> -> memref<1x128xi32, #tpu.memory_space<vmem>>
      %dma_wait3A_318 = tpu.memref_squeeze %dma_wait3A_317 : memref<1x128xi32, #tpu.memory_space<vmem>> -> memref<128xi32, #tpu.memory_space<vmem>>
      %dma_wait3A_319 = arith.constant 0 : i32
      %dma_wait3A_320 = arith.constant 0 : i32
      %dma_wait3A_321 = tpu.memref_slice %arg8[%dma_wait3A_319, %dma_wait3A_320] : memref<10112x16xf32, #tpu.memory_space<vmem_shared>> -> memref<10112x16xf32, #tpu.memory_space<vmem_shared>>
      tpu.wait_indirect_dma semaphore(%arg13 : memref<!tpu.dma_semaphore, #tpu.memory_space<semaphore_mem>>) src(%dma_wait3A_315 : memref<128x16xf32, #tpu.memory_space<vmem>>) dst(%dma_wait3A_321 : memref<10112x16xf32, #tpu.memory_space<vmem_shared>>)
      %dma_wait3A_322 = arith.constant 768 : i32
      %dma_wait3A_323 = arith.constant 0 : i32
      %dma_wait3A_324 = tpu.memref_slice %arg11[%dma_wait3A_322, %dma_wait3A_323] : memref<1024x16xf32, #tpu.memory_space<vmem>> -> memref<128x16xf32, #tpu.memory_space<vmem>>
      %dma_wait3A_325 = arith.constant 0 : i32
      %dma_wait3A_326 = tpu.memref_slice %arg10[%add3A_247, %dma_wait3A_325] : memref<80x128xi32, #tpu.memory_space<vmem>> -> memref<1x128xi32, #tpu.memory_space<vmem>>
      %dma_wait3A_327 = tpu.memref_squeeze %dma_wait3A_326 : memref<1x128xi32, #tpu.memory_space<vmem>> -> memref<128xi32, #tpu.memory_space<vmem>>
      %dma_wait3A_328 = arith.constant 0 : i32
      %dma_wait3A_329 = arith.constant 0 : i32
      %dma_wait3A_330 = tpu.memref_slice %arg8[%dma_wait3A_328, %dma_wait3A_329] : memref<10112x16xf32, #tpu.memory_space<vmem_shared>> -> memref<10112x16xf32, #tpu.memory_space<vmem_shared>>
      tpu.wait_indirect_dma semaphore(%arg13 : memref<!tpu.dma_semaphore, #tpu.memory_space<semaphore_mem>>) src(%dma_wait3A_324 : memref<128x16xf32, #tpu.memory_space<vmem>>) dst(%dma_wait3A_330 : memref<10112x16xf32, #tpu.memory_space<vmem_shared>>)
      %dma_wait3A_331 = arith.constant 896 : i32
      %dma_wait3A_332 = arith.constant 0 : i32
      %dma_wait3A_333 = tpu.memref_slice %arg11[%dma_wait3A_331, %dma_wait3A_332] : memref<1024x16xf32, #tpu.memory_space<vmem>> -> memref<128x16xf32, #tpu.memory_space<vmem>>
      %dma_wait3A_334 = arith.constant 0 : i32
      %dma_wait3A_335 = tpu.memref_slice %arg10[%add3A_258, %dma_wait3A_334] : memref<80x128xi32, #tpu.memory_space<vmem>> -> memref<1x128xi32, #tpu.memory_space<vmem>>
      %dma_wait3A_336 = tpu.memref_squeeze %dma_wait3A_335 : memref<1x128xi32, #tpu.memory_space<vmem>> -> memref<128xi32, #tpu.memory_space<vmem>>
      %dma_wait3A_337 = arith.constant 0 : i32
      %dma_wait3A_338 = arith.constant 0 : i32
      %dma_wait3A_339 = tpu.memref_slice %arg8[%dma_wait3A_337, %dma_wait3A_338] : memref<10112x16xf32, #tpu.memory_space<vmem_shared>> -> memref<10112x16xf32, #tpu.memory_space<vmem_shared>>
      tpu.wait_indirect_dma semaphore(%arg13 : memref<!tpu.dma_semaphore, #tpu.memory_space<semaphore_mem>>) src(%dma_wait3A_333 : memref<128x16xf32, #tpu.memory_space<vmem>>) dst(%dma_wait3A_339 : memref<10112x16xf32, #tpu.memory_space<vmem_shared>>)
    }
    %scan3A_13 = arith.constant 10 : i32
    %barrier3A_14 = arith.constant 0 : index
    tpu.barrier barrier_id(%barrier3A_14)
    %mul3A_15 = arith.constant 632 : i32
    %mul3A_16 = arith.muli %arg1, %mul3A_15 : i32
    %mul3A_17 = arith.constant 632 : i32
    %mul3A_18 = arith.muli %arg1, %mul3A_17 : i32
    "tpu.region"() ({
      %run_scoped3A = tpu.sem_alloc : memref<!tpu.dma_semaphore, #tpu.memory_space<semaphore_mem>>
      %dma_start3A = arith.constant 0 : i32
      %dma_start3A_19 = arith.constant 0 : i32
      %dma_start3A_20 = tpu.memref_slice %arg7[%arg0, %dma_start3A, %dma_start3A_19] : memref<2x10112x16xf32, #tpu.memory_space<hbm>> -> memref<1x10112x16xf32, #tpu.memory_space<hbm>>
      %dma_start3A_21 = tpu.memref_squeeze %dma_start3A_20 : memref<1x10112x16xf32, #tpu.memory_space<hbm>> -> memref<10112x16xf32, #tpu.memory_space<hbm>>
      %dma_start3A_22 = arith.constant 0 : i32
      %dma_start3A_23 = tpu.memref_slice %dma_start3A_21[%mul3A_18, %dma_start3A_22] : memref<10112x16xf32, #tpu.memory_space<hbm>> -> memref<632x16xf32, #tpu.memory_space<hbm>>
      %dma_start3A_24 = arith.constant 0 : i32
      %dma_start3A_25 = tpu.memref_slice %arg8[%mul3A_16, %dma_start3A_24] : memref<10112x16xf32, #tpu.memory_space<vmem_shared>> -> memref<632x16xf32, #tpu.memory_space<vmem_shared>>
      tpu.enqueue_dma source(%dma_start3A_25 : memref<632x16xf32, #tpu.memory_space<vmem_shared>>) target(%dma_start3A_23 : memref<632x16xf32, #tpu.memory_space<hbm>>) target_semaphore(%run_scoped3A : memref<!tpu.dma_semaphore, #tpu.memory_space<semaphore_mem>>)
      %dma_wait3A = arith.constant 0 : i32
      %dma_wait3A_26 = arith.constant 0 : i32
      %dma_wait3A_27 = tpu.memref_slice %arg7[%arg0, %dma_wait3A, %dma_wait3A_26] : memref<2x10112x16xf32, #tpu.memory_space<hbm>> -> memref<1x10112x16xf32, #tpu.memory_space<hbm>>
      %dma_wait3A_28 = tpu.memref_squeeze %dma_wait3A_27 : memref<1x10112x16xf32, #tpu.memory_space<hbm>> -> memref<10112x16xf32, #tpu.memory_space<hbm>>
      %dma_wait3A_29 = arith.constant 0 : i32
      %dma_wait3A_30 = tpu.memref_slice %dma_wait3A_28[%mul3A_18, %dma_wait3A_29] : memref<10112x16xf32, #tpu.memory_space<hbm>> -> memref<632x16xf32, #tpu.memory_space<hbm>>
      %dma_wait3A_31 = arith.constant 0 : i32
      %dma_wait3A_32 = tpu.memref_slice %arg8[%mul3A_16, %dma_wait3A_31] : memref<10112x16xf32, #tpu.memory_space<vmem_shared>> -> memref<632x16xf32, #tpu.memory_space<vmem_shared>>
      tpu.wait_dma2 semaphore(%run_scoped3A : memref<!tpu.dma_semaphore, #tpu.memory_space<semaphore_mem>>) src(%dma_wait3A_32 : memref<632x16xf32, #tpu.memory_space<vmem_shared>>) dst(%dma_wait3A_30 : memref<632x16xf32, #tpu.memory_space<hbm>>)
      tpu.yield
    }) : () -> ()
    return
  }
}

#map = affine_map<(d0, d1) -> (0, 0)>
#map1 = affine_map<(d0, d1) -> (0, 0, 0)>
module attributes {stable_mosaic.version = 14 : i64} {
  func.func @body(%arg0: i32, %arg1: i32, %arg2: memref<10000x16xf32, #tpu.memory_space<hbm>>, %arg3: memref<2560x128xi32, #tpu.memory_space<hbm>>, %arg4: memref<2560x128xi32, #tpu.memory_space<hbm>>, %arg5: memref<10112x16xf32, #tpu.memory_space<hbm>>, %arg6: memref<128x16xf32, #tpu.memory_space<hbm>>, %arg7: memref<2x10112x16xf32, #tpu.memory_space<hbm>>, %arg8: memref<2x10112x16xf32, #tpu.memory_space<hbm>>, %arg9: memref<10112x16xf32, #tpu.memory_space<vmem_shared>>, %arg10: memref<10112x16xf32, #tpu.memory_space<vmem_shared>>, %arg11: memref<80x128xi32, #tpu.memory_space<vmem>>, %arg12: memref<80x128xi32, #tpu.memory_space<vmem>>, %arg13: memref<1024x16xf32, #tpu.memory_space<vmem>>, %arg14: memref<128x16xf32, #tpu.memory_space<vmem>>, %arg15: memref<!tpu.dma_semaphore, #tpu.memory_space<semaphore_mem>>, %arg16: memref<!tpu.dma_semaphore, #tpu.memory_space<semaphore_mem>>, %arg17: memref<!tpu.dma_semaphore, #tpu.memory_space<semaphore_mem>>) attributes {dimension_semantics = [#tpu.dimension_semantics<core_parallel>, #tpu.dimension_semantics<subcore_parallel>], iteration_bounds = array<i64: 2, 16>, scalar_prefetch = 0 : i64, scratch_operands = 9 : i64, tpu.core_type = #tpu.core_type<sc_vector_subcore>, window_params = [{transform_indices = #map}, {transform_indices = #map}, {transform_indices = #map}, {transform_indices = #map}, {transform_indices = #map}, {transform_indices = #map1}, {transform_indices = #map1}]} {
    %mul3A = arith.constant 2 : i32
    %mul3A_0 = arith.muli %arg1, %mul3A : i32
    %add3A = arith.addi %mul3A_0, %arg0 : i32
    %mul3A_1 = arith.constant 632 : i32
    %mul3A_2 = arith.muli %arg1, %mul3A_1 : i32
    %mul3A_3 = arith.constant 632 : i32
    %mul3A_4 = arith.muli %arg1, %mul3A_3 : i32
    "tpu.region"() ({
      %run_scoped3A = tpu.sem_alloc : memref<!tpu.dma_semaphore, #tpu.memory_space<semaphore_mem>>
      %dma_start3A = arith.constant 0 : i32
      %dma_start3A_27 = tpu.memref_slice %arg9[%mul3A_4, %dma_start3A] : memref<10112x16xf32, #tpu.memory_space<vmem_shared>> -> memref<632x16xf32, #tpu.memory_space<vmem_shared>>
      %dma_start3A_28 = arith.constant 0 : i32
      %dma_start3A_29 = tpu.memref_slice %arg5[%mul3A_2, %dma_start3A_28] : memref<10112x16xf32, #tpu.memory_space<hbm>> -> memref<632x16xf32, #tpu.memory_space<hbm>>
      tpu.enqueue_dma source(%dma_start3A_29 : memref<632x16xf32, #tpu.memory_space<hbm>>) target(%dma_start3A_27 : memref<632x16xf32, #tpu.memory_space<vmem_shared>>) target_semaphore(%run_scoped3A : memref<!tpu.dma_semaphore, #tpu.memory_space<semaphore_mem>>)
      %dma_wait3A = arith.constant 0 : i32
      %dma_wait3A_30 = tpu.memref_slice %arg9[%mul3A_4, %dma_wait3A] : memref<10112x16xf32, #tpu.memory_space<vmem_shared>> -> memref<632x16xf32, #tpu.memory_space<vmem_shared>>
      %dma_wait3A_31 = arith.constant 0 : i32
      %dma_wait3A_32 = tpu.memref_slice %arg5[%mul3A_2, %dma_wait3A_31] : memref<10112x16xf32, #tpu.memory_space<hbm>> -> memref<632x16xf32, #tpu.memory_space<hbm>>
      tpu.wait_dma2 semaphore(%run_scoped3A : memref<!tpu.dma_semaphore, #tpu.memory_space<semaphore_mem>>) src(%dma_wait3A_32 : memref<632x16xf32, #tpu.memory_space<hbm>>) dst(%dma_wait3A_30 : memref<632x16xf32, #tpu.memory_space<vmem_shared>>)
      tpu.yield
    }) : () -> ()
    %mul3A_5 = arith.constant 632 : i32
    %mul3A_6 = arith.muli %arg1, %mul3A_5 : i32
    %mul3A_7 = arith.constant 632 : i32
    %mul3A_8 = arith.muli %arg1, %mul3A_7 : i32
    "tpu.region"() ({
      %run_scoped3A = tpu.sem_alloc : memref<!tpu.dma_semaphore, #tpu.memory_space<semaphore_mem>>
      %dma_start3A = arith.constant 0 : i32
      %dma_start3A_27 = tpu.memref_slice %arg10[%mul3A_8, %dma_start3A] : memref<10112x16xf32, #tpu.memory_space<vmem_shared>> -> memref<632x16xf32, #tpu.memory_space<vmem_shared>>
      %dma_start3A_28 = arith.constant 0 : i32
      %dma_start3A_29 = tpu.memref_slice %arg5[%mul3A_6, %dma_start3A_28] : memref<10112x16xf32, #tpu.memory_space<hbm>> -> memref<632x16xf32, #tpu.memory_space<hbm>>
      tpu.enqueue_dma source(%dma_start3A_29 : memref<632x16xf32, #tpu.memory_space<hbm>>) target(%dma_start3A_27 : memref<632x16xf32, #tpu.memory_space<vmem_shared>>) target_semaphore(%run_scoped3A : memref<!tpu.dma_semaphore, #tpu.memory_space<semaphore_mem>>)
      %dma_wait3A = arith.constant 0 : i32
      %dma_wait3A_30 = tpu.memref_slice %arg10[%mul3A_8, %dma_wait3A] : memref<10112x16xf32, #tpu.memory_space<vmem_shared>> -> memref<632x16xf32, #tpu.memory_space<vmem_shared>>
      %dma_wait3A_31 = arith.constant 0 : i32
      %dma_wait3A_32 = tpu.memref_slice %arg5[%mul3A_6, %dma_wait3A_31] : memref<10112x16xf32, #tpu.memory_space<hbm>> -> memref<632x16xf32, #tpu.memory_space<hbm>>
      tpu.wait_dma2 semaphore(%run_scoped3A : memref<!tpu.dma_semaphore, #tpu.memory_space<semaphore_mem>>) src(%dma_wait3A_32 : memref<632x16xf32, #tpu.memory_space<hbm>>) dst(%dma_wait3A_30 : memref<632x16xf32, #tpu.memory_space<vmem_shared>>)
      tpu.yield
    }) : () -> ()
    "tpu.region"() ({
      %run_scoped3A = tpu.sem_alloc : memref<!tpu.dma_semaphore, #tpu.memory_space<semaphore_mem>>
      tpu.enqueue_dma source(%arg6 : memref<128x16xf32, #tpu.memory_space<hbm>>) target(%arg14 : memref<128x16xf32, #tpu.memory_space<vmem>>) target_semaphore(%run_scoped3A : memref<!tpu.dma_semaphore, #tpu.memory_space<semaphore_mem>>)
      tpu.wait_dma2 semaphore(%run_scoped3A : memref<!tpu.dma_semaphore, #tpu.memory_space<semaphore_mem>>) src(%arg6 : memref<128x16xf32, #tpu.memory_space<hbm>>) dst(%arg14 : memref<128x16xf32, #tpu.memory_space<vmem>>)
      tpu.yield
    }) : () -> ()
    %mul3A_9 = arith.constant 80 : i32
    %mul3A_10 = arith.muli %add3A, %mul3A_9 : i32
    "tpu.region"() ({
      %run_scoped3A = tpu.sem_alloc : memref<!tpu.dma_semaphore, #tpu.memory_space<semaphore_mem>>
      %dma_start3A = arith.constant 0 : i32
      %dma_start3A_27 = tpu.memref_slice %arg3[%mul3A_10, %dma_start3A] : memref<2560x128xi32, #tpu.memory_space<hbm>> -> memref<80x128xi32, #tpu.memory_space<hbm>>
      %dma_start3A_28 = arith.constant 0 : i32
      %dma_start3A_29 = tpu.memref_slice %arg3[%mul3A_10, %dma_start3A_28] : memref<2560x128xi32, #tpu.memory_space<hbm>> -> memref<80x128xi32, #tpu.memory_space<hbm>>
      tpu.enqueue_dma source(%dma_start3A_29 : memref<80x128xi32, #tpu.memory_space<hbm>>) target(%arg11 : memref<80x128xi32, #tpu.memory_space<vmem>>) target_semaphore(%run_scoped3A : memref<!tpu.dma_semaphore, #tpu.memory_space<semaphore_mem>>)
      %dma_wait3A = arith.constant 0 : i32
      %dma_wait3A_30 = tpu.memref_slice %arg3[%mul3A_10, %dma_wait3A] : memref<2560x128xi32, #tpu.memory_space<hbm>> -> memref<80x128xi32, #tpu.memory_space<hbm>>
      %dma_wait3A_31 = arith.constant 0 : i32
      %dma_wait3A_32 = tpu.memref_slice %arg3[%mul3A_10, %dma_wait3A_31] : memref<2560x128xi32, #tpu.memory_space<hbm>> -> memref<80x128xi32, #tpu.memory_space<hbm>>
      tpu.wait_dma2 semaphore(%run_scoped3A : memref<!tpu.dma_semaphore, #tpu.memory_space<semaphore_mem>>) src(%dma_wait3A_32 : memref<80x128xi32, #tpu.memory_space<hbm>>) dst(%arg11 : memref<80x128xi32, #tpu.memory_space<vmem>>)
      tpu.yield
    }) : () -> ()
    %mul3A_11 = arith.constant 80 : i32
    %mul3A_12 = arith.muli %add3A, %mul3A_11 : i32
    "tpu.region"() ({
      %run_scoped3A = tpu.sem_alloc : memref<!tpu.dma_semaphore, #tpu.memory_space<semaphore_mem>>
      %dma_start3A = arith.constant 0 : i32
      %dma_start3A_27 = tpu.memref_slice %arg4[%mul3A_12, %dma_start3A] : memref<2560x128xi32, #tpu.memory_space<hbm>> -> memref<80x128xi32, #tpu.memory_space<hbm>>
      %dma_start3A_28 = arith.constant 0 : i32
      %dma_start3A_29 = tpu.memref_slice %arg4[%mul3A_12, %dma_start3A_28] : memref<2560x128xi32, #tpu.memory_space<hbm>> -> memref<80x128xi32, #tpu.memory_space<hbm>>
      tpu.enqueue_dma source(%dma_start3A_29 : memref<80x128xi32, #tpu.memory_space<hbm>>) target(%arg12 : memref<80x128xi32, #tpu.memory_space<vmem>>) target_semaphore(%run_scoped3A : memref<!tpu.dma_semaphore, #tpu.memory_space<semaphore_mem>>)
      %dma_wait3A = arith.constant 0 : i32
      %dma_wait3A_30 = tpu.memref_slice %arg4[%mul3A_12, %dma_wait3A] : memref<2560x128xi32, #tpu.memory_space<hbm>> -> memref<80x128xi32, #tpu.memory_space<hbm>>
      %dma_wait3A_31 = arith.constant 0 : i32
      %dma_wait3A_32 = tpu.memref_slice %arg4[%mul3A_12, %dma_wait3A_31] : memref<2560x128xi32, #tpu.memory_space<hbm>> -> memref<80x128xi32, #tpu.memory_space<hbm>>
      tpu.wait_dma2 semaphore(%run_scoped3A : memref<!tpu.dma_semaphore, #tpu.memory_space<semaphore_mem>>) src(%dma_wait3A_32 : memref<80x128xi32, #tpu.memory_space<hbm>>) dst(%arg12 : memref<80x128xi32, #tpu.memory_space<vmem>>)
      tpu.yield
    }) : () -> ()
    %barrier3A = arith.constant 0 : index
    tpu.barrier barrier_id(%barrier3A)
    %scan3A = arith.constant 0 : i32
    %scan3A_13 = arith.constant 0 : i32
    %scan3A_14 = arith.constant 10 : i32
    %scan3A_15 = arith.addi %scan3A_13, %scan3A_14 : i32
    %scan3A_16 = arith.constant 1 : i32
    scf.for %scan3A_27 = %scan3A_13 to %scan3A_15 step %scan3A_16  : i32 {
      %mul3A_28 = arith.constant 8 : i32
      %mul3A_29 = arith.muli %scan3A_27, %mul3A_28 : i32
      %add3A_30 = arith.constant 0 : i32
      %add3A_31 = arith.addi %mul3A_29, %add3A_30 : i32
      %dma_start3A = arith.constant 0 : i32
      %dma_start3A_32 = arith.constant 0 : i32
      %dma_start3A_33 = tpu.memref_slice %arg13[%dma_start3A, %dma_start3A_32] : memref<1024x16xf32, #tpu.memory_space<vmem>> -> memref<128x16xf32, #tpu.memory_space<vmem>>
      %dma_start3A_34 = arith.constant 0 : i32
      %dma_start3A_35 = tpu.memref_slice %arg11[%add3A_31, %dma_start3A_34] : memref<80x128xi32, #tpu.memory_space<vmem>> -> memref<1x128xi32, #tpu.memory_space<vmem>>
      %dma_start3A_36 = tpu.memref_squeeze %dma_start3A_35 : memref<1x128xi32, #tpu.memory_space<vmem>> -> memref<128xi32, #tpu.memory_space<vmem>>
      %dma_start3A_37 = arith.constant 0 : i32
      %dma_start3A_38 = arith.constant 0 : i32
      %dma_start3A_39 = tpu.memref_slice %arg2[%dma_start3A_37, %dma_start3A_38] : memref<10000x16xf32, #tpu.memory_space<hbm>> -> memref<10000x16xf32, #tpu.memory_space<hbm>>
      tpu.enqueue_indirect_dma source(%dma_start3A_39 : memref<10000x16xf32, #tpu.memory_space<hbm>>) target(%dma_start3A_33 : memref<128x16xf32, #tpu.memory_space<vmem>>) offsets(%dma_start3A_36 : memref<128xi32, #tpu.memory_space<vmem>>) semaphore(%arg15 : memref<!tpu.dma_semaphore, #tpu.memory_space<semaphore_mem>>)
      %add3A_40 = arith.constant 1 : i32
      %add3A_41 = arith.addi %mul3A_29, %add3A_40 : i32
      %dma_start3A_42 = arith.constant 128 : i32
      %dma_start3A_43 = arith.constant 0 : i32
      %dma_start3A_44 = tpu.memref_slice %arg13[%dma_start3A_42, %dma_start3A_43] : memref<1024x16xf32, #tpu.memory_space<vmem>> -> memref<128x16xf32, #tpu.memory_space<vmem>>
      %dma_start3A_45 = arith.constant 0 : i32
      %dma_start3A_46 = tpu.memref_slice %arg11[%add3A_41, %dma_start3A_45] : memref<80x128xi32, #tpu.memory_space<vmem>> -> memref<1x128xi32, #tpu.memory_space<vmem>>
      %dma_start3A_47 = tpu.memref_squeeze %dma_start3A_46 : memref<1x128xi32, #tpu.memory_space<vmem>> -> memref<128xi32, #tpu.memory_space<vmem>>
      %dma_start3A_48 = arith.constant 0 : i32
      %dma_start3A_49 = arith.constant 0 : i32
      %dma_start3A_50 = tpu.memref_slice %arg2[%dma_start3A_48, %dma_start3A_49] : memref<10000x16xf32, #tpu.memory_space<hbm>> -> memref<10000x16xf32, #tpu.memory_space<hbm>>
      tpu.enqueue_indirect_dma source(%dma_start3A_50 : memref<10000x16xf32, #tpu.memory_space<hbm>>) target(%dma_start3A_44 : memref<128x16xf32, #tpu.memory_space<vmem>>) offsets(%dma_start3A_47 : memref<128xi32, #tpu.memory_space<vmem>>) semaphore(%arg15 : memref<!tpu.dma_semaphore, #tpu.memory_space<semaphore_mem>>)
      %add3A_51 = arith.constant 2 : i32
      %add3A_52 = arith.addi %mul3A_29, %add3A_51 : i32
      %dma_start3A_53 = arith.constant 256 : i32
      %dma_start3A_54 = arith.constant 0 : i32
      %dma_start3A_55 = tpu.memref_slice %arg13[%dma_start3A_53, %dma_start3A_54] : memref<1024x16xf32, #tpu.memory_space<vmem>> -> memref<128x16xf32, #tpu.memory_space<vmem>>
      %dma_start3A_56 = arith.constant 0 : i32
      %dma_start3A_57 = tpu.memref_slice %arg11[%add3A_52, %dma_start3A_56] : memref<80x128xi32, #tpu.memory_space<vmem>> -> memref<1x128xi32, #tpu.memory_space<vmem>>
      %dma_start3A_58 = tpu.memref_squeeze %dma_start3A_57 : memref<1x128xi32, #tpu.memory_space<vmem>> -> memref<128xi32, #tpu.memory_space<vmem>>
      %dma_start3A_59 = arith.constant 0 : i32
      %dma_start3A_60 = arith.constant 0 : i32
      %dma_start3A_61 = tpu.memref_slice %arg2[%dma_start3A_59, %dma_start3A_60] : memref<10000x16xf32, #tpu.memory_space<hbm>> -> memref<10000x16xf32, #tpu.memory_space<hbm>>
      tpu.enqueue_indirect_dma source(%dma_start3A_61 : memref<10000x16xf32, #tpu.memory_space<hbm>>) target(%dma_start3A_55 : memref<128x16xf32, #tpu.memory_space<vmem>>) offsets(%dma_start3A_58 : memref<128xi32, #tpu.memory_space<vmem>>) semaphore(%arg15 : memref<!tpu.dma_semaphore, #tpu.memory_space<semaphore_mem>>)
      %add3A_62 = arith.constant 3 : i32
      %add3A_63 = arith.addi %mul3A_29, %add3A_62 : i32
      %dma_start3A_64 = arith.constant 384 : i32
      %dma_start3A_65 = arith.constant 0 : i32
      %dma_start3A_66 = tpu.memref_slice %arg13[%dma_start3A_64, %dma_start3A_65] : memref<1024x16xf32, #tpu.memory_space<vmem>> -> memref<128x16xf32, #tpu.memory_space<vmem>>
      %dma_start3A_67 = arith.constant 0 : i32
      %dma_start3A_68 = tpu.memref_slice %arg11[%add3A_63, %dma_start3A_67] : memref<80x128xi32, #tpu.memory_space<vmem>> -> memref<1x128xi32, #tpu.memory_space<vmem>>
      %dma_start3A_69 = tpu.memref_squeeze %dma_start3A_68 : memref<1x128xi32, #tpu.memory_space<vmem>> -> memref<128xi32, #tpu.memory_space<vmem>>
      %dma_start3A_70 = arith.constant 0 : i32
      %dma_start3A_71 = arith.constant 0 : i32
      %dma_start3A_72 = tpu.memref_slice %arg2[%dma_start3A_70, %dma_start3A_71] : memref<10000x16xf32, #tpu.memory_space<hbm>> -> memref<10000x16xf32, #tpu.memory_space<hbm>>
      tpu.enqueue_indirect_dma source(%dma_start3A_72 : memref<10000x16xf32, #tpu.memory_space<hbm>>) target(%dma_start3A_66 : memref<128x16xf32, #tpu.memory_space<vmem>>) offsets(%dma_start3A_69 : memref<128xi32, #tpu.memory_space<vmem>>) semaphore(%arg15 : memref<!tpu.dma_semaphore, #tpu.memory_space<semaphore_mem>>)
      %add3A_73 = arith.constant 4 : i32
      %add3A_74 = arith.addi %mul3A_29, %add3A_73 : i32
      %dma_start3A_75 = arith.constant 512 : i32
      %dma_start3A_76 = arith.constant 0 : i32
      %dma_start3A_77 = tpu.memref_slice %arg13[%dma_start3A_75, %dma_start3A_76] : memref<1024x16xf32, #tpu.memory_space<vmem>> -> memref<128x16xf32, #tpu.memory_space<vmem>>
      %dma_start3A_78 = arith.constant 0 : i32
      %dma_start3A_79 = tpu.memref_slice %arg11[%add3A_74, %dma_start3A_78] : memref<80x128xi32, #tpu.memory_space<vmem>> -> memref<1x128xi32, #tpu.memory_space<vmem>>
      %dma_start3A_80 = tpu.memref_squeeze %dma_start3A_79 : memref<1x128xi32, #tpu.memory_space<vmem>> -> memref<128xi32, #tpu.memory_space<vmem>>
      %dma_start3A_81 = arith.constant 0 : i32
      %dma_start3A_82 = arith.constant 0 : i32
      %dma_start3A_83 = tpu.memref_slice %arg2[%dma_start3A_81, %dma_start3A_82] : memref<10000x16xf32, #tpu.memory_space<hbm>> -> memref<10000x16xf32, #tpu.memory_space<hbm>>
      tpu.enqueue_indirect_dma source(%dma_start3A_83 : memref<10000x16xf32, #tpu.memory_space<hbm>>) target(%dma_start3A_77 : memref<128x16xf32, #tpu.memory_space<vmem>>) offsets(%dma_start3A_80 : memref<128xi32, #tpu.memory_space<vmem>>) semaphore(%arg15 : memref<!tpu.dma_semaphore, #tpu.memory_space<semaphore_mem>>)
      %add3A_84 = arith.constant 5 : i32
      %add3A_85 = arith.addi %mul3A_29, %add3A_84 : i32
      %dma_start3A_86 = arith.constant 640 : i32
      %dma_start3A_87 = arith.constant 0 : i32
      %dma_start3A_88 = tpu.memref_slice %arg13[%dma_start3A_86, %dma_start3A_87] : memref<1024x16xf32, #tpu.memory_space<vmem>> -> memref<128x16xf32, #tpu.memory_space<vmem>>
      %dma_start3A_89 = arith.constant 0 : i32
      %dma_start3A_90 = tpu.memref_slice %arg11[%add3A_85, %dma_start3A_89] : memref<80x128xi32, #tpu.memory_space<vmem>> -> memref<1x128xi32, #tpu.memory_space<vmem>>
      %dma_start3A_91 = tpu.memref_squeeze %dma_start3A_90 : memref<1x128xi32, #tpu.memory_space<vmem>> -> memref<128xi32, #tpu.memory_space<vmem>>
      %dma_start3A_92 = arith.constant 0 : i32
      %dma_start3A_93 = arith.constant 0 : i32
      %dma_start3A_94 = tpu.memref_slice %arg2[%dma_start3A_92, %dma_start3A_93] : memref<10000x16xf32, #tpu.memory_space<hbm>> -> memref<10000x16xf32, #tpu.memory_space<hbm>>
      tpu.enqueue_indirect_dma source(%dma_start3A_94 : memref<10000x16xf32, #tpu.memory_space<hbm>>) target(%dma_start3A_88 : memref<128x16xf32, #tpu.memory_space<vmem>>) offsets(%dma_start3A_91 : memref<128xi32, #tpu.memory_space<vmem>>) semaphore(%arg15 : memref<!tpu.dma_semaphore, #tpu.memory_space<semaphore_mem>>)
      %add3A_95 = arith.constant 6 : i32
      %add3A_96 = arith.addi %mul3A_29, %add3A_95 : i32
      %dma_start3A_97 = arith.constant 768 : i32
      %dma_start3A_98 = arith.constant 0 : i32
      %dma_start3A_99 = tpu.memref_slice %arg13[%dma_start3A_97, %dma_start3A_98] : memref<1024x16xf32, #tpu.memory_space<vmem>> -> memref<128x16xf32, #tpu.memory_space<vmem>>
      %dma_start3A_100 = arith.constant 0 : i32
      %dma_start3A_101 = tpu.memref_slice %arg11[%add3A_96, %dma_start3A_100] : memref<80x128xi32, #tpu.memory_space<vmem>> -> memref<1x128xi32, #tpu.memory_space<vmem>>
      %dma_start3A_102 = tpu.memref_squeeze %dma_start3A_101 : memref<1x128xi32, #tpu.memory_space<vmem>> -> memref<128xi32, #tpu.memory_space<vmem>>
      %dma_start3A_103 = arith.constant 0 : i32
      %dma_start3A_104 = arith.constant 0 : i32
      %dma_start3A_105 = tpu.memref_slice %arg2[%dma_start3A_103, %dma_start3A_104] : memref<10000x16xf32, #tpu.memory_space<hbm>> -> memref<10000x16xf32, #tpu.memory_space<hbm>>
      tpu.enqueue_indirect_dma source(%dma_start3A_105 : memref<10000x16xf32, #tpu.memory_space<hbm>>) target(%dma_start3A_99 : memref<128x16xf32, #tpu.memory_space<vmem>>) offsets(%dma_start3A_102 : memref<128xi32, #tpu.memory_space<vmem>>) semaphore(%arg15 : memref<!tpu.dma_semaphore, #tpu.memory_space<semaphore_mem>>)
      %add3A_106 = arith.constant 7 : i32
      %add3A_107 = arith.addi %mul3A_29, %add3A_106 : i32
      %dma_start3A_108 = arith.constant 896 : i32
      %dma_start3A_109 = arith.constant 0 : i32
      %dma_start3A_110 = tpu.memref_slice %arg13[%dma_start3A_108, %dma_start3A_109] : memref<1024x16xf32, #tpu.memory_space<vmem>> -> memref<128x16xf32, #tpu.memory_space<vmem>>
      %dma_start3A_111 = arith.constant 0 : i32
      %dma_start3A_112 = tpu.memref_slice %arg11[%add3A_107, %dma_start3A_111] : memref<80x128xi32, #tpu.memory_space<vmem>> -> memref<1x128xi32, #tpu.memory_space<vmem>>
      %dma_start3A_113 = tpu.memref_squeeze %dma_start3A_112 : memref<1x128xi32, #tpu.memory_space<vmem>> -> memref<128xi32, #tpu.memory_space<vmem>>
      %dma_start3A_114 = arith.constant 0 : i32
      %dma_start3A_115 = arith.constant 0 : i32
      %dma_start3A_116 = tpu.memref_slice %arg2[%dma_start3A_114, %dma_start3A_115] : memref<10000x16xf32, #tpu.memory_space<hbm>> -> memref<10000x16xf32, #tpu.memory_space<hbm>>
      tpu.enqueue_indirect_dma source(%dma_start3A_116 : memref<10000x16xf32, #tpu.memory_space<hbm>>) target(%dma_start3A_110 : memref<128x16xf32, #tpu.memory_space<vmem>>) offsets(%dma_start3A_113 : memref<128xi32, #tpu.memory_space<vmem>>) semaphore(%arg15 : memref<!tpu.dma_semaphore, #tpu.memory_space<semaphore_mem>>)
      %add3A_117 = arith.constant 0 : i32
      %add3A_118 = arith.addi %mul3A_29, %add3A_117 : i32
      %dma_start3A_119 = arith.constant 0 : i32
      %dma_start3A_120 = tpu.memref_slice %arg12[%add3A_118, %dma_start3A_119] : memref<80x128xi32, #tpu.memory_space<vmem>> -> memref<1x128xi32, #tpu.memory_space<vmem>>
      %dma_start3A_121 = tpu.memref_squeeze %dma_start3A_120 : memref<1x128xi32, #tpu.memory_space<vmem>> -> memref<128xi32, #tpu.memory_space<vmem>>
      %dma_start3A_122 = arith.constant 0 : i32
      %dma_start3A_123 = arith.constant 0 : i32
      %dma_start3A_124 = tpu.memref_slice %arg10[%dma_start3A_122, %dma_start3A_123] : memref<10112x16xf32, #tpu.memory_space<vmem_shared>> -> memref<10112x16xf32, #tpu.memory_space<vmem_shared>>
      tpu.enqueue_indirect_dma source(%arg14 : memref<128x16xf32, #tpu.memory_space<vmem>>) target(%dma_start3A_124 : memref<10112x16xf32, #tpu.memory_space<vmem_shared>>) offsets(%dma_start3A_121 : memref<128xi32, #tpu.memory_space<vmem>>) semaphore(%arg17 : memref<!tpu.dma_semaphore, #tpu.memory_space<semaphore_mem>>) {add = true}
      %add3A_125 = arith.constant 1 : i32
      %add3A_126 = arith.addi %mul3A_29, %add3A_125 : i32
      %dma_start3A_127 = arith.constant 0 : i32
      %dma_start3A_128 = tpu.memref_slice %arg12[%add3A_126, %dma_start3A_127] : memref<80x128xi32, #tpu.memory_space<vmem>> -> memref<1x128xi32, #tpu.memory_space<vmem>>
      %dma_start3A_129 = tpu.memref_squeeze %dma_start3A_128 : memref<1x128xi32, #tpu.memory_space<vmem>> -> memref<128xi32, #tpu.memory_space<vmem>>
      %dma_start3A_130 = arith.constant 0 : i32
      %dma_start3A_131 = arith.constant 0 : i32
      %dma_start3A_132 = tpu.memref_slice %arg10[%dma_start3A_130, %dma_start3A_131] : memref<10112x16xf32, #tpu.memory_space<vmem_shared>> -> memref<10112x16xf32, #tpu.memory_space<vmem_shared>>
      tpu.enqueue_indirect_dma source(%arg14 : memref<128x16xf32, #tpu.memory_space<vmem>>) target(%dma_start3A_132 : memref<10112x16xf32, #tpu.memory_space<vmem_shared>>) offsets(%dma_start3A_129 : memref<128xi32, #tpu.memory_space<vmem>>) semaphore(%arg17 : memref<!tpu.dma_semaphore, #tpu.memory_space<semaphore_mem>>) {add = true}
      %add3A_133 = arith.constant 2 : i32
      %add3A_134 = arith.addi %mul3A_29, %add3A_133 : i32
      %dma_start3A_135 = arith.constant 0 : i32
      %dma_start3A_136 = tpu.memref_slice %arg12[%add3A_134, %dma_start3A_135] : memref<80x128xi32, #tpu.memory_space<vmem>> -> memref<1x128xi32, #tpu.memory_space<vmem>>
      %dma_start3A_137 = tpu.memref_squeeze %dma_start3A_136 : memref<1x128xi32, #tpu.memory_space<vmem>> -> memref<128xi32, #tpu.memory_space<vmem>>
      %dma_start3A_138 = arith.constant 0 : i32
      %dma_start3A_139 = arith.constant 0 : i32
      %dma_start3A_140 = tpu.memref_slice %arg10[%dma_start3A_138, %dma_start3A_139] : memref<10112x16xf32, #tpu.memory_space<vmem_shared>> -> memref<10112x16xf32, #tpu.memory_space<vmem_shared>>
      tpu.enqueue_indirect_dma source(%arg14 : memref<128x16xf32, #tpu.memory_space<vmem>>) target(%dma_start3A_140 : memref<10112x16xf32, #tpu.memory_space<vmem_shared>>) offsets(%dma_start3A_137 : memref<128xi32, #tpu.memory_space<vmem>>) semaphore(%arg17 : memref<!tpu.dma_semaphore, #tpu.memory_space<semaphore_mem>>) {add = true}
      %add3A_141 = arith.constant 3 : i32
      %add3A_142 = arith.addi %mul3A_29, %add3A_141 : i32
      %dma_start3A_143 = arith.constant 0 : i32
      %dma_start3A_144 = tpu.memref_slice %arg12[%add3A_142, %dma_start3A_143] : memref<80x128xi32, #tpu.memory_space<vmem>> -> memref<1x128xi32, #tpu.memory_space<vmem>>
      %dma_start3A_145 = tpu.memref_squeeze %dma_start3A_144 : memref<1x128xi32, #tpu.memory_space<vmem>> -> memref<128xi32, #tpu.memory_space<vmem>>
      %dma_start3A_146 = arith.constant 0 : i32
      %dma_start3A_147 = arith.constant 0 : i32
      %dma_start3A_148 = tpu.memref_slice %arg10[%dma_start3A_146, %dma_start3A_147] : memref<10112x16xf32, #tpu.memory_space<vmem_shared>> -> memref<10112x16xf32, #tpu.memory_space<vmem_shared>>
      tpu.enqueue_indirect_dma source(%arg14 : memref<128x16xf32, #tpu.memory_space<vmem>>) target(%dma_start3A_148 : memref<10112x16xf32, #tpu.memory_space<vmem_shared>>) offsets(%dma_start3A_145 : memref<128xi32, #tpu.memory_space<vmem>>) semaphore(%arg17 : memref<!tpu.dma_semaphore, #tpu.memory_space<semaphore_mem>>) {add = true}
      %add3A_149 = arith.constant 4 : i32
      %add3A_150 = arith.addi %mul3A_29, %add3A_149 : i32
      %dma_start3A_151 = arith.constant 0 : i32
      %dma_start3A_152 = tpu.memref_slice %arg12[%add3A_150, %dma_start3A_151] : memref<80x128xi32, #tpu.memory_space<vmem>> -> memref<1x128xi32, #tpu.memory_space<vmem>>
      %dma_start3A_153 = tpu.memref_squeeze %dma_start3A_152 : memref<1x128xi32, #tpu.memory_space<vmem>> -> memref<128xi32, #tpu.memory_space<vmem>>
      %dma_start3A_154 = arith.constant 0 : i32
      %dma_start3A_155 = arith.constant 0 : i32
      %dma_start3A_156 = tpu.memref_slice %arg10[%dma_start3A_154, %dma_start3A_155] : memref<10112x16xf32, #tpu.memory_space<vmem_shared>> -> memref<10112x16xf32, #tpu.memory_space<vmem_shared>>
      tpu.enqueue_indirect_dma source(%arg14 : memref<128x16xf32, #tpu.memory_space<vmem>>) target(%dma_start3A_156 : memref<10112x16xf32, #tpu.memory_space<vmem_shared>>) offsets(%dma_start3A_153 : memref<128xi32, #tpu.memory_space<vmem>>) semaphore(%arg17 : memref<!tpu.dma_semaphore, #tpu.memory_space<semaphore_mem>>) {add = true}
      %add3A_157 = arith.constant 5 : i32
      %add3A_158 = arith.addi %mul3A_29, %add3A_157 : i32
      %dma_start3A_159 = arith.constant 0 : i32
      %dma_start3A_160 = tpu.memref_slice %arg12[%add3A_158, %dma_start3A_159] : memref<80x128xi32, #tpu.memory_space<vmem>> -> memref<1x128xi32, #tpu.memory_space<vmem>>
      %dma_start3A_161 = tpu.memref_squeeze %dma_start3A_160 : memref<1x128xi32, #tpu.memory_space<vmem>> -> memref<128xi32, #tpu.memory_space<vmem>>
      %dma_start3A_162 = arith.constant 0 : i32
      %dma_start3A_163 = arith.constant 0 : i32
      %dma_start3A_164 = tpu.memref_slice %arg10[%dma_start3A_162, %dma_start3A_163] : memref<10112x16xf32, #tpu.memory_space<vmem_shared>> -> memref<10112x16xf32, #tpu.memory_space<vmem_shared>>
      tpu.enqueue_indirect_dma source(%arg14 : memref<128x16xf32, #tpu.memory_space<vmem>>) target(%dma_start3A_164 : memref<10112x16xf32, #tpu.memory_space<vmem_shared>>) offsets(%dma_start3A_161 : memref<128xi32, #tpu.memory_space<vmem>>) semaphore(%arg17 : memref<!tpu.dma_semaphore, #tpu.memory_space<semaphore_mem>>) {add = true}
      %add3A_165 = arith.constant 6 : i32
      %add3A_166 = arith.addi %mul3A_29, %add3A_165 : i32
      %dma_start3A_167 = arith.constant 0 : i32
      %dma_start3A_168 = tpu.memref_slice %arg12[%add3A_166, %dma_start3A_167] : memref<80x128xi32, #tpu.memory_space<vmem>> -> memref<1x128xi32, #tpu.memory_space<vmem>>
      %dma_start3A_169 = tpu.memref_squeeze %dma_start3A_168 : memref<1x128xi32, #tpu.memory_space<vmem>> -> memref<128xi32, #tpu.memory_space<vmem>>
      %dma_start3A_170 = arith.constant 0 : i32
      %dma_start3A_171 = arith.constant 0 : i32
      %dma_start3A_172 = tpu.memref_slice %arg10[%dma_start3A_170, %dma_start3A_171] : memref<10112x16xf32, #tpu.memory_space<vmem_shared>> -> memref<10112x16xf32, #tpu.memory_space<vmem_shared>>
      tpu.enqueue_indirect_dma source(%arg14 : memref<128x16xf32, #tpu.memory_space<vmem>>) target(%dma_start3A_172 : memref<10112x16xf32, #tpu.memory_space<vmem_shared>>) offsets(%dma_start3A_169 : memref<128xi32, #tpu.memory_space<vmem>>) semaphore(%arg17 : memref<!tpu.dma_semaphore, #tpu.memory_space<semaphore_mem>>) {add = true}
      %add3A_173 = arith.constant 7 : i32
      %add3A_174 = arith.addi %mul3A_29, %add3A_173 : i32
      %dma_start3A_175 = arith.constant 0 : i32
      %dma_start3A_176 = tpu.memref_slice %arg12[%add3A_174, %dma_start3A_175] : memref<80x128xi32, #tpu.memory_space<vmem>> -> memref<1x128xi32, #tpu.memory_space<vmem>>
      %dma_start3A_177 = tpu.memref_squeeze %dma_start3A_176 : memref<1x128xi32, #tpu.memory_space<vmem>> -> memref<128xi32, #tpu.memory_space<vmem>>
      %dma_start3A_178 = arith.constant 0 : i32
      %dma_start3A_179 = arith.constant 0 : i32
      %dma_start3A_180 = tpu.memref_slice %arg10[%dma_start3A_178, %dma_start3A_179] : memref<10112x16xf32, #tpu.memory_space<vmem_shared>> -> memref<10112x16xf32, #tpu.memory_space<vmem_shared>>
      tpu.enqueue_indirect_dma source(%arg14 : memref<128x16xf32, #tpu.memory_space<vmem>>) target(%dma_start3A_180 : memref<10112x16xf32, #tpu.memory_space<vmem_shared>>) offsets(%dma_start3A_177 : memref<128xi32, #tpu.memory_space<vmem>>) semaphore(%arg17 : memref<!tpu.dma_semaphore, #tpu.memory_space<semaphore_mem>>) {add = true}
      %dma_wait3A = arith.constant 0 : i32
      %dma_wait3A_181 = arith.constant 0 : i32
      %dma_wait3A_182 = tpu.memref_slice %arg13[%dma_wait3A, %dma_wait3A_181] : memref<1024x16xf32, #tpu.memory_space<vmem>> -> memref<128x16xf32, #tpu.memory_space<vmem>>
      %dma_wait3A_183 = arith.constant 0 : i32
      %dma_wait3A_184 = tpu.memref_slice %arg11[%add3A_31, %dma_wait3A_183] : memref<80x128xi32, #tpu.memory_space<vmem>> -> memref<1x128xi32, #tpu.memory_space<vmem>>
      %dma_wait3A_185 = tpu.memref_squeeze %dma_wait3A_184 : memref<1x128xi32, #tpu.memory_space<vmem>> -> memref<128xi32, #tpu.memory_space<vmem>>
      %dma_wait3A_186 = arith.constant 0 : i32
      %dma_wait3A_187 = arith.constant 0 : i32
      %dma_wait3A_188 = tpu.memref_slice %arg2[%dma_wait3A_186, %dma_wait3A_187] : memref<10000x16xf32, #tpu.memory_space<hbm>> -> memref<10000x16xf32, #tpu.memory_space<hbm>>
      tpu.wait_indirect_dma semaphore(%arg15 : memref<!tpu.dma_semaphore, #tpu.memory_space<semaphore_mem>>) src(%dma_wait3A_188 : memref<10000x16xf32, #tpu.memory_space<hbm>>) dst(%dma_wait3A_182 : memref<128x16xf32, #tpu.memory_space<vmem>>)
      %dma_wait3A_189 = arith.constant 128 : i32
      %dma_wait3A_190 = arith.constant 0 : i32
      %dma_wait3A_191 = tpu.memref_slice %arg13[%dma_wait3A_189, %dma_wait3A_190] : memref<1024x16xf32, #tpu.memory_space<vmem>> -> memref<128x16xf32, #tpu.memory_space<vmem>>
      %dma_wait3A_192 = arith.constant 0 : i32
      %dma_wait3A_193 = tpu.memref_slice %arg11[%add3A_41, %dma_wait3A_192] : memref<80x128xi32, #tpu.memory_space<vmem>> -> memref<1x128xi32, #tpu.memory_space<vmem>>
      %dma_wait3A_194 = tpu.memref_squeeze %dma_wait3A_193 : memref<1x128xi32, #tpu.memory_space<vmem>> -> memref<128xi32, #tpu.memory_space<vmem>>
      %dma_wait3A_195 = arith.constant 0 : i32
      %dma_wait3A_196 = arith.constant 0 : i32
      %dma_wait3A_197 = tpu.memref_slice %arg2[%dma_wait3A_195, %dma_wait3A_196] : memref<10000x16xf32, #tpu.memory_space<hbm>> -> memref<10000x16xf32, #tpu.memory_space<hbm>>
      tpu.wait_indirect_dma semaphore(%arg15 : memref<!tpu.dma_semaphore, #tpu.memory_space<semaphore_mem>>) src(%dma_wait3A_197 : memref<10000x16xf32, #tpu.memory_space<hbm>>) dst(%dma_wait3A_191 : memref<128x16xf32, #tpu.memory_space<vmem>>)
      %dma_wait3A_198 = arith.constant 256 : i32
      %dma_wait3A_199 = arith.constant 0 : i32
      %dma_wait3A_200 = tpu.memref_slice %arg13[%dma_wait3A_198, %dma_wait3A_199] : memref<1024x16xf32, #tpu.memory_space<vmem>> -> memref<128x16xf32, #tpu.memory_space<vmem>>
      %dma_wait3A_201 = arith.constant 0 : i32
      %dma_wait3A_202 = tpu.memref_slice %arg11[%add3A_52, %dma_wait3A_201] : memref<80x128xi32, #tpu.memory_space<vmem>> -> memref<1x128xi32, #tpu.memory_space<vmem>>
      %dma_wait3A_203 = tpu.memref_squeeze %dma_wait3A_202 : memref<1x128xi32, #tpu.memory_space<vmem>> -> memref<128xi32, #tpu.memory_space<vmem>>
      %dma_wait3A_204 = arith.constant 0 : i32
      %dma_wait3A_205 = arith.constant 0 : i32
      %dma_wait3A_206 = tpu.memref_slice %arg2[%dma_wait3A_204, %dma_wait3A_205] : memref<10000x16xf32, #tpu.memory_space<hbm>> -> memref<10000x16xf32, #tpu.memory_space<hbm>>
      tpu.wait_indirect_dma semaphore(%arg15 : memref<!tpu.dma_semaphore, #tpu.memory_space<semaphore_mem>>) src(%dma_wait3A_206 : memref<10000x16xf32, #tpu.memory_space<hbm>>) dst(%dma_wait3A_200 : memref<128x16xf32, #tpu.memory_space<vmem>>)
      %dma_wait3A_207 = arith.constant 384 : i32
      %dma_wait3A_208 = arith.constant 0 : i32
      %dma_wait3A_209 = tpu.memref_slice %arg13[%dma_wait3A_207, %dma_wait3A_208] : memref<1024x16xf32, #tpu.memory_space<vmem>> -> memref<128x16xf32, #tpu.memory_space<vmem>>
      %dma_wait3A_210 = arith.constant 0 : i32
      %dma_wait3A_211 = tpu.memref_slice %arg11[%add3A_63, %dma_wait3A_210] : memref<80x128xi32, #tpu.memory_space<vmem>> -> memref<1x128xi32, #tpu.memory_space<vmem>>
      %dma_wait3A_212 = tpu.memref_squeeze %dma_wait3A_211 : memref<1x128xi32, #tpu.memory_space<vmem>> -> memref<128xi32, #tpu.memory_space<vmem>>
      %dma_wait3A_213 = arith.constant 0 : i32
      %dma_wait3A_214 = arith.constant 0 : i32
      %dma_wait3A_215 = tpu.memref_slice %arg2[%dma_wait3A_213, %dma_wait3A_214] : memref<10000x16xf32, #tpu.memory_space<hbm>> -> memref<10000x16xf32, #tpu.memory_space<hbm>>
      tpu.wait_indirect_dma semaphore(%arg15 : memref<!tpu.dma_semaphore, #tpu.memory_space<semaphore_mem>>) src(%dma_wait3A_215 : memref<10000x16xf32, #tpu.memory_space<hbm>>) dst(%dma_wait3A_209 : memref<128x16xf32, #tpu.memory_space<vmem>>)
      %dma_wait3A_216 = arith.constant 512 : i32
      %dma_wait3A_217 = arith.constant 0 : i32
      %dma_wait3A_218 = tpu.memref_slice %arg13[%dma_wait3A_216, %dma_wait3A_217] : memref<1024x16xf32, #tpu.memory_space<vmem>> -> memref<128x16xf32, #tpu.memory_space<vmem>>
      %dma_wait3A_219 = arith.constant 0 : i32
      %dma_wait3A_220 = tpu.memref_slice %arg11[%add3A_74, %dma_wait3A_219] : memref<80x128xi32, #tpu.memory_space<vmem>> -> memref<1x128xi32, #tpu.memory_space<vmem>>
      %dma_wait3A_221 = tpu.memref_squeeze %dma_wait3A_220 : memref<1x128xi32, #tpu.memory_space<vmem>> -> memref<128xi32, #tpu.memory_space<vmem>>
      %dma_wait3A_222 = arith.constant 0 : i32
      %dma_wait3A_223 = arith.constant 0 : i32
      %dma_wait3A_224 = tpu.memref_slice %arg2[%dma_wait3A_222, %dma_wait3A_223] : memref<10000x16xf32, #tpu.memory_space<hbm>> -> memref<10000x16xf32, #tpu.memory_space<hbm>>
      tpu.wait_indirect_dma semaphore(%arg15 : memref<!tpu.dma_semaphore, #tpu.memory_space<semaphore_mem>>) src(%dma_wait3A_224 : memref<10000x16xf32, #tpu.memory_space<hbm>>) dst(%dma_wait3A_218 : memref<128x16xf32, #tpu.memory_space<vmem>>)
      %dma_wait3A_225 = arith.constant 640 : i32
      %dma_wait3A_226 = arith.constant 0 : i32
      %dma_wait3A_227 = tpu.memref_slice %arg13[%dma_wait3A_225, %dma_wait3A_226] : memref<1024x16xf32, #tpu.memory_space<vmem>> -> memref<128x16xf32, #tpu.memory_space<vmem>>
      %dma_wait3A_228 = arith.constant 0 : i32
      %dma_wait3A_229 = tpu.memref_slice %arg11[%add3A_85, %dma_wait3A_228] : memref<80x128xi32, #tpu.memory_space<vmem>> -> memref<1x128xi32, #tpu.memory_space<vmem>>
      %dma_wait3A_230 = tpu.memref_squeeze %dma_wait3A_229 : memref<1x128xi32, #tpu.memory_space<vmem>> -> memref<128xi32, #tpu.memory_space<vmem>>
      %dma_wait3A_231 = arith.constant 0 : i32
      %dma_wait3A_232 = arith.constant 0 : i32
      %dma_wait3A_233 = tpu.memref_slice %arg2[%dma_wait3A_231, %dma_wait3A_232] : memref<10000x16xf32, #tpu.memory_space<hbm>> -> memref<10000x16xf32, #tpu.memory_space<hbm>>
      tpu.wait_indirect_dma semaphore(%arg15 : memref<!tpu.dma_semaphore, #tpu.memory_space<semaphore_mem>>) src(%dma_wait3A_233 : memref<10000x16xf32, #tpu.memory_space<hbm>>) dst(%dma_wait3A_227 : memref<128x16xf32, #tpu.memory_space<vmem>>)
      %dma_wait3A_234 = arith.constant 768 : i32
      %dma_wait3A_235 = arith.constant 0 : i32
      %dma_wait3A_236 = tpu.memref_slice %arg13[%dma_wait3A_234, %dma_wait3A_235] : memref<1024x16xf32, #tpu.memory_space<vmem>> -> memref<128x16xf32, #tpu.memory_space<vmem>>
      %dma_wait3A_237 = arith.constant 0 : i32
      %dma_wait3A_238 = tpu.memref_slice %arg11[%add3A_96, %dma_wait3A_237] : memref<80x128xi32, #tpu.memory_space<vmem>> -> memref<1x128xi32, #tpu.memory_space<vmem>>
      %dma_wait3A_239 = tpu.memref_squeeze %dma_wait3A_238 : memref<1x128xi32, #tpu.memory_space<vmem>> -> memref<128xi32, #tpu.memory_space<vmem>>
      %dma_wait3A_240 = arith.constant 0 : i32
      %dma_wait3A_241 = arith.constant 0 : i32
      %dma_wait3A_242 = tpu.memref_slice %arg2[%dma_wait3A_240, %dma_wait3A_241] : memref<10000x16xf32, #tpu.memory_space<hbm>> -> memref<10000x16xf32, #tpu.memory_space<hbm>>
      tpu.wait_indirect_dma semaphore(%arg15 : memref<!tpu.dma_semaphore, #tpu.memory_space<semaphore_mem>>) src(%dma_wait3A_242 : memref<10000x16xf32, #tpu.memory_space<hbm>>) dst(%dma_wait3A_236 : memref<128x16xf32, #tpu.memory_space<vmem>>)
      %dma_wait3A_243 = arith.constant 896 : i32
      %dma_wait3A_244 = arith.constant 0 : i32
      %dma_wait3A_245 = tpu.memref_slice %arg13[%dma_wait3A_243, %dma_wait3A_244] : memref<1024x16xf32, #tpu.memory_space<vmem>> -> memref<128x16xf32, #tpu.memory_space<vmem>>
      %dma_wait3A_246 = arith.constant 0 : i32
      %dma_wait3A_247 = tpu.memref_slice %arg11[%add3A_107, %dma_wait3A_246] : memref<80x128xi32, #tpu.memory_space<vmem>> -> memref<1x128xi32, #tpu.memory_space<vmem>>
      %dma_wait3A_248 = tpu.memref_squeeze %dma_wait3A_247 : memref<1x128xi32, #tpu.memory_space<vmem>> -> memref<128xi32, #tpu.memory_space<vmem>>
      %dma_wait3A_249 = arith.constant 0 : i32
      %dma_wait3A_250 = arith.constant 0 : i32
      %dma_wait3A_251 = tpu.memref_slice %arg2[%dma_wait3A_249, %dma_wait3A_250] : memref<10000x16xf32, #tpu.memory_space<hbm>> -> memref<10000x16xf32, #tpu.memory_space<hbm>>
      tpu.wait_indirect_dma semaphore(%arg15 : memref<!tpu.dma_semaphore, #tpu.memory_space<semaphore_mem>>) src(%dma_wait3A_251 : memref<10000x16xf32, #tpu.memory_space<hbm>>) dst(%dma_wait3A_245 : memref<128x16xf32, #tpu.memory_space<vmem>>)
      %add3A_252 = arith.constant 0 : i32
      %add3A_253 = arith.addi %mul3A_29, %add3A_252 : i32
      %dma_start3A_254 = arith.constant 0 : i32
      %dma_start3A_255 = arith.constant 0 : i32
      %dma_start3A_256 = tpu.memref_slice %arg13[%dma_start3A_254, %dma_start3A_255] : memref<1024x16xf32, #tpu.memory_space<vmem>> -> memref<128x16xf32, #tpu.memory_space<vmem>>
      %dma_start3A_257 = arith.constant 0 : i32
      %dma_start3A_258 = tpu.memref_slice %arg12[%add3A_253, %dma_start3A_257] : memref<80x128xi32, #tpu.memory_space<vmem>> -> memref<1x128xi32, #tpu.memory_space<vmem>>
      %dma_start3A_259 = tpu.memref_squeeze %dma_start3A_258 : memref<1x128xi32, #tpu.memory_space<vmem>> -> memref<128xi32, #tpu.memory_space<vmem>>
      %dma_start3A_260 = arith.constant 0 : i32
      %dma_start3A_261 = arith.constant 0 : i32
      %dma_start3A_262 = tpu.memref_slice %arg9[%dma_start3A_260, %dma_start3A_261] : memref<10112x16xf32, #tpu.memory_space<vmem_shared>> -> memref<10112x16xf32, #tpu.memory_space<vmem_shared>>
      tpu.enqueue_indirect_dma source(%dma_start3A_256 : memref<128x16xf32, #tpu.memory_space<vmem>>) target(%dma_start3A_262 : memref<10112x16xf32, #tpu.memory_space<vmem_shared>>) offsets(%dma_start3A_259 : memref<128xi32, #tpu.memory_space<vmem>>) semaphore(%arg16 : memref<!tpu.dma_semaphore, #tpu.memory_space<semaphore_mem>>) {add = true}
      %add3A_263 = arith.constant 1 : i32
      %add3A_264 = arith.addi %mul3A_29, %add3A_263 : i32
      %dma_start3A_265 = arith.constant 128 : i32
      %dma_start3A_266 = arith.constant 0 : i32
      %dma_start3A_267 = tpu.memref_slice %arg13[%dma_start3A_265, %dma_start3A_266] : memref<1024x16xf32, #tpu.memory_space<vmem>> -> memref<128x16xf32, #tpu.memory_space<vmem>>
      %dma_start3A_268 = arith.constant 0 : i32
      %dma_start3A_269 = tpu.memref_slice %arg12[%add3A_264, %dma_start3A_268] : memref<80x128xi32, #tpu.memory_space<vmem>> -> memref<1x128xi32, #tpu.memory_space<vmem>>
      %dma_start3A_270 = tpu.memref_squeeze %dma_start3A_269 : memref<1x128xi32, #tpu.memory_space<vmem>> -> memref<128xi32, #tpu.memory_space<vmem>>
      %dma_start3A_271 = arith.constant 0 : i32
      %dma_start3A_272 = arith.constant 0 : i32
      %dma_start3A_273 = tpu.memref_slice %arg9[%dma_start3A_271, %dma_start3A_272] : memref<10112x16xf32, #tpu.memory_space<vmem_shared>> -> memref<10112x16xf32, #tpu.memory_space<vmem_shared>>
      tpu.enqueue_indirect_dma source(%dma_start3A_267 : memref<128x16xf32, #tpu.memory_space<vmem>>) target(%dma_start3A_273 : memref<10112x16xf32, #tpu.memory_space<vmem_shared>>) offsets(%dma_start3A_270 : memref<128xi32, #tpu.memory_space<vmem>>) semaphore(%arg16 : memref<!tpu.dma_semaphore, #tpu.memory_space<semaphore_mem>>) {add = true}
      %add3A_274 = arith.constant 2 : i32
      %add3A_275 = arith.addi %mul3A_29, %add3A_274 : i32
      %dma_start3A_276 = arith.constant 256 : i32
      %dma_start3A_277 = arith.constant 0 : i32
      %dma_start3A_278 = tpu.memref_slice %arg13[%dma_start3A_276, %dma_start3A_277] : memref<1024x16xf32, #tpu.memory_space<vmem>> -> memref<128x16xf32, #tpu.memory_space<vmem>>
      %dma_start3A_279 = arith.constant 0 : i32
      %dma_start3A_280 = tpu.memref_slice %arg12[%add3A_275, %dma_start3A_279] : memref<80x128xi32, #tpu.memory_space<vmem>> -> memref<1x128xi32, #tpu.memory_space<vmem>>
      %dma_start3A_281 = tpu.memref_squeeze %dma_start3A_280 : memref<1x128xi32, #tpu.memory_space<vmem>> -> memref<128xi32, #tpu.memory_space<vmem>>
      %dma_start3A_282 = arith.constant 0 : i32
      %dma_start3A_283 = arith.constant 0 : i32
      %dma_start3A_284 = tpu.memref_slice %arg9[%dma_start3A_282, %dma_start3A_283] : memref<10112x16xf32, #tpu.memory_space<vmem_shared>> -> memref<10112x16xf32, #tpu.memory_space<vmem_shared>>
      tpu.enqueue_indirect_dma source(%dma_start3A_278 : memref<128x16xf32, #tpu.memory_space<vmem>>) target(%dma_start3A_284 : memref<10112x16xf32, #tpu.memory_space<vmem_shared>>) offsets(%dma_start3A_281 : memref<128xi32, #tpu.memory_space<vmem>>) semaphore(%arg16 : memref<!tpu.dma_semaphore, #tpu.memory_space<semaphore_mem>>) {add = true}
      %add3A_285 = arith.constant 3 : i32
      %add3A_286 = arith.addi %mul3A_29, %add3A_285 : i32
      %dma_start3A_287 = arith.constant 384 : i32
      %dma_start3A_288 = arith.constant 0 : i32
      %dma_start3A_289 = tpu.memref_slice %arg13[%dma_start3A_287, %dma_start3A_288] : memref<1024x16xf32, #tpu.memory_space<vmem>> -> memref<128x16xf32, #tpu.memory_space<vmem>>
      %dma_start3A_290 = arith.constant 0 : i32
      %dma_start3A_291 = tpu.memref_slice %arg12[%add3A_286, %dma_start3A_290] : memref<80x128xi32, #tpu.memory_space<vmem>> -> memref<1x128xi32, #tpu.memory_space<vmem>>
      %dma_start3A_292 = tpu.memref_squeeze %dma_start3A_291 : memref<1x128xi32, #tpu.memory_space<vmem>> -> memref<128xi32, #tpu.memory_space<vmem>>
      %dma_start3A_293 = arith.constant 0 : i32
      %dma_start3A_294 = arith.constant 0 : i32
      %dma_start3A_295 = tpu.memref_slice %arg9[%dma_start3A_293, %dma_start3A_294] : memref<10112x16xf32, #tpu.memory_space<vmem_shared>> -> memref<10112x16xf32, #tpu.memory_space<vmem_shared>>
      tpu.enqueue_indirect_dma source(%dma_start3A_289 : memref<128x16xf32, #tpu.memory_space<vmem>>) target(%dma_start3A_295 : memref<10112x16xf32, #tpu.memory_space<vmem_shared>>) offsets(%dma_start3A_292 : memref<128xi32, #tpu.memory_space<vmem>>) semaphore(%arg16 : memref<!tpu.dma_semaphore, #tpu.memory_space<semaphore_mem>>) {add = true}
      %add3A_296 = arith.constant 4 : i32
      %add3A_297 = arith.addi %mul3A_29, %add3A_296 : i32
      %dma_start3A_298 = arith.constant 512 : i32
      %dma_start3A_299 = arith.constant 0 : i32
      %dma_start3A_300 = tpu.memref_slice %arg13[%dma_start3A_298, %dma_start3A_299] : memref<1024x16xf32, #tpu.memory_space<vmem>> -> memref<128x16xf32, #tpu.memory_space<vmem>>
      %dma_start3A_301 = arith.constant 0 : i32
      %dma_start3A_302 = tpu.memref_slice %arg12[%add3A_297, %dma_start3A_301] : memref<80x128xi32, #tpu.memory_space<vmem>> -> memref<1x128xi32, #tpu.memory_space<vmem>>
      %dma_start3A_303 = tpu.memref_squeeze %dma_start3A_302 : memref<1x128xi32, #tpu.memory_space<vmem>> -> memref<128xi32, #tpu.memory_space<vmem>>
      %dma_start3A_304 = arith.constant 0 : i32
      %dma_start3A_305 = arith.constant 0 : i32
      %dma_start3A_306 = tpu.memref_slice %arg9[%dma_start3A_304, %dma_start3A_305] : memref<10112x16xf32, #tpu.memory_space<vmem_shared>> -> memref<10112x16xf32, #tpu.memory_space<vmem_shared>>
      tpu.enqueue_indirect_dma source(%dma_start3A_300 : memref<128x16xf32, #tpu.memory_space<vmem>>) target(%dma_start3A_306 : memref<10112x16xf32, #tpu.memory_space<vmem_shared>>) offsets(%dma_start3A_303 : memref<128xi32, #tpu.memory_space<vmem>>) semaphore(%arg16 : memref<!tpu.dma_semaphore, #tpu.memory_space<semaphore_mem>>) {add = true}
      %add3A_307 = arith.constant 5 : i32
      %add3A_308 = arith.addi %mul3A_29, %add3A_307 : i32
      %dma_start3A_309 = arith.constant 640 : i32
      %dma_start3A_310 = arith.constant 0 : i32
      %dma_start3A_311 = tpu.memref_slice %arg13[%dma_start3A_309, %dma_start3A_310] : memref<1024x16xf32, #tpu.memory_space<vmem>> -> memref<128x16xf32, #tpu.memory_space<vmem>>
      %dma_start3A_312 = arith.constant 0 : i32
      %dma_start3A_313 = tpu.memref_slice %arg12[%add3A_308, %dma_start3A_312] : memref<80x128xi32, #tpu.memory_space<vmem>> -> memref<1x128xi32, #tpu.memory_space<vmem>>
      %dma_start3A_314 = tpu.memref_squeeze %dma_start3A_313 : memref<1x128xi32, #tpu.memory_space<vmem>> -> memref<128xi32, #tpu.memory_space<vmem>>
      %dma_start3A_315 = arith.constant 0 : i32
      %dma_start3A_316 = arith.constant 0 : i32
      %dma_start3A_317 = tpu.memref_slice %arg9[%dma_start3A_315, %dma_start3A_316] : memref<10112x16xf32, #tpu.memory_space<vmem_shared>> -> memref<10112x16xf32, #tpu.memory_space<vmem_shared>>
      tpu.enqueue_indirect_dma source(%dma_start3A_311 : memref<128x16xf32, #tpu.memory_space<vmem>>) target(%dma_start3A_317 : memref<10112x16xf32, #tpu.memory_space<vmem_shared>>) offsets(%dma_start3A_314 : memref<128xi32, #tpu.memory_space<vmem>>) semaphore(%arg16 : memref<!tpu.dma_semaphore, #tpu.memory_space<semaphore_mem>>) {add = true}
      %add3A_318 = arith.constant 6 : i32
      %add3A_319 = arith.addi %mul3A_29, %add3A_318 : i32
      %dma_start3A_320 = arith.constant 768 : i32
      %dma_start3A_321 = arith.constant 0 : i32
      %dma_start3A_322 = tpu.memref_slice %arg13[%dma_start3A_320, %dma_start3A_321] : memref<1024x16xf32, #tpu.memory_space<vmem>> -> memref<128x16xf32, #tpu.memory_space<vmem>>
      %dma_start3A_323 = arith.constant 0 : i32
      %dma_start3A_324 = tpu.memref_slice %arg12[%add3A_319, %dma_start3A_323] : memref<80x128xi32, #tpu.memory_space<vmem>> -> memref<1x128xi32, #tpu.memory_space<vmem>>
      %dma_start3A_325 = tpu.memref_squeeze %dma_start3A_324 : memref<1x128xi32, #tpu.memory_space<vmem>> -> memref<128xi32, #tpu.memory_space<vmem>>
      %dma_start3A_326 = arith.constant 0 : i32
      %dma_start3A_327 = arith.constant 0 : i32
      %dma_start3A_328 = tpu.memref_slice %arg9[%dma_start3A_326, %dma_start3A_327] : memref<10112x16xf32, #tpu.memory_space<vmem_shared>> -> memref<10112x16xf32, #tpu.memory_space<vmem_shared>>
      tpu.enqueue_indirect_dma source(%dma_start3A_322 : memref<128x16xf32, #tpu.memory_space<vmem>>) target(%dma_start3A_328 : memref<10112x16xf32, #tpu.memory_space<vmem_shared>>) offsets(%dma_start3A_325 : memref<128xi32, #tpu.memory_space<vmem>>) semaphore(%arg16 : memref<!tpu.dma_semaphore, #tpu.memory_space<semaphore_mem>>) {add = true}
      %add3A_329 = arith.constant 7 : i32
      %add3A_330 = arith.addi %mul3A_29, %add3A_329 : i32
      %dma_start3A_331 = arith.constant 896 : i32
      %dma_start3A_332 = arith.constant 0 : i32
      %dma_start3A_333 = tpu.memref_slice %arg13[%dma_start3A_331, %dma_start3A_332] : memref<1024x16xf32, #tpu.memory_space<vmem>> -> memref<128x16xf32, #tpu.memory_space<vmem>>
      %dma_start3A_334 = arith.constant 0 : i32
      %dma_start3A_335 = tpu.memref_slice %arg12[%add3A_330, %dma_start3A_334] : memref<80x128xi32, #tpu.memory_space<vmem>> -> memref<1x128xi32, #tpu.memory_space<vmem>>
      %dma_start3A_336 = tpu.memref_squeeze %dma_start3A_335 : memref<1x128xi32, #tpu.memory_space<vmem>> -> memref<128xi32, #tpu.memory_space<vmem>>
      %dma_start3A_337 = arith.constant 0 : i32
      %dma_start3A_338 = arith.constant 0 : i32
      %dma_start3A_339 = tpu.memref_slice %arg9[%dma_start3A_337, %dma_start3A_338] : memref<10112x16xf32, #tpu.memory_space<vmem_shared>> -> memref<10112x16xf32, #tpu.memory_space<vmem_shared>>
      tpu.enqueue_indirect_dma source(%dma_start3A_333 : memref<128x16xf32, #tpu.memory_space<vmem>>) target(%dma_start3A_339 : memref<10112x16xf32, #tpu.memory_space<vmem_shared>>) offsets(%dma_start3A_336 : memref<128xi32, #tpu.memory_space<vmem>>) semaphore(%arg16 : memref<!tpu.dma_semaphore, #tpu.memory_space<semaphore_mem>>) {add = true}
      %dma_wait3A_340 = arith.constant 0 : i32
      %dma_wait3A_341 = arith.constant 0 : i32
      %dma_wait3A_342 = tpu.memref_slice %arg13[%dma_wait3A_340, %dma_wait3A_341] : memref<1024x16xf32, #tpu.memory_space<vmem>> -> memref<128x16xf32, #tpu.memory_space<vmem>>
      %dma_wait3A_343 = arith.constant 0 : i32
      %dma_wait3A_344 = tpu.memref_slice %arg12[%add3A_253, %dma_wait3A_343] : memref<80x128xi32, #tpu.memory_space<vmem>> -> memref<1x128xi32, #tpu.memory_space<vmem>>
      %dma_wait3A_345 = tpu.memref_squeeze %dma_wait3A_344 : memref<1x128xi32, #tpu.memory_space<vmem>> -> memref<128xi32, #tpu.memory_space<vmem>>
      %dma_wait3A_346 = arith.constant 0 : i32
      %dma_wait3A_347 = arith.constant 0 : i32
      %dma_wait3A_348 = tpu.memref_slice %arg9[%dma_wait3A_346, %dma_wait3A_347] : memref<10112x16xf32, #tpu.memory_space<vmem_shared>> -> memref<10112x16xf32, #tpu.memory_space<vmem_shared>>
      tpu.wait_indirect_dma semaphore(%arg16 : memref<!tpu.dma_semaphore, #tpu.memory_space<semaphore_mem>>) src(%dma_wait3A_342 : memref<128x16xf32, #tpu.memory_space<vmem>>) dst(%dma_wait3A_348 : memref<10112x16xf32, #tpu.memory_space<vmem_shared>>)
      %dma_wait3A_349 = arith.constant 128 : i32
      %dma_wait3A_350 = arith.constant 0 : i32
      %dma_wait3A_351 = tpu.memref_slice %arg13[%dma_wait3A_349, %dma_wait3A_350] : memref<1024x16xf32, #tpu.memory_space<vmem>> -> memref<128x16xf32, #tpu.memory_space<vmem>>
      %dma_wait3A_352 = arith.constant 0 : i32
      %dma_wait3A_353 = tpu.memref_slice %arg12[%add3A_264, %dma_wait3A_352] : memref<80x128xi32, #tpu.memory_space<vmem>> -> memref<1x128xi32, #tpu.memory_space<vmem>>
      %dma_wait3A_354 = tpu.memref_squeeze %dma_wait3A_353 : memref<1x128xi32, #tpu.memory_space<vmem>> -> memref<128xi32, #tpu.memory_space<vmem>>
      %dma_wait3A_355 = arith.constant 0 : i32
      %dma_wait3A_356 = arith.constant 0 : i32
      %dma_wait3A_357 = tpu.memref_slice %arg9[%dma_wait3A_355, %dma_wait3A_356] : memref<10112x16xf32, #tpu.memory_space<vmem_shared>> -> memref<10112x16xf32, #tpu.memory_space<vmem_shared>>
      tpu.wait_indirect_dma semaphore(%arg16 : memref<!tpu.dma_semaphore, #tpu.memory_space<semaphore_mem>>) src(%dma_wait3A_351 : memref<128x16xf32, #tpu.memory_space<vmem>>) dst(%dma_wait3A_357 : memref<10112x16xf32, #tpu.memory_space<vmem_shared>>)
      %dma_wait3A_358 = arith.constant 256 : i32
      %dma_wait3A_359 = arith.constant 0 : i32
      %dma_wait3A_360 = tpu.memref_slice %arg13[%dma_wait3A_358, %dma_wait3A_359] : memref<1024x16xf32, #tpu.memory_space<vmem>> -> memref<128x16xf32, #tpu.memory_space<vmem>>
      %dma_wait3A_361 = arith.constant 0 : i32
      %dma_wait3A_362 = tpu.memref_slice %arg12[%add3A_275, %dma_wait3A_361] : memref<80x128xi32, #tpu.memory_space<vmem>> -> memref<1x128xi32, #tpu.memory_space<vmem>>
      %dma_wait3A_363 = tpu.memref_squeeze %dma_wait3A_362 : memref<1x128xi32, #tpu.memory_space<vmem>> -> memref<128xi32, #tpu.memory_space<vmem>>
      %dma_wait3A_364 = arith.constant 0 : i32
      %dma_wait3A_365 = arith.constant 0 : i32
      %dma_wait3A_366 = tpu.memref_slice %arg9[%dma_wait3A_364, %dma_wait3A_365] : memref<10112x16xf32, #tpu.memory_space<vmem_shared>> -> memref<10112x16xf32, #tpu.memory_space<vmem_shared>>
      tpu.wait_indirect_dma semaphore(%arg16 : memref<!tpu.dma_semaphore, #tpu.memory_space<semaphore_mem>>) src(%dma_wait3A_360 : memref<128x16xf32, #tpu.memory_space<vmem>>) dst(%dma_wait3A_366 : memref<10112x16xf32, #tpu.memory_space<vmem_shared>>)
      %dma_wait3A_367 = arith.constant 384 : i32
      %dma_wait3A_368 = arith.constant 0 : i32
      %dma_wait3A_369 = tpu.memref_slice %arg13[%dma_wait3A_367, %dma_wait3A_368] : memref<1024x16xf32, #tpu.memory_space<vmem>> -> memref<128x16xf32, #tpu.memory_space<vmem>>
      %dma_wait3A_370 = arith.constant 0 : i32
      %dma_wait3A_371 = tpu.memref_slice %arg12[%add3A_286, %dma_wait3A_370] : memref<80x128xi32, #tpu.memory_space<vmem>> -> memref<1x128xi32, #tpu.memory_space<vmem>>
      %dma_wait3A_372 = tpu.memref_squeeze %dma_wait3A_371 : memref<1x128xi32, #tpu.memory_space<vmem>> -> memref<128xi32, #tpu.memory_space<vmem>>
      %dma_wait3A_373 = arith.constant 0 : i32
      %dma_wait3A_374 = arith.constant 0 : i32
      %dma_wait3A_375 = tpu.memref_slice %arg9[%dma_wait3A_373, %dma_wait3A_374] : memref<10112x16xf32, #tpu.memory_space<vmem_shared>> -> memref<10112x16xf32, #tpu.memory_space<vmem_shared>>
      tpu.wait_indirect_dma semaphore(%arg16 : memref<!tpu.dma_semaphore, #tpu.memory_space<semaphore_mem>>) src(%dma_wait3A_369 : memref<128x16xf32, #tpu.memory_space<vmem>>) dst(%dma_wait3A_375 : memref<10112x16xf32, #tpu.memory_space<vmem_shared>>)
      %dma_wait3A_376 = arith.constant 512 : i32
      %dma_wait3A_377 = arith.constant 0 : i32
      %dma_wait3A_378 = tpu.memref_slice %arg13[%dma_wait3A_376, %dma_wait3A_377] : memref<1024x16xf32, #tpu.memory_space<vmem>> -> memref<128x16xf32, #tpu.memory_space<vmem>>
      %dma_wait3A_379 = arith.constant 0 : i32
      %dma_wait3A_380 = tpu.memref_slice %arg12[%add3A_297, %dma_wait3A_379] : memref<80x128xi32, #tpu.memory_space<vmem>> -> memref<1x128xi32, #tpu.memory_space<vmem>>
      %dma_wait3A_381 = tpu.memref_squeeze %dma_wait3A_380 : memref<1x128xi32, #tpu.memory_space<vmem>> -> memref<128xi32, #tpu.memory_space<vmem>>
      %dma_wait3A_382 = arith.constant 0 : i32
      %dma_wait3A_383 = arith.constant 0 : i32
      %dma_wait3A_384 = tpu.memref_slice %arg9[%dma_wait3A_382, %dma_wait3A_383] : memref<10112x16xf32, #tpu.memory_space<vmem_shared>> -> memref<10112x16xf32, #tpu.memory_space<vmem_shared>>
      tpu.wait_indirect_dma semaphore(%arg16 : memref<!tpu.dma_semaphore, #tpu.memory_space<semaphore_mem>>) src(%dma_wait3A_378 : memref<128x16xf32, #tpu.memory_space<vmem>>) dst(%dma_wait3A_384 : memref<10112x16xf32, #tpu.memory_space<vmem_shared>>)
      %dma_wait3A_385 = arith.constant 640 : i32
      %dma_wait3A_386 = arith.constant 0 : i32
      %dma_wait3A_387 = tpu.memref_slice %arg13[%dma_wait3A_385, %dma_wait3A_386] : memref<1024x16xf32, #tpu.memory_space<vmem>> -> memref<128x16xf32, #tpu.memory_space<vmem>>
      %dma_wait3A_388 = arith.constant 0 : i32
      %dma_wait3A_389 = tpu.memref_slice %arg12[%add3A_308, %dma_wait3A_388] : memref<80x128xi32, #tpu.memory_space<vmem>> -> memref<1x128xi32, #tpu.memory_space<vmem>>
      %dma_wait3A_390 = tpu.memref_squeeze %dma_wait3A_389 : memref<1x128xi32, #tpu.memory_space<vmem>> -> memref<128xi32, #tpu.memory_space<vmem>>
      %dma_wait3A_391 = arith.constant 0 : i32
      %dma_wait3A_392 = arith.constant 0 : i32
      %dma_wait3A_393 = tpu.memref_slice %arg9[%dma_wait3A_391, %dma_wait3A_392] : memref<10112x16xf32, #tpu.memory_space<vmem_shared>> -> memref<10112x16xf32, #tpu.memory_space<vmem_shared>>
      tpu.wait_indirect_dma semaphore(%arg16 : memref<!tpu.dma_semaphore, #tpu.memory_space<semaphore_mem>>) src(%dma_wait3A_387 : memref<128x16xf32, #tpu.memory_space<vmem>>) dst(%dma_wait3A_393 : memref<10112x16xf32, #tpu.memory_space<vmem_shared>>)
      %dma_wait3A_394 = arith.constant 768 : i32
      %dma_wait3A_395 = arith.constant 0 : i32
      %dma_wait3A_396 = tpu.memref_slice %arg13[%dma_wait3A_394, %dma_wait3A_395] : memref<1024x16xf32, #tpu.memory_space<vmem>> -> memref<128x16xf32, #tpu.memory_space<vmem>>
      %dma_wait3A_397 = arith.constant 0 : i32
      %dma_wait3A_398 = tpu.memref_slice %arg12[%add3A_319, %dma_wait3A_397] : memref<80x128xi32, #tpu.memory_space<vmem>> -> memref<1x128xi32, #tpu.memory_space<vmem>>
      %dma_wait3A_399 = tpu.memref_squeeze %dma_wait3A_398 : memref<1x128xi32, #tpu.memory_space<vmem>> -> memref<128xi32, #tpu.memory_space<vmem>>
      %dma_wait3A_400 = arith.constant 0 : i32
      %dma_wait3A_401 = arith.constant 0 : i32
      %dma_wait3A_402 = tpu.memref_slice %arg9[%dma_wait3A_400, %dma_wait3A_401] : memref<10112x16xf32, #tpu.memory_space<vmem_shared>> -> memref<10112x16xf32, #tpu.memory_space<vmem_shared>>
      tpu.wait_indirect_dma semaphore(%arg16 : memref<!tpu.dma_semaphore, #tpu.memory_space<semaphore_mem>>) src(%dma_wait3A_396 : memref<128x16xf32, #tpu.memory_space<vmem>>) dst(%dma_wait3A_402 : memref<10112x16xf32, #tpu.memory_space<vmem_shared>>)
      %dma_wait3A_403 = arith.constant 896 : i32
      %dma_wait3A_404 = arith.constant 0 : i32
      %dma_wait3A_405 = tpu.memref_slice %arg13[%dma_wait3A_403, %dma_wait3A_404] : memref<1024x16xf32, #tpu.memory_space<vmem>> -> memref<128x16xf32, #tpu.memory_space<vmem>>
      %dma_wait3A_406 = arith.constant 0 : i32
      %dma_wait3A_407 = tpu.memref_slice %arg12[%add3A_330, %dma_wait3A_406] : memref<80x128xi32, #tpu.memory_space<vmem>> -> memref<1x128xi32, #tpu.memory_space<vmem>>
      %dma_wait3A_408 = tpu.memref_squeeze %dma_wait3A_407 : memref<1x128xi32, #tpu.memory_space<vmem>> -> memref<128xi32, #tpu.memory_space<vmem>>
      %dma_wait3A_409 = arith.constant 0 : i32
      %dma_wait3A_410 = arith.constant 0 : i32
      %dma_wait3A_411 = tpu.memref_slice %arg9[%dma_wait3A_409, %dma_wait3A_410] : memref<10112x16xf32, #tpu.memory_space<vmem_shared>> -> memref<10112x16xf32, #tpu.memory_space<vmem_shared>>
      tpu.wait_indirect_dma semaphore(%arg16 : memref<!tpu.dma_semaphore, #tpu.memory_space<semaphore_mem>>) src(%dma_wait3A_405 : memref<128x16xf32, #tpu.memory_space<vmem>>) dst(%dma_wait3A_411 : memref<10112x16xf32, #tpu.memory_space<vmem_shared>>)
      %dma_wait3A_412 = arith.constant 0 : i32
      %dma_wait3A_413 = tpu.memref_slice %arg12[%add3A_118, %dma_wait3A_412] : memref<80x128xi32, #tpu.memory_space<vmem>> -> memref<1x128xi32, #tpu.memory_space<vmem>>
      %dma_wait3A_414 = tpu.memref_squeeze %dma_wait3A_413 : memref<1x128xi32, #tpu.memory_space<vmem>> -> memref<128xi32, #tpu.memory_space<vmem>>
      %dma_wait3A_415 = arith.constant 0 : i32
      %dma_wait3A_416 = arith.constant 0 : i32
      %dma_wait3A_417 = tpu.memref_slice %arg10[%dma_wait3A_415, %dma_wait3A_416] : memref<10112x16xf32, #tpu.memory_space<vmem_shared>> -> memref<10112x16xf32, #tpu.memory_space<vmem_shared>>
      tpu.wait_indirect_dma semaphore(%arg17 : memref<!tpu.dma_semaphore, #tpu.memory_space<semaphore_mem>>) src(%arg14 : memref<128x16xf32, #tpu.memory_space<vmem>>) dst(%dma_wait3A_417 : memref<10112x16xf32, #tpu.memory_space<vmem_shared>>)
      %dma_wait3A_418 = arith.constant 0 : i32
      %dma_wait3A_419 = tpu.memref_slice %arg12[%add3A_126, %dma_wait3A_418] : memref<80x128xi32, #tpu.memory_space<vmem>> -> memref<1x128xi32, #tpu.memory_space<vmem>>
      %dma_wait3A_420 = tpu.memref_squeeze %dma_wait3A_419 : memref<1x128xi32, #tpu.memory_space<vmem>> -> memref<128xi32, #tpu.memory_space<vmem>>
      %dma_wait3A_421 = arith.constant 0 : i32
      %dma_wait3A_422 = arith.constant 0 : i32
      %dma_wait3A_423 = tpu.memref_slice %arg10[%dma_wait3A_421, %dma_wait3A_422] : memref<10112x16xf32, #tpu.memory_space<vmem_shared>> -> memref<10112x16xf32, #tpu.memory_space<vmem_shared>>
      tpu.wait_indirect_dma semaphore(%arg17 : memref<!tpu.dma_semaphore, #tpu.memory_space<semaphore_mem>>) src(%arg14 : memref<128x16xf32, #tpu.memory_space<vmem>>) dst(%dma_wait3A_423 : memref<10112x16xf32, #tpu.memory_space<vmem_shared>>)
      %dma_wait3A_424 = arith.constant 0 : i32
      %dma_wait3A_425 = tpu.memref_slice %arg12[%add3A_134, %dma_wait3A_424] : memref<80x128xi32, #tpu.memory_space<vmem>> -> memref<1x128xi32, #tpu.memory_space<vmem>>
      %dma_wait3A_426 = tpu.memref_squeeze %dma_wait3A_425 : memref<1x128xi32, #tpu.memory_space<vmem>> -> memref<128xi32, #tpu.memory_space<vmem>>
      %dma_wait3A_427 = arith.constant 0 : i32
      %dma_wait3A_428 = arith.constant 0 : i32
      %dma_wait3A_429 = tpu.memref_slice %arg10[%dma_wait3A_427, %dma_wait3A_428] : memref<10112x16xf32, #tpu.memory_space<vmem_shared>> -> memref<10112x16xf32, #tpu.memory_space<vmem_shared>>
      tpu.wait_indirect_dma semaphore(%arg17 : memref<!tpu.dma_semaphore, #tpu.memory_space<semaphore_mem>>) src(%arg14 : memref<128x16xf32, #tpu.memory_space<vmem>>) dst(%dma_wait3A_429 : memref<10112x16xf32, #tpu.memory_space<vmem_shared>>)
      %dma_wait3A_430 = arith.constant 0 : i32
      %dma_wait3A_431 = tpu.memref_slice %arg12[%add3A_142, %dma_wait3A_430] : memref<80x128xi32, #tpu.memory_space<vmem>> -> memref<1x128xi32, #tpu.memory_space<vmem>>
      %dma_wait3A_432 = tpu.memref_squeeze %dma_wait3A_431 : memref<1x128xi32, #tpu.memory_space<vmem>> -> memref<128xi32, #tpu.memory_space<vmem>>
      %dma_wait3A_433 = arith.constant 0 : i32
      %dma_wait3A_434 = arith.constant 0 : i32
      %dma_wait3A_435 = tpu.memref_slice %arg10[%dma_wait3A_433, %dma_wait3A_434] : memref<10112x16xf32, #tpu.memory_space<vmem_shared>> -> memref<10112x16xf32, #tpu.memory_space<vmem_shared>>
      tpu.wait_indirect_dma semaphore(%arg17 : memref<!tpu.dma_semaphore, #tpu.memory_space<semaphore_mem>>) src(%arg14 : memref<128x16xf32, #tpu.memory_space<vmem>>) dst(%dma_wait3A_435 : memref<10112x16xf32, #tpu.memory_space<vmem_shared>>)
      %dma_wait3A_436 = arith.constant 0 : i32
      %dma_wait3A_437 = tpu.memref_slice %arg12[%add3A_150, %dma_wait3A_436] : memref<80x128xi32, #tpu.memory_space<vmem>> -> memref<1x128xi32, #tpu.memory_space<vmem>>
      %dma_wait3A_438 = tpu.memref_squeeze %dma_wait3A_437 : memref<1x128xi32, #tpu.memory_space<vmem>> -> memref<128xi32, #tpu.memory_space<vmem>>
      %dma_wait3A_439 = arith.constant 0 : i32
      %dma_wait3A_440 = arith.constant 0 : i32
      %dma_wait3A_441 = tpu.memref_slice %arg10[%dma_wait3A_439, %dma_wait3A_440] : memref<10112x16xf32, #tpu.memory_space<vmem_shared>> -> memref<10112x16xf32, #tpu.memory_space<vmem_shared>>
      tpu.wait_indirect_dma semaphore(%arg17 : memref<!tpu.dma_semaphore, #tpu.memory_space<semaphore_mem>>) src(%arg14 : memref<128x16xf32, #tpu.memory_space<vmem>>) dst(%dma_wait3A_441 : memref<10112x16xf32, #tpu.memory_space<vmem_shared>>)
      %dma_wait3A_442 = arith.constant 0 : i32
      %dma_wait3A_443 = tpu.memref_slice %arg12[%add3A_158, %dma_wait3A_442] : memref<80x128xi32, #tpu.memory_space<vmem>> -> memref<1x128xi32, #tpu.memory_space<vmem>>
      %dma_wait3A_444 = tpu.memref_squeeze %dma_wait3A_443 : memref<1x128xi32, #tpu.memory_space<vmem>> -> memref<128xi32, #tpu.memory_space<vmem>>
      %dma_wait3A_445 = arith.constant 0 : i32
      %dma_wait3A_446 = arith.constant 0 : i32
      %dma_wait3A_447 = tpu.memref_slice %arg10[%dma_wait3A_445, %dma_wait3A_446] : memref<10112x16xf32, #tpu.memory_space<vmem_shared>> -> memref<10112x16xf32, #tpu.memory_space<vmem_shared>>
      tpu.wait_indirect_dma semaphore(%arg17 : memref<!tpu.dma_semaphore, #tpu.memory_space<semaphore_mem>>) src(%arg14 : memref<128x16xf32, #tpu.memory_space<vmem>>) dst(%dma_wait3A_447 : memref<10112x16xf32, #tpu.memory_space<vmem_shared>>)
      %dma_wait3A_448 = arith.constant 0 : i32
      %dma_wait3A_449 = tpu.memref_slice %arg12[%add3A_166, %dma_wait3A_448] : memref<80x128xi32, #tpu.memory_space<vmem>> -> memref<1x128xi32, #tpu.memory_space<vmem>>
      %dma_wait3A_450 = tpu.memref_squeeze %dma_wait3A_449 : memref<1x128xi32, #tpu.memory_space<vmem>> -> memref<128xi32, #tpu.memory_space<vmem>>
      %dma_wait3A_451 = arith.constant 0 : i32
      %dma_wait3A_452 = arith.constant 0 : i32
      %dma_wait3A_453 = tpu.memref_slice %arg10[%dma_wait3A_451, %dma_wait3A_452] : memref<10112x16xf32, #tpu.memory_space<vmem_shared>> -> memref<10112x16xf32, #tpu.memory_space<vmem_shared>>
      tpu.wait_indirect_dma semaphore(%arg17 : memref<!tpu.dma_semaphore, #tpu.memory_space<semaphore_mem>>) src(%arg14 : memref<128x16xf32, #tpu.memory_space<vmem>>) dst(%dma_wait3A_453 : memref<10112x16xf32, #tpu.memory_space<vmem_shared>>)
      %dma_wait3A_454 = arith.constant 0 : i32
      %dma_wait3A_455 = tpu.memref_slice %arg12[%add3A_174, %dma_wait3A_454] : memref<80x128xi32, #tpu.memory_space<vmem>> -> memref<1x128xi32, #tpu.memory_space<vmem>>
      %dma_wait3A_456 = tpu.memref_squeeze %dma_wait3A_455 : memref<1x128xi32, #tpu.memory_space<vmem>> -> memref<128xi32, #tpu.memory_space<vmem>>
      %dma_wait3A_457 = arith.constant 0 : i32
      %dma_wait3A_458 = arith.constant 0 : i32
      %dma_wait3A_459 = tpu.memref_slice %arg10[%dma_wait3A_457, %dma_wait3A_458] : memref<10112x16xf32, #tpu.memory_space<vmem_shared>> -> memref<10112x16xf32, #tpu.memory_space<vmem_shared>>
      tpu.wait_indirect_dma semaphore(%arg17 : memref<!tpu.dma_semaphore, #tpu.memory_space<semaphore_mem>>) src(%arg14 : memref<128x16xf32, #tpu.memory_space<vmem>>) dst(%dma_wait3A_459 : memref<10112x16xf32, #tpu.memory_space<vmem_shared>>)
    }
    %scan3A_17 = arith.constant 10 : i32
    %barrier3A_18 = arith.constant 0 : index
    tpu.barrier barrier_id(%barrier3A_18)
    %mul3A_19 = arith.constant 632 : i32
    %mul3A_20 = arith.muli %arg1, %mul3A_19 : i32
    %mul3A_21 = arith.constant 632 : i32
    %mul3A_22 = arith.muli %arg1, %mul3A_21 : i32
    "tpu.region"() ({
      %run_scoped3A = tpu.sem_alloc : memref<!tpu.dma_semaphore, #tpu.memory_space<semaphore_mem>>
      %dma_start3A = arith.constant 0 : i32
      %dma_start3A_27 = arith.constant 0 : i32
      %dma_start3A_28 = tpu.memref_slice %arg7[%arg0, %dma_start3A, %dma_start3A_27] : memref<2x10112x16xf32, #tpu.memory_space<hbm>> -> memref<1x10112x16xf32, #tpu.memory_space<hbm>>
      %dma_start3A_29 = tpu.memref_squeeze %dma_start3A_28 : memref<1x10112x16xf32, #tpu.memory_space<hbm>> -> memref<10112x16xf32, #tpu.memory_space<hbm>>
      %dma_start3A_30 = arith.constant 0 : i32
      %dma_start3A_31 = tpu.memref_slice %dma_start3A_29[%mul3A_22, %dma_start3A_30] : memref<10112x16xf32, #tpu.memory_space<hbm>> -> memref<632x16xf32, #tpu.memory_space<hbm>>
      %dma_start3A_32 = arith.constant 0 : i32
      %dma_start3A_33 = tpu.memref_slice %arg9[%mul3A_20, %dma_start3A_32] : memref<10112x16xf32, #tpu.memory_space<vmem_shared>> -> memref<632x16xf32, #tpu.memory_space<vmem_shared>>
      tpu.enqueue_dma source(%dma_start3A_33 : memref<632x16xf32, #tpu.memory_space<vmem_shared>>) target(%dma_start3A_31 : memref<632x16xf32, #tpu.memory_space<hbm>>) target_semaphore(%run_scoped3A : memref<!tpu.dma_semaphore, #tpu.memory_space<semaphore_mem>>)
      %dma_wait3A = arith.constant 0 : i32
      %dma_wait3A_34 = arith.constant 0 : i32
      %dma_wait3A_35 = tpu.memref_slice %arg7[%arg0, %dma_wait3A, %dma_wait3A_34] : memref<2x10112x16xf32, #tpu.memory_space<hbm>> -> memref<1x10112x16xf32, #tpu.memory_space<hbm>>
      %dma_wait3A_36 = tpu.memref_squeeze %dma_wait3A_35 : memref<1x10112x16xf32, #tpu.memory_space<hbm>> -> memref<10112x16xf32, #tpu.memory_space<hbm>>
      %dma_wait3A_37 = arith.constant 0 : i32
      %dma_wait3A_38 = tpu.memref_slice %dma_wait3A_36[%mul3A_22, %dma_wait3A_37] : memref<10112x16xf32, #tpu.memory_space<hbm>> -> memref<632x16xf32, #tpu.memory_space<hbm>>
      %dma_wait3A_39 = arith.constant 0 : i32
      %dma_wait3A_40 = tpu.memref_slice %arg9[%mul3A_20, %dma_wait3A_39] : memref<10112x16xf32, #tpu.memory_space<vmem_shared>> -> memref<632x16xf32, #tpu.memory_space<vmem_shared>>
      tpu.wait_dma2 semaphore(%run_scoped3A : memref<!tpu.dma_semaphore, #tpu.memory_space<semaphore_mem>>) src(%dma_wait3A_40 : memref<632x16xf32, #tpu.memory_space<vmem_shared>>) dst(%dma_wait3A_38 : memref<632x16xf32, #tpu.memory_space<hbm>>)
      tpu.yield
    }) : () -> ()
    %mul3A_23 = arith.constant 632 : i32
    %mul3A_24 = arith.muli %arg1, %mul3A_23 : i32
    %mul3A_25 = arith.constant 632 : i32
    %mul3A_26 = arith.muli %arg1, %mul3A_25 : i32
    "tpu.region"() ({
      %run_scoped3A = tpu.sem_alloc : memref<!tpu.dma_semaphore, #tpu.memory_space<semaphore_mem>>
      %dma_start3A = arith.constant 0 : i32
      %dma_start3A_27 = arith.constant 0 : i32
      %dma_start3A_28 = tpu.memref_slice %arg8[%arg0, %dma_start3A, %dma_start3A_27] : memref<2x10112x16xf32, #tpu.memory_space<hbm>> -> memref<1x10112x16xf32, #tpu.memory_space<hbm>>
      %dma_start3A_29 = tpu.memref_squeeze %dma_start3A_28 : memref<1x10112x16xf32, #tpu.memory_space<hbm>> -> memref<10112x16xf32, #tpu.memory_space<hbm>>
      %dma_start3A_30 = arith.constant 0 : i32
      %dma_start3A_31 = tpu.memref_slice %dma_start3A_29[%mul3A_26, %dma_start3A_30] : memref<10112x16xf32, #tpu.memory_space<hbm>> -> memref<632x16xf32, #tpu.memory_space<hbm>>
      %dma_start3A_32 = arith.constant 0 : i32
      %dma_start3A_33 = tpu.memref_slice %arg10[%mul3A_24, %dma_start3A_32] : memref<10112x16xf32, #tpu.memory_space<vmem_shared>> -> memref<632x16xf32, #tpu.memory_space<vmem_shared>>
      tpu.enqueue_dma source(%dma_start3A_33 : memref<632x16xf32, #tpu.memory_space<vmem_shared>>) target(%dma_start3A_31 : memref<632x16xf32, #tpu.memory_space<hbm>>) target_semaphore(%run_scoped3A : memref<!tpu.dma_semaphore, #tpu.memory_space<semaphore_mem>>)
      %dma_wait3A = arith.constant 0 : i32
      %dma_wait3A_34 = arith.constant 0 : i32
      %dma_wait3A_35 = tpu.memref_slice %arg8[%arg0, %dma_wait3A, %dma_wait3A_34] : memref<2x10112x16xf32, #tpu.memory_space<hbm>> -> memref<1x10112x16xf32, #tpu.memory_space<hbm>>
      %dma_wait3A_36 = tpu.memref_squeeze %dma_wait3A_35 : memref<1x10112x16xf32, #tpu.memory_space<hbm>> -> memref<10112x16xf32, #tpu.memory_space<hbm>>
      %dma_wait3A_37 = arith.constant 0 : i32
      %dma_wait3A_38 = tpu.memref_slice %dma_wait3A_36[%mul3A_26, %dma_wait3A_37] : memref<10112x16xf32, #tpu.memory_space<hbm>> -> memref<632x16xf32, #tpu.memory_space<hbm>>
      %dma_wait3A_39 = arith.constant 0 : i32
      %dma_wait3A_40 = tpu.memref_slice %arg10[%mul3A_24, %dma_wait3A_39] : memref<10112x16xf32, #tpu.memory_space<vmem_shared>> -> memref<632x16xf32, #tpu.memory_space<vmem_shared>>
      tpu.wait_dma2 semaphore(%run_scoped3A : memref<!tpu.dma_semaphore, #tpu.memory_space<semaphore_mem>>) src(%dma_wait3A_40 : memref<632x16xf32, #tpu.memory_space<vmem_shared>>) dst(%dma_wait3A_38 : memref<632x16xf32, #tpu.memory_space<hbm>>)
      tpu.yield
    }) : () -> ()
    return
  }
}

module attributes {stable_mosaic.version = 14 : i64} {
  func.func @_tc1_body(%arg0: i32, %arg1: memref<1000x128xf32, #tpu.memory_space<vmem>>, %arg2: memref<128x16xf32, #tpu.memory_space<vmem>>, %arg3: memref<128x16xf32, #tpu.memory_space<vmem>>, %arg4: memref<1000x16xf32, #tpu.memory_space<vmem>>, %arg5: memref<1000x16xf32, #tpu.memory_space<vmem>>) attributes {dimension_semantics = [#tpu.dimension_semantics<arbitrary>], iteration_bounds = array<i64: 10>, scalar_prefetch = 0 : i64, scratch_operands = 0 : i64, tpu.core_type = #tpu.core_type<tc>, window_params = [{transform_indices = @transform_0, window_bounds = array<i64: 1000, 128>}, {pipeline_mode = #tpu.pipeline_mode<synchronous>, transform_indices = @transform_1, window_bounds = array<i64: 128, 16>}, {pipeline_mode = #tpu.pipeline_mode<synchronous>, transform_indices = @transform_2, window_bounds = array<i64: 128, 16>}, {transform_indices = @transform_3, window_bounds = array<i64: 1000, 16>}, {transform_indices = @transform_4, window_bounds = array<i64: 1000, 16>}]} {
    %get3A = arith.constant 0 : index
    %get3A_0 = arith.constant 0 : index
    %get3A_1 = vector.load %arg1[%get3A, %get3A_0] : memref<1000x128xf32, #tpu.memory_space<vmem>>, vector<1000x128xf32>
    %get3A_2 = arith.constant 0 : index
    %get3A_3 = arith.constant 0 : index
    %get3A_4 = vector.load %arg2[%get3A_2, %get3A_3] : memref<128x16xf32, #tpu.memory_space<vmem>>, vector<128x16xf32>
    %dot_general3A = arith.constant dense<0.000000e+00> : vector<1000x16xf32>
    %dot_general3A_5 = tpu.matmul %get3A_1, %get3A_4, %dot_general3A {dimension_numbers = #tpu.dot_dimension_numbers<[1], [0], [0], [1], [0, 0, 1, 1], [], []>, transpose_lhs_hint = false} : vector<1000x128xf32>, vector<128x16xf32>, vector<1000x16xf32> -> vector<1000x16xf32>
    %swap3A = arith.constant 0 : index
    %swap3A_6 = arith.constant 0 : index
    %swap3A_7 = vector.load %arg4[%swap3A, %swap3A_6] : memref<1000x16xf32, #tpu.memory_space<vmem>>, vector<1000x16xf32>
    tpu.vector_store %arg4[%swap3A, %swap3A_6], %dot_general3A_5 {strides = array<i32>} : memref<1000x16xf32, #tpu.memory_space<vmem>>, vector<1000x16xf32>,
    %get3A_8 = arith.constant 0 : index
    %get3A_9 = arith.constant 0 : index
    %get3A_10 = vector.load %arg3[%get3A_8, %get3A_9] : memref<128x16xf32, #tpu.memory_space<vmem>>, vector<128x16xf32>
    %dot_general3A_11 = arith.constant dense<0.000000e+00> : vector<1000x16xf32>
    %dot_general3A_12 = tpu.matmul %get3A_1, %get3A_10, %dot_general3A_11 {dimension_numbers = #tpu.dot_dimension_numbers<[1], [0], [0], [1], [0, 0, 1, 1], [], []>, transpose_lhs_hint = false} : vector<1000x128xf32>, vector<128x16xf32>, vector<1000x16xf32> -> vector<1000x16xf32>
    %swap3A_13 = arith.constant 0 : index
    %swap3A_14 = arith.constant 0 : index
    %swap3A_15 = vector.load %arg5[%swap3A_13, %swap3A_14] : memref<1000x16xf32, #tpu.memory_space<vmem>>, vector<1000x16xf32>
    tpu.vector_store %arg5[%swap3A_13, %swap3A_14], %dot_general3A_12 {strides = array<i32>} : memref<1000x16xf32, #tpu.memory_space<vmem>>, vector<1000x16xf32>,
    return
  }
  func.func @transform_0(%arg0: i32) -> (i32, i32) {
    %c0_i32 = arith.constant 0 : i32
    %c0_i32_0 = arith.constant 0 : i32
    return %arg0, %c0_i32 : i32, i32
  }
  func.func @transform_1(%arg0: i32) -> (i32, i32) {
    %c0_i32 = arith.constant 0 : i32
    %c0_i32_0 = arith.constant 0 : i32
    %c0_i32_1 = arith.constant 0 : i32
    return %c0_i32, %c0_i32_0 : i32, i32
  }
  func.func @transform_2(%arg0: i32) -> (i32, i32) {
    %c0_i32 = arith.constant 0 : i32
    %c0_i32_0 = arith.constant 0 : i32
    %c0_i32_1 = arith.constant 0 : i32
    return %c0_i32, %c0_i32_0 : i32, i32
  }
  func.func @transform_3(%arg0: i32) -> (i32, i32) {
    %c0_i32 = arith.constant 0 : i32
    %c0_i32_0 = arith.constant 0 : i32
    return %arg0, %c0_i32 : i32, i32
  }
  func.func @transform_4(%arg0: i32) -> (i32, i32) {
    %c0_i32 = arith.constant 0 : i32
    %c0_i32_0 = arith.constant 0 : i32
    return %arg0, %c0_i32 : i32, i32
  }
}

module attributes {stable_mosaic.version = 14 : i64} {
  func.func @_tc3_body(%arg0: i32, %arg1: memref<2x1000x16xf32, #tpu.memory_space<vmem>>, %arg2: memref<1000x16xf32, #tpu.memory_space<vmem>>, %arg3: memref<1000x16xf32, #tpu.memory_space<vmem>>, %arg4: memref<1000x16xf32, #tpu.memory_space<vmem>>) attributes {dimension_semantics = [#tpu.dimension_semantics<arbitrary>], iteration_bounds = array<i64: 10>, scalar_prefetch = 0 : i64, scratch_operands = 0 : i64, tpu.core_type = #tpu.core_type<tc>, window_params = [{transform_indices = @transform_0, window_bounds = array<i64: 2, 1000, 16>}, {transform_indices = @transform_1, window_bounds = array<i64: 1000, 16>}, {transform_indices = @transform_2, window_bounds = array<i64: 1000, 16>}, {transform_indices = @transform_3, window_bounds = array<i64: 1000, 16>}]} {
    %get3A = arith.constant 0 : index
    %get3A_0 = arith.constant 0 : index
    %get3A_1 = arith.constant 0 : index
    %get3A_2 = vector.load %arg1[%get3A, %get3A_0, %get3A_1] : memref<2x1000x16xf32, #tpu.memory_space<vmem>>, vector<1x1000x16xf32>
    %get3A_3 = vector.shape_cast %get3A_2 : vector<1x1000x16xf32> to vector<1000x16xf32>
    %get3A_4 = arith.constant 1 : index
    %get3A_5 = arith.constant 0 : index
    %get3A_6 = arith.constant 0 : index
    %get3A_7 = vector.load %arg1[%get3A_4, %get3A_5, %get3A_6] : memref<2x1000x16xf32, #tpu.memory_space<vmem>>, vector<1x1000x16xf32>
    %get3A_8 = vector.shape_cast %get3A_7 : vector<1x1000x16xf32> to vector<1000x16xf32>
    %add3A = arith.addf %get3A_3, %get3A_8 : vector<1000x16xf32>
    %get3A_9 = arith.constant 0 : index
    %get3A_10 = arith.constant 0 : index
    %get3A_11 = vector.load %arg2[%get3A_9, %get3A_10] : memref<1000x16xf32, #tpu.memory_space<vmem>>, vector<1000x16xf32>
    %mul3A = arith.mulf %add3A, %get3A_11 : vector<1000x16xf32>
    %get3A_12 = arith.constant 0 : index
    %get3A_13 = arith.constant 0 : index
    %get3A_14 = vector.load %arg3[%get3A_12, %get3A_13] : memref<1000x16xf32, #tpu.memory_space<vmem>>, vector<1000x16xf32>
    %add3A_15 = arith.addf %mul3A, %get3A_14 : vector<1000x16xf32>
    %swap3A = arith.constant 0 : index
    %swap3A_16 = arith.constant 0 : index
    %swap3A_17 = vector.load %arg4[%swap3A, %swap3A_16] : memref<1000x16xf32, #tpu.memory_space<vmem>>, vector<1000x16xf32>
    tpu.vector_store %arg4[%swap3A, %swap3A_16], %add3A_15 {strides = array<i32>} : memref<1000x16xf32, #tpu.memory_space<vmem>>, vector<1000x16xf32>,
    return
  }
  func.func @transform_0(%arg0: i32) -> (i32, i32, i32) {
    %c0_i32 = arith.constant 0 : i32
    %c0_i32_0 = arith.constant 0 : i32
    %c0_i32_1 = arith.constant 0 : i32
    return %c0_i32, %arg0, %c0_i32_0 : i32, i32, i32
  }
  func.func @transform_1(%arg0: i32) -> (i32, i32) {
    %c0_i32 = arith.constant 0 : i32
    %c0_i32_0 = arith.constant 0 : i32
    return %arg0, %c0_i32 : i32, i32
  }
  func.func @transform_2(%arg0: i32) -> (i32, i32) {
    %c0_i32 = arith.constant 0 : i32
    %c0_i32_0 = arith.constant 0 : i32
    return %arg0, %c0_i32 : i32, i32
  }
  func.func @transform_3(%arg0: i32) -> (i32, i32) {
    %c0_i32 = arith.constant 0 : i32
    %c0_i32_0 = arith.constant 0 : i32
    return %arg0, %c0_i32 : i32, i32
  }
}

module attributes {stable_mosaic.version = 14 : i64} {
  func.func @_tc2_body(%arg0: i32, %arg1: memref<2x1000x16xf32, #tpu.memory_space<vmem>>, %arg2: memref<2x1000x16xf32, #tpu.memory_space<vmem>>, %arg3: memref<1000x16xf32, #tpu.memory_space<vmem>>, %arg4: memref<1000x16xf32, #tpu.memory_space<vmem>>, %arg5: memref<16x16xf32, #tpu.memory_space<vmem>>, %arg6: memref<16x16xf32, #tpu.memory_space<vmem>>, %arg7: memref<1000x16xf32, #tpu.memory_space<vmem>>, %arg8: memref<1000x16xf32, #tpu.memory_space<vmem>>, %arg9: memref<1000x16xf32, #tpu.memory_space<vmem>>, %arg10: memref<1000x16xf32, #tpu.memory_space<vmem>>) attributes {dimension_semantics = [#tpu.dimension_semantics<arbitrary>], iteration_bounds = array<i64: 10>, scalar_prefetch = 0 : i64, scratch_operands = 0 : i64, tpu.core_type = #tpu.core_type<tc>, window_params = [{transform_indices = @transform_0, window_bounds = array<i64: 2, 1000, 16>}, {transform_indices = @transform_1, window_bounds = array<i64: 2, 1000, 16>}, {transform_indices = @transform_2, window_bounds = array<i64: 1000, 16>}, {pipeline_mode = #tpu.pipeline_mode<synchronous>, transform_indices = @transform_3, window_bounds = array<i64: 1000, 16>}, {pipeline_mode = #tpu.pipeline_mode<synchronous>, transform_indices = @transform_4, window_bounds = array<i64: 16, 16>}, {pipeline_mode = #tpu.pipeline_mode<synchronous>, transform_indices = @transform_5, window_bounds = array<i64: 16, 16>}, {pipeline_mode = #tpu.pipeline_mode<synchronous>, transform_indices = @transform_6, window_bounds = array<i64: 1000, 16>}, {transform_indices = @transform_7, window_bounds = array<i64: 1000, 16>}, {transform_indices = @transform_8, window_bounds = array<i64: 1000, 16>}, {transform_indices = @transform_9, window_bounds = array<i64: 1000, 16>}]} {
    %get3A = arith.constant 0 : index
    %get3A_0 = arith.constant 0 : index
    %get3A_1 = arith.constant 0 : index
    %get3A_2 = vector.load %arg1[%get3A, %get3A_0, %get3A_1] : memref<2x1000x16xf32, #tpu.memory_space<vmem>>, vector<1x1000x16xf32>
    %get3A_3 = vector.shape_cast %get3A_2 : vector<1x1000x16xf32> to vector<1000x16xf32>
    %get3A_4 = arith.constant 1 : index
    %get3A_5 = arith.constant 0 : index
    %get3A_6 = arith.constant 0 : index
    %get3A_7 = vector.load %arg1[%get3A_4, %get3A_5, %get3A_6] : memref<2x1000x16xf32, #tpu.memory_space<vmem>>, vector<1x1000x16xf32>
    %get3A_8 = vector.shape_cast %get3A_7 : vector<1x1000x16xf32> to vector<1000x16xf32>
    %add3A = arith.addf %get3A_3, %get3A_8 : vector<1000x16xf32>
    %get3A_9 = arith.constant 0 : index
    %get3A_10 = arith.constant 0 : index
    %get3A_11 = arith.constant 0 : index
    %get3A_12 = vector.load %arg2[%get3A_9, %get3A_10, %get3A_11] : memref<2x1000x16xf32, #tpu.memory_space<vmem>>, vector<1x1000x16xf32>
    %get3A_13 = vector.shape_cast %get3A_12 : vector<1x1000x16xf32> to vector<1000x16xf32>
    %get3A_14 = arith.constant 1 : index
    %get3A_15 = arith.constant 0 : index
    %get3A_16 = arith.constant 0 : index
    %get3A_17 = vector.load %arg2[%get3A_14, %get3A_15, %get3A_16] : memref<2x1000x16xf32, #tpu.memory_space<vmem>>, vector<1x1000x16xf32>
    %get3A_18 = vector.shape_cast %get3A_17 : vector<1x1000x16xf32> to vector<1000x16xf32>
    %add3A_19 = arith.addf %get3A_13, %get3A_18 : vector<1000x16xf32>
    %max3A = arith.constant 1.000000e+00 : f32
    %max3A_20 = vector.broadcast %max3A : f32 to vector<1000x16xf32>
    %max3A_21 = arith.maximumf %add3A_19, %max3A_20 : vector<1000x16xf32>
    %div3A = arith.constant 1.000000e+00 : f32
    %div3A_22 = vector.broadcast %div3A : f32 to vector<1000x16xf32>
    %div3A_23 = arith.divf %div3A_22, %max3A_21 : vector<1000x16xf32>
    %mul3A = arith.mulf %add3A, %div3A_23 : vector<1000x16xf32>
    %get3A_24 = arith.constant 0 : index
    %get3A_25 = arith.constant 0 : index
    %get3A_26 = vector.load %arg4[%get3A_24, %get3A_25] : memref<1000x16xf32, #tpu.memory_space<vmem>>, vector<1000x16xf32>
    %add3A_27 = arith.addf %mul3A, %get3A_26 : vector<1000x16xf32>
    %get3A_28 = arith.constant 0 : index
    %get3A_29 = arith.constant 0 : index
    %get3A_30 = vector.load %arg3[%get3A_28, %get3A_29] : memref<1000x16xf32, #tpu.memory_space<vmem>>, vector<1000x16xf32>
    %add3A_31 = arith.addf %add3A_27, %get3A_30 : vector<1000x16xf32>
    %max3A_32 = arith.constant 0.000000e+00 : f32
    %max3A_33 = vector.broadcast %max3A_32 : f32 to vector<1000x16xf32>
    %max3A_34 = arith.maximumf %add3A_31, %max3A_33 : vector<1000x16xf32>
    %get3A_35 = arith.constant 0 : index
    %get3A_36 = arith.constant 0 : index
    %get3A_37 = vector.load %arg5[%get3A_35, %get3A_36] : memref<16x16xf32, #tpu.memory_space<vmem>>, vector<16x16xf32>
    %dot_general3A = arith.constant dense<0.000000e+00> : vector<1000x16xf32>
    %dot_general3A_38 = tpu.matmul %max3A_34, %get3A_37, %dot_general3A {dimension_numbers = #tpu.dot_dimension_numbers<[1], [0], [0], [1], [0, 0, 1, 1], [], []>, transpose_lhs_hint = false} : vector<1000x16xf32>, vector<16x16xf32>, vector<1000x16xf32> -> vector<1000x16xf32>
    %swap3A = arith.constant 0 : index
    %swap3A_39 = arith.constant 0 : index
    %swap3A_40 = vector.load %arg8[%swap3A, %swap3A_39] : memref<1000x16xf32, #tpu.memory_space<vmem>>, vector<1000x16xf32>
    tpu.vector_store %arg8[%swap3A, %swap3A_39], %dot_general3A_38 {strides = array<i32>} : memref<1000x16xf32, #tpu.memory_space<vmem>>, vector<1000x16xf32>,
    %get3A_41 = arith.constant 0 : index
    %get3A_42 = arith.constant 0 : index
    %get3A_43 = vector.load %arg6[%get3A_41, %get3A_42] : memref<16x16xf32, #tpu.memory_space<vmem>>, vector<16x16xf32>
    %dot_general3A_44 = arith.constant dense<0.000000e+00> : vector<1000x16xf32>
    %dot_general3A_45 = tpu.matmul %max3A_34, %get3A_43, %dot_general3A_44 {dimension_numbers = #tpu.dot_dimension_numbers<[1], [0], [0], [1], [0, 0, 1, 1], [], []>, transpose_lhs_hint = false} : vector<1000x16xf32>, vector<16x16xf32>, vector<1000x16xf32> -> vector<1000x16xf32>
    %get3A_46 = arith.constant 0 : index
    %get3A_47 = arith.constant 0 : index
    %get3A_48 = vector.load %arg7[%get3A_46, %get3A_47] : memref<1000x16xf32, #tpu.memory_space<vmem>>, vector<1000x16xf32>
    %add3A_49 = arith.addf %dot_general3A_45, %get3A_48 : vector<1000x16xf32>
    %swap3A_50 = arith.constant 0 : index
    %swap3A_51 = arith.constant 0 : index
    %swap3A_52 = vector.load %arg9[%swap3A_50, %swap3A_51] : memref<1000x16xf32, #tpu.memory_space<vmem>>, vector<1000x16xf32>
    tpu.vector_store %arg9[%swap3A_50, %swap3A_51], %add3A_49 {strides = array<i32>} : memref<1000x16xf32, #tpu.memory_space<vmem>>, vector<1000x16xf32>,
    %swap3A_53 = arith.constant 0 : index
    %swap3A_54 = arith.constant 0 : index
    %swap3A_55 = vector.load %arg10[%swap3A_53, %swap3A_54] : memref<1000x16xf32, #tpu.memory_space<vmem>>, vector<1000x16xf32>
    tpu.vector_store %arg10[%swap3A_53, %swap3A_54], %div3A_23 {strides = array<i32>} : memref<1000x16xf32, #tpu.memory_space<vmem>>, vector<1000x16xf32>,
    return
  }
  func.func @transform_0(%arg0: i32) -> (i32, i32, i32) {
    %c0_i32 = arith.constant 0 : i32
    %c0_i32_0 = arith.constant 0 : i32
    %c0_i32_1 = arith.constant 0 : i32
    return %c0_i32, %arg0, %c0_i32_0 : i32, i32, i32
  }
  func.func @transform_1(%arg0: i32) -> (i32, i32, i32) {
    %c0_i32 = arith.constant 0 : i32
    %c0_i32_0 = arith.constant 0 : i32
    %c0_i32_1 = arith.constant 0 : i32
    return %c0_i32, %arg0, %c0_i32_0 : i32, i32, i32
  }
  func.func @transform_2(%arg0: i32) -> (i32, i32) {
    %c0_i32 = arith.constant 0 : i32
    %c0_i32_0 = arith.constant 0 : i32
    return %arg0, %c0_i32 : i32, i32
  }
  func.func @transform_3(%arg0: i32) -> (i32, i32) {
    %c0_i32 = arith.constant 0 : i32
    %c0_i32_0 = arith.constant 0 : i32
    %c0_i32_1 = arith.constant 0 : i32
    return %c0_i32, %c0_i32_0 : i32, i32
  }
  func.func @transform_4(%arg0: i32) -> (i32, i32) {
    %c0_i32 = arith.constant 0 : i32
    %c0_i32_0 = arith.constant 0 : i32
    %c0_i32_1 = arith.constant 0 : i32
    return %c0_i32, %c0_i32_0 : i32, i32
  }
  func.func @transform_5(%arg0: i32) -> (i32, i32) {
    %c0_i32 = arith.constant 0 : i32
    %c0_i32_0 = arith.constant 0 : i32
    %c0_i32_1 = arith.constant 0 : i32
    return %c0_i32, %c0_i32_0 : i32, i32
  }
  func.func @transform_6(%arg0: i32) -> (i32, i32) {
    %c0_i32 = arith.constant 0 : i32
    %c0_i32_0 = arith.constant 0 : i32
    %c0_i32_1 = arith.constant 0 : i32
    return %c0_i32, %c0_i32_0 : i32, i32
  }
  func.func @transform_7(%arg0: i32) -> (i32, i32) {
    %c0_i32 = arith.constant 0 : i32
    %c0_i32_0 = arith.constant 0 : i32
    return %arg0, %c0_i32 : i32, i32
  }
  func.func @transform_8(%arg0: i32) -> (i32, i32) {
    %c0_i32 = arith.constant 0 : i32
    %c0_i32_0 = arith.constant 0 : i32
    return %arg0, %c0_i32 : i32, i32
  }
  func.func @transform_9(%arg0: i32) -> (i32, i32) {
    %c0_i32 = arith.constant 0 : i32
    %c0_i32_0 = arith.constant 0 : i32
    return %arg0, %c0_i32 : i32, i32
  }
}

</mosaic_0001>

<sc_bundles>
// kernel: kernel.10.cloned.1.call-start
scs
__scs_entry_jumppad:
0x0: {  	(pc) =	sbr.rel $0x88, $3  }
0x1: {  	(tag) =	ssettag $0x0;
	lr =	simm.s32 $0x1  }
0x2: {  	[smem:$0x3F99] =	sst lr;
	_ =	strace $0xD0000000  }
0x3: {  	_ = 	snop  }
0x4: {  	_ = 	snop  }
0x5: {  	_ = 	snop  }
0x6: {  	_ = 	snop  }
0x7: {  	_ = 	snop  }
__scs_overlays_trampoline_lowered:
0x8: {  	[smem:$0x3FA8] =	sst s0  }
0x9: {  	[smem:$0x3FA9] =	sst s1  }
0xa: {  	[smem:$0x3FAA] =	sst s2  }
0xb: {  	[smem:$0x3FAB] =	sst s3  }
0xc: {  	[smem:$0x3FAC] =	sst s4  }
0xd: {  	[smem:$0x3FAD] =	sst s5  }
0xe: {  	[smem:$0x3FAE] =	sst s6  }
0xf: {  	[smem:$0x3FAF] =	sst s7  }
0x10: {  	[smem:$0x3FB0] =	sst s8  }
0x11: {  	[smem:$0x3FB1] =	sst s9;
	s0 =	simm.s32 @!p0 $0x0  }
0x12: {  	s1 =	sld [smem:$0x3F97];
	s0 =	simm.s32 @p0 $0x1  }
0x13: {  	[smem:$0x3FB2] =	sst s0;
	s0 =	simm.s32 @!p1 $0x0  }
0x14: {  	s2 =	sld [smem:$0x3F96];
	s0 =	simm.s32 @p1 $0x1  }
0x15: {  	[smem:$0x3FB3] =	sst s0;
	s0 =	simm.s32 @!p2 $0x0  }
0x16: {  	s3 =	sld [smem:$0x3FDB];
	s0 =	simm.s32 @p2 $0x1  }
0x17: {  	s4 =	simm.s32 $0x1BF5;
	[smem:$0x3FB5] =	sst s0  }
0x18: {  	s0 =	sld [smem:$0x3F98];
	_ =	swait.ge [sflag:s4], $0x0  }
0x19: {  	s7 =	sld [smem:$0x3F99]  }
0x1a: {  	s8 =	sadd.s32 $0xFFFFE003, lr  }
0x1b: {  	s9 =	sadd.s32 $0xFFFFFEF7, lr;
	s5 =	simm.s32 $0xFFFFFFFF;
	p2 =	slt.u32 s8, $0xFFFFF086  }
0x1c: {  	p1 =	slt.u32 s9, $0xF7A;
	s5 =	simm.s32 @!p2 $0x0  }
0x1d: {  	s5 =	simm.s32 @p1 $0x1;
	p0 =	seq.s32 s7, s2  }
0x1e: {  	s7 =	smul.u32 @!p0 $0xF7A, s2;
	p2 =	seq.s32 @!p0 s5, $0x0  }
0x1f: {  	s9 =	smul.u32 $0xF7A, s1;
	s8 =	simm.s32 @!p0 $0x1BF5;
	p2 =	por !p2, p0  }
0x20: {  	[sflag:s8] =	ssyncset.s32 @!p0 $0xFFFFF086;
	s6 =	sadd.s32 @!p0 s3, s7;
	s7 =	simm.s32 @!p0 $0x108  }
0x21: {  	s3 =	sadd.s32 s3, s9;
	s6 =	sadd.s32 @!p0 $0x88, s6;
	s7 =	simm.s32 @p2 $0x1082  }
0x22: {  	[simem:s7], [sflag:s8] =	dma.local @!p0 [hbm:s6], $0xF7A  }
0x23: {  	s9 =	sor.u32 $0xD0000000, s2;
	s6 =	simm.s32 $0x108;
	_ =	swait.ge @!p0 [sflag:s8], $0x0  }
0x24: {  	s3 =	sadd.s32 $0x88, s3;
	s6 =	simm.s32 @!p1 $0x1082;
	[sflag:s4] =	ssyncset.s32 $0xFFFFF086  }
0x25: {  	[simem:s6], [sflag:s4] =	dma.local [hbm:s3], $0xF7A  }
0x26: {  	[smem:$0x3F99] =	sst s1;
	(tag) =	ssettag s2;
	_ =	strace s9  }
0x27: {  	s1 =	sld [smem:$0x3FA9]  }
0x28: {  	s2 =	sld [smem:$0x3FAA]  }
0x29: {  	s4 =	sld [smem:$0x3FAC]  }
0x2a: {  	p0 =	seq.s32 s5, $0x0;
	s5 =	sld [smem:$0x3FAD]  }
0x2b: {  	s6 =	sld [smem:$0x3FAE]  }
0x2c: {  	s7 =	sld [smem:$0x3FAF]  }
0x2d: {  	s3 =	simm.s32 $0x108;
	s8 =	sld [smem:$0x3FB0]  }
0x2e: {  	s3 =	simm.s32 @!p0 $0x1082;
	s9 =	sld [smem:$0x3FB1]  }
0x2f: {  	lr =	sadd.s32 s0, s3;
	s0 =	sld [smem:$0x3FA8]  }
0x30: {  	s3 =	sld [smem:$0x3FAB]  }
0x31: {  	[smem:$0x3FB4] =	sst s10  }
0x32: {  	s10 =	sld [smem:$0x3FB2];
	_ =	sdelay $0x3  }
0x33: {  	p0 =	seq.s32 s10, $0x1;
	s10 =	sld [smem:$0x3FB4];
	_ =	sdelay $0x3  }
0x34: {  	[smem:$0x3FB4] =	sst s10  }
0x35: {  	s10 =	sld [smem:$0x3FB3];
	_ =	sdelay $0x3  }
0x36: {  	p1 =	seq.s32 s10, $0x1;
	s10 =	sld [smem:$0x3FB4];
	_ =	sdelay $0x3  }
0x37: {  	[smem:$0x3FB4] =	sst s10  }
0x38: {  	s10 =	sld [smem:$0x3FB5]  }
0x39: {  	_ = 	snop;
	(pc) =	sbr.ind lr, $3  }
0x3a: {  	_ = 	snop  }
0x3b: {  	_ = 	snop  }
0x3c: {  	p2 =	seq.s32 s10, $0x1;
	s10 =	sld [smem:$0x3FB4]  }
0x3d: {  	_ =	shalt  }
0x3e: {  	_ =	shalt  }
0x3f: {  	_ =	shalt  }
0x40: {  	_ =	shalt  }
0x41: {  	_ =	shalt  }
0x42: {  	_ =	shalt  }
0x43: {  	_ =	shalt  }
0x44: {  	_ =	shalt  }
0x45: {  	_ =	shalt  }
0x46: {  	_ =	shalt  }
0x47: {  	_ =	shalt  }
0x48: {  	_ =	shalt  }
0x49: {  	_ =	shalt  }
0x4a: {  	_ =	shalt  }
0x4b: {  	_ =	shalt  }
0x4c: {  	_ =	shalt  }
0x4d: {  	_ =	shalt  }
0x4e: {  	_ =	shalt  }
0x4f: {  	_ =	shalt  }
0x50: {  	_ =	shalt  }
0x51: {  	_ =	shalt  }
0x52: {  	_ =	shalt  }
0x53: {  	_ =	shalt  }
0x54: {  	_ =	shalt  }
0x55: {  	_ =	shalt  }
0x56: {  	_ =	shalt  }
0x57: {  	_ =	shalt  }
0x58: {  	_ =	shalt  }
0x59: {  	_ =	shalt  }
0x5a: {  	_ =	shalt  }
0x5b: {  	_ =	shalt  }
0x5c: {  	_ =	shalt  }
0x5d: {  	_ =	shalt  }
0x5e: {  	_ =	shalt  }
0x5f: {  	_ =	shalt  }
0x60: {  	_ =	shalt  }
0x61: {  	_ =	shalt  }
0x62: {  	_ =	shalt  }
0x63: {  	_ =	shalt  }
0x64: {  	_ =	shalt  }
0x65: {  	_ =	shalt  }
0x66: {  	_ =	shalt  }
0x67: {  	_ =	shalt  }
0x68: {  	_ =	shalt  }
0x69: {  	_ =	shalt  }
0x6a: {  	_ =	shalt  }
0x6b: {  	_ =	shalt  }
0x6c: {  	_ =	shalt  }
0x6d: {  	_ =	shalt  }
0x6e: {  	_ =	shalt  }
0x6f: {  	_ =	shalt  }
0x70: {  	_ =	shalt  }
0x71: {  	_ =	shalt  }
0x72: {  	_ =	shalt  }
0x73: {  	_ =	shalt  }
0x74: {  	_ =	shalt  }
0x75: {  	_ =	shalt  }
0x76: {  	_ =	shalt  }
0x77: {  	_ =	shalt  }
0x78: {  	_ =	shalt  }
0x79: {  	_ =	shalt  }
0x7a: {  	_ =	shalt  }
0x7b: {  	_ =	shalt  }
0x7c: {  	_ =	shalt  }
0x7d: {  	_ =	shalt  }
0x7e: {  	_ =	shalt  }
0x7f: {  	_ =	shalt  }
0x80: {  	_ =	shalt  }
0x81: {  	_ =	shalt  }
0x82: {  	_ =	shalt  }
0x83: {  	_ =	shalt  }
0x84: {  	_ =	shalt  }
0x85: {  	_ =	shalt  }
0x86: {  	_ =	shalt  }
0x87: {  	_ =	shalt  }
.Lfunc_end0:
.L_simem_size_0:
called_computation.1_lowered:
.L_overlay_start_0:
0x88: {  	s2 =	sld [smem:$0x3FD9]  }
0x89: {  	s3 =	sld [smem:$0x3FFE];
	_ =	sdelay $0x1  }
0x8a: {  	s1 =	srdreg.scid  }
0x8b: {  	s0 =	sand.u32 $0x1, s1  }
0x8c: {  	s17 =	sshll.u32 s0, $0xA;
	s2 =	sadd.s32 s3, s2  }
0x8d: {  	s2 =	sadd.s32 s2, s17  }
0x8e: {  	[smem:$0x3FC0] =	sst s2  }
0x8f: {  	_ = 	snop  }
0x90: {  	s2 =	sld [smem:$0x3FD0];
	(tm) =	ssettm $0x1  }
0x91: {  	s18 =	sld [smem:$0x3FFB];
	_ =	sdelay $0x3  }
0x92: {  	_ =	strace s18  }
0x93: {  	s3 =	sld [smem:$0x3FFC];
	_ =	sdelay $0x3  }
0x94: {  	_ =	strace s3  }
0x95: {  	s3 =	sld [smem:$0x3FFD];
	_ =	sdelay $0x3  }
0x96: {  	_ =	strace s3  }
0x97: {  	_ =	strace $0x8FFFFFFF  }
0x98: {  	s19 =	sld [smem:$0x3FDB];
	_ =	sdelay $0x1  }
0x99: {  	s4 =	simm.s32 $_scs_section_size  }
0x9a: {  	s5 =	simm.s32 $_size__tile_overlayer_lowered;
	s6 =	simm.s32 $_tile_overlayer_lowered  }
0x9b: {  	s22 =	simm.s32 $0x1BFF;
	s21 =	sshll.u32 s6, $0x1;
	s3 =	sadd.s32 s4, s19  }
0x9c: {  	s7 =	simm.s32 $0x0;
	s20 =	sshll.u32 s5, $0x1;
	s5 =	sadd.s32 s21, s3  }
0x9d: {  	[timem:s7], [sflag:s22] =	dma.local [hbm:s5], s20  }
0x9e: {  	_ =	swait.ge [sflag:s22], s20  }
0x9f: {  	s4 =	ssub.s32 $0x0, s20;
	[sflag:s22] =	ssyncset.done $0x0  }
0xa0: {  	[sflag:s22] =	ssyncadd.s32 s4;
	_ =	sdelay $0x1  }
0xa1: {  	s23 =	simm.s32 $0x1B8B  }
0xa2: {  	_ =	swait.ge [sflag:s23], $0x1  }
0xa3: {  	[sflag:s23] =	ssyncset.done $0x0  }
0xa4: {  	s25 =	simm.s32 $0x1B8E;
	s24 =	sld [smem:$0x3FFE];
	[sflag:s23] =	ssyncadd.s32 $0xFFFFFFFF  }
0xa5: {  	s26 =	simm.s32 $execute0_lowered;
	[smem:$0x3FD2] =	sst s25  }
0xa6: {  	s5 =	sshll.u32 s26, $0x1;
	_ =	strace $0x80000049;
	[dreg:$0x1] =	wrdreg $0xFFFFFFFF  }
0xa7: {  	s28 =	simm.s32 $_size_execute0_lowered;
	s3 =	sadd.s32 s3, s5;
	[dreg:$0x0] =	wrdreg $0x0  }
0xa8: {  	s5 =	sshll.u32 s28, $0x1;
	[dreg:$0x2] =	wrdreg s3  }
0xa9: {  	[dreg:$0x3] =	wrdreg s5  }
0xaa: {  	[dreg:$0x4] =	wrdreg $0xC0  }
0xab: {  	_ =	task [dreg:s7], $0x5FFFF  }
0xac: {  	[dreg:$0x1] =	wrdreg $0xFFFFFFFF  }
0xad: {  	[dreg:$0x0] =	wrdreg $0x60  }
0xae: {  	[dreg:$0x2] =	wrdreg s24  }
0xaf: {  	[dreg:$0x3] =	wrdreg s2  }
0xb0: {  	[dreg:$0x4] =	wrdreg $0x0  }
0xb1: {  	[dreg:$0x5] =	wrdreg $0x9  }
0xb2: {  	_ =	task.clear_ibuf [dreg:s7], $0x6FFFF;
	_ =	strace $0x90000049  }
0xb3: {  	s29 =	simm.s32 $0x9;
	_ =	strace $0x8000004B  }
0xb4: {  	_ =	swait.ge [sflag:s29], $0x1  }
0xb5: {  	[sflag:s29] =	ssyncadd.s32 $0xFFFFFFFF  }
0xb6: {  	_ =	strace $0x9000004B  }
0xb7: {  	_ =	sfence  }
0xb8: {  	s30 =	sld [smem:$0x0];
	_ =	sdelay $0x2  }
0xb9: {  	s31 =	sshll.u32 s1, $0xD;
	s1 =	sshrl.u32 s1, $0x2  }
0xba: {  	s3 =	sand.u32 $0x4000, s31;
	s1 =	sadd.s32 s1, s30  }
0xbb: {  	s0 =	sor.u32 s3, s0;
	s1 =	sshll.u32 s1, $0x11  }
0xbc: {  	s0 =	sor.u32 s1, s0  }
0xbd: {  	s0 =	sadd.s32 $0x8F2B, s0  }
0xbe: {  	[sflag:s0] =	ssyncadd.remote.s32 $0x1  }
0xbf: {  	_ =	sfence.sel $0xFFFF  }
0xc0: {  	[dreg:$0x0] =	wrdreg $0xFFFFFFFF;
	(pc) =	sbr.abs _section_cstart, $3  }
0xc1: {  	[dreg:$0x1] =	wrdreg $0xFFFFFFFF  }
0xc2: {  	_ =	task.clear_ibuf [dreg:s7], $0x2FFFF;
	_ =	strace $0x9FFFFFFF  }
0xc3: {  	(tm) =	ssettm $0x7FFFFFFF  }
tec
execute0_lowered:
.L_overlay_start_1:
0x0: {  	(tag) =	ssettag $0x1  }
0x1: {  	s5 =	rddreg [dreg:$0x0]  }
0x2: {  	s6 =	rddreg [dreg:$0x1]  }
0x3: {  	s1 =	srdreg.scid;
	s0 =	stileid.u32  }
0x4: {  	s2 =	rddreg [dreg:$0x2];
	s3 =	simm.s32 $0x0;
	s12 =	simm.s32 $0x2780  }
0x5: {  	s13 =	simm.s32 $0x4F80;
	s14 =	simm.s32 $0x80;
	s15 =	simm.s32 $0x7780  }
0x6: {  	s16 =	simm.s32 $0x7F80;
	s17 =	simm.s32 $0x8780;
	s18 =	simm.s32 $0x8F80  }
0x7: {  	s19 =	simm.s32 $0x9780;
	s20 =	simm.s32 $0x9F80;
	s21 =	simm.s32 $0xA780  }
0x8: {  	s22 =	simm.s32 $0xAF80;
	s23 =	simm.s32 $0x1;
	s26 =	simm.s32 $0x0  }
0x9: {  	s7 =	sand.u32 $0x1, s1;
	s4 =	sshll.u32 s0, $0x1;
	[smem:$0x7FF] =	sst s3  }
0xa: {  	s10 =	smul.u32 $0x2780, s0;
	s31 =	sshll.u32 s0, $0x6;
	s4 =	sor.u32 s7, s4  }
0xb: {  	_ =	strace $0x8000004A;
	s9 =	smul.u32 $0x4F00, s7;
	s7 =	ssub.s32 $0x2, s7  }
0xc: {  	s8 =	smul.u32 $0x500, s4;
	s4 =	sadd.s32 $0x1400, s5;
	s30 =	sshrl.u32 s7, $0x1  }
0xd: {  	s24 =	sshrl.u32 s10, $0x3;
	s10 =	sadd.s32 s10, s2;
	s9 =	sadd.s32 s9, s5  }
0xe: {  	s11 =	ssub.s32 s7, s30;
	s10 =	sshrl.u32 s10, $0x3;
	s8 =	sadd.s32 s8, s5  }
0xf: {  	s5 =	sadd.s32 s6, s24;
	s6 =	sor.u32 $0x1C03, s31;
	s25 =	sadd.s32 $0x1A600, s9  }
0x10: {  	s9 =	smax.u32 s11, $0x1;
	s11 =	simm.s32 $0x3;
	s7 =	sadd.s32 $0x10400, s8  }
0x11: {  	s8 =	sadd.s32 $0x6400, s8;
	s24 =	sadd.s32 s24, s25;
	s25 =	simm.s32 $0x2  }
.LBB2_1:
0x12: {  	[spmem:s10], [sflag:s6] =	dma.local [hbm:s5], $0x4F0  }
0x13: {  	_ =	swait.ge [sflag:s11], $0x4F0  }
0x14: {  	[sflag:s11] =	ssyncset.done $0x0  }
0x15: {  	[sflag:s11] =	ssyncadd.s32 $0xFFFFFB10  }
0x16: {  	[tilespmem:s12], [sflag:$0x3] =	stream.linear.gather [hbm4b:s7+s3], $0x2800, $0x38;
	[tilespmem:$0xB780] =	vst v63  }
0x17: {  	_ =	swait.ge [sflag:s11], $0x2800  }
0x18: {  	[sflag:s11] =	ssyncset.done $0x0  }
0x19: {  	[sflag:s11] =	ssyncadd.s32 $0xFFFFD800  }
0x1a: {  	[tilespmem:s13], [sflag:$0x3] =	stream.linear.gather [hbm4b:s8+s3], $0x2800, $0x38;
	[tilespmem:$0xB780] =	vst v63  }
0x1b: {  	_ =	swait.ge [sflag:s11], $0x2800  }
0x1c: {  	[sflag:s11] =	ssyncset.done $0x0  }
0x1d: {  	[sflag:s11] =	ssyncadd.s32 $0xFFFFD800  }
0x1e: {  	s28 =	simm.s32 $0x2780;
	[bflag:$0x0] =	sbarrier.arrive $0xFFFF  }
0x1f: {  	[tilespmem:s15], [sflag:$0x1] =	stream.indirect.gather [hbm4b:s4+s14], $0x10, s28, s14, $0xb8;
	[tilespmem:$0xB780] =	vst v63  }
0x20: {  	s28 =	simm.s32 $0x2800  }
0x21: {  	[tilespmem:s16], [sflag:$0x1] =	stream.indirect.gather [hbm4b:s4+s14], $0x10, s28, s14, $0xb8;
	[tilespmem:$0xB780] =	vst v63  }
0x22: {  	s28 =	simm.s32 $0x2880  }
0x23: {  	[tilespmem:s17], [sflag:$0x1] =	stream.indirect.gather [hbm4b:s4+s14], $0x10, s28, s14, $0xb8;
	[tilespmem:$0xB780] =	vst v63  }
0x24: {  	s28 =	simm.s32 $0x2900  }
0x25: {  	[tilespmem:s18], [sflag:$0x1] =	stream.indirect.gather [hbm4b:s4+s14], $0x10, s28, s14, $0xb8;
	[tilespmem:$0xB780] =	vst v63  }
0x26: {  	s28 =	simm.s32 $0x2980  }
0x27: {  	[tilespmem:s19], [sflag:$0x1] =	stream.indirect.gather [hbm4b:s4+s14], $0x10, s28, s14, $0xb8;
	[tilespmem:$0xB780] =	vst v63  }
0x28: {  	s28 =	simm.s32 $0x2A00  }
0x29: {  	[tilespmem:s20], [sflag:$0x1] =	stream.indirect.gather [hbm4b:s4+s14], $0x10, s28, s14, $0xb8;
	[tilespmem:$0xB780] =	vst v63  }
0x2a: {  	s28 =	simm.s32 $0x2A80  }
0x2b: {  	[tilespmem:s21], [sflag:$0x1] =	stream.indirect.gather [hbm4b:s4+s14], $0x10, s28, s14, $0xb8;
	[tilespmem:$0xB780] =	vst v63  }
0x2c: {  	s28 =	simm.s32 $0x2B00  }
0x2d: {  	[tilespmem:s22], [sflag:$0x1] =	stream.indirect.gather [hbm4b:s4+s14], $0x10, s28, s14, $0xb8;
	[tilespmem:$0xB780] =	vst v63  }
0x2e: {  	_ =	swait.ge [sflag:s23], $0x800  }
0x2f: {  	[sflag:s23] =	ssyncset.done $0x0  }
0x30: {  	[sflag:s23] =	ssyncadd.s32 $0xFFFFF800  }
0x31: {  	_ =	swait.ge [sflag:s23], $0x800  }
0x32: {  	[sflag:s23] =	ssyncset.done $0x0  }
0x33: {  	[sflag:s23] =	ssyncadd.s32 $0xFFFFF800  }
0x34: {  	_ =	swait.ge [sflag:s23], $0x800  }
0x35: {  	[sflag:s23] =	ssyncset.done $0x0  }
0x36: {  	[sflag:s23] =	ssyncadd.s32 $0xFFFFF800  }
0x37: {  	_ =	swait.ge [sflag:s23], $0x800  }
0x38: {  	[sflag:s23] =	ssyncset.done $0x0  }
0x39: {  	[sflag:s23] =	ssyncadd.s32 $0xFFFFF800  }
0x3a: {  	_ =	swait.ge [sflag:s23], $0x800  }
0x3b: {  	[sflag:s23] =	ssyncset.done $0x0  }
0x3c: {  	[sflag:s23] =	ssyncadd.s32 $0xFFFFF800  }
0x3d: {  	_ =	swait.ge [sflag:s23], $0x800  }
0x3e: {  	[sflag:s23] =	ssyncset.done $0x0  }
0x3f: {  	[sflag:s23] =	ssyncadd.s32 $0xFFFFF800  }
0x40: {  	_ =	swait.ge [sflag:s23], $0x800  }
0x41: {  	[sflag:s23] =	ssyncset.done $0x0  }
0x42: {  	[sflag:s23] =	ssyncadd.s32 $0xFFFFF800  }
0x43: {  	_ =	swait.ge [sflag:s23], $0x800  }
0x44: {  	[sflag:s23] =	ssyncset.done $0x0  }
0x45: {  	s28 =	simm.s32 $0x4F80;
	[sflag:s23] =	ssyncadd.s32 $0xFFFFF800  }
0x46: {  	[spmem:s2] =	stream.indirect.scatter.add.f32 [tilespmem:s15], [sflag:$0x2], $0x10, s28, s14, $0xb8;
	[tilespmem:$0xB780] =	vst v63  }
0x47: {  	s28 =	simm.s32 $0x5000  }
0x48: {  	[spmem:s2] =	stream.indirect.scatter.add.f32 [tilespmem:s16], [sflag:$0x2], $0x10, s28, s14, $0xb8;
	[tilespmem:$0xB780] =	vst v63  }
0x49: {  	s28 =	simm.s32 $0x5080  }
0x4a: {  	[spmem:s2] =	stream.indirect.scatter.add.f32 [tilespmem:s17], [sflag:$0x2], $0x10, s28, s14, $0xb8;
	[tilespmem:$0xB780] =	vst v63  }
0x4b: {  	s28 =	simm.s32 $0x5100  }
0x4c: {  	[spmem:s2] =	stream.indirect.scatter.add.f32 [tilespmem:s18], [sflag:$0x2], $0x10, s28, s14, $0xb8;
	[tilespmem:$0xB780] =	vst v63  }
0x4d: {  	s28 =	simm.s32 $0x5180  }
0x4e: {  	[spmem:s2] =	stream.indirect.scatter.add.f32 [tilespmem:s19], [sflag:$0x2], $0x10, s28, s14, $0xb8;
	[tilespmem:$0xB780] =	vst v63  }
0x4f: {  	s28 =	simm.s32 $0x5200  }
0x50: {  	[spmem:s2] =	stream.indirect.scatter.add.f32 [tilespmem:s20], [sflag:$0x2], $0x10, s28, s14, $0xb8;
	[tilespmem:$0xB780] =	vst v63  }
0x51: {  	s28 =	simm.s32 $0x5280  }
0x52: {  	[spmem:s2] =	stream.indirect.scatter.add.f32 [tilespmem:s21], [sflag:$0x2], $0x10, s28, s14, $0xb8;
	[tilespmem:$0xB780] =	vst v63  }
0x53: {  	s28 =	simm.s32 $0x5300  }
0x54: {  	[spmem:s2] =	stream.indirect.scatter.add.f32 [tilespmem:s22], [sflag:$0x2], $0x10, s28, s14, $0xb8;
	[tilespmem:$0xB780] =	vst v63  }
0x55: {  	_ =	swait.ge [sflag:s25], $0x800  }
0x56: {  	[sflag:s25] =	ssyncset.done $0x0  }
0x57: {  	[sflag:s25] =	ssyncadd.s32 $0xFFFFF800  }
0x58: {  	_ =	swait.ge [sflag:s25], $0x800  }
0x59: {  	[sflag:s25] =	ssyncset.done $0x0  }
0x5a: {  	[sflag:s25] =	ssyncadd.s32 $0xFFFFF800  }
0x5b: {  	_ =	swait.ge [sflag:s25], $0x800  }
0x5c: {  	[sflag:s25] =	ssyncset.done $0x0  }
0x5d: {  	[sflag:s25] =	ssyncadd.s32 $0xFFFFF800  }
0x5e: {  	_ =	swait.ge [sflag:s25], $0x800  }
0x5f: {  	[sflag:s25] =	ssyncset.done $0x0  }
0x60: {  	[sflag:s25] =	ssyncadd.s32 $0xFFFFF800  }
0x61: {  	_ =	swait.ge [sflag:s25], $0x800  }
0x62: {  	[sflag:s25] =	ssyncset.done $0x0  }
0x63: {  	[sflag:s25] =	ssyncadd.s32 $0xFFFFF800  }
0x64: {  	_ =	swait.ge [sflag:s25], $0x800  }
0x65: {  	[sflag:s25] =	ssyncset.done $0x0  }
0x66: {  	[sflag:s25] =	ssyncadd.s32 $0xFFFFF800  }
0x67: {  	_ =	swait.ge [sflag:s25], $0x800  }
0x68: {  	[sflag:s25] =	ssyncset.done $0x0  }
0x69: {  	[sflag:s25] =	ssyncadd.s32 $0xFFFFF800  }
0x6a: {  	_ =	swait.ge [sflag:s25], $0x800  }
0x6b: {  	s31 =	simm.s32 $0x2000;
	s28 =	simm.s32 $0x400;
	[sflag:s25] =	ssyncset.done $0x0  }
.LBB2_2:
0x6c: {  	s1 =	sadd.s32 $0x2780, s28  }
0x6d: {  	[sflag:s25] =	ssyncadd.s32 $0xFFFFF800;
	s30 =	smov.u32 s31;
	s29 =	sadd.s32 $0x1000, s31  }
0x6e: {  	[tilespmem:s15], [sflag:$0x1] =	stream.indirect.gather [hbm4b:s4+s14], $0x10, s1, s14, $0xb8;
	[tilespmem:$0xB780] =	vst v63  }
0x6f: {  	p0 =	sne.s32 s31, $0x9000;
	s1 =	sadd.s32 $0x2800, s28  }
0x70: {  	[tilespmem:s16], [sflag:$0x1] =	stream.indirect.gather [hbm4b:s4+s14], $0x10, s1, s14, $0xb8;
	[tilespmem:$0xB780] =	vst v63  }
0x71: {  	s1 =	sadd.s32 $0x2880, s28  }
0x72: {  	[tilespmem:s17], [sflag:$0x1] =	stream.indirect.gather [hbm4b:s4+s14], $0x10, s1, s14, $0xb8;
	[tilespmem:$0xB780] =	vst v63  }
0x73: {  	s1 =	sadd.s32 $0x2900, s28  }
0x74: {  	[tilespmem:s18], [sflag:$0x1] =	stream.indirect.gather [hbm4b:s4+s14], $0x10, s1, s14, $0xb8;
	[tilespmem:$0xB780] =	vst v63  }
0x75: {  	s1 =	sadd.s32 $0x2980, s28  }
0x76: {  	[tilespmem:s19], [sflag:$0x1] =	stream.indirect.gather [hbm4b:s4+s14], $0x10, s1, s14, $0xb8;
	[tilespmem:$0xB780] =	vst v63  }
0x77: {  	s1 =	sadd.s32 $0x2A00, s28  }
0x78: {  	[tilespmem:s20], [sflag:$0x1] =	stream.indirect.gather [hbm4b:s4+s14], $0x10, s1, s14, $0xb8;
	[tilespmem:$0xB780] =	vst v63  }
0x79: {  	s1 =	sadd.s32 $0x2A80, s28  }
0x7a: {  	[tilespmem:s21], [sflag:$0x1] =	stream.indirect.gather [hbm4b:s4+s14], $0x10, s1, s14, $0xb8;
	[tilespmem:$0xB780] =	vst v63  }
0x7b: {  	s1 =	sadd.s32 $0x2B00, s28  }
0x7c: {  	[tilespmem:s22], [sflag:$0x1] =	stream.indirect.gather [hbm4b:s4+s14], $0x10, s1, s14, $0xb8;
	[tilespmem:$0xB780] =	vst v63  }
0x7d: {  	_ =	swait.ge [sflag:s23], $0x800  }
0x7e: {  	[sflag:s23] =	ssyncset.done $0x0  }
0x7f: {  	[sflag:s23] =	ssyncadd.s32 $0xFFFFF800  }
0x80: {  	_ =	swait.ge [sflag:s23], $0x800  }
0x81: {  	[sflag:s23] =	ssyncset.done $0x0  }
0x82: {  	[sflag:s23] =	ssyncadd.s32 $0xFFFFF800  }
0x83: {  	_ =	swait.ge [sflag:s23], $0x800  }
0x84: {  	[sflag:s23] =	ssyncset.done $0x0  }
0x85: {  	[sflag:s23] =	ssyncadd.s32 $0xFFFFF800  }
0x86: {  	_ =	swait.ge [sflag:s23], $0x800  }
0x87: {  	[sflag:s23] =	ssyncset.done $0x0  }
0x88: {  	[sflag:s23] =	ssyncadd.s32 $0xFFFFF800  }
0x89: {  	_ =	swait.ge [sflag:s23], $0x800  }
0x8a: {  	[sflag:s23] =	ssyncset.done $0x0  }
0x8b: {  	[sflag:s23] =	ssyncadd.s32 $0xFFFFF800  }
0x8c: {  	_ =	swait.ge [sflag:s23], $0x800  }
0x8d: {  	[sflag:s23] =	ssyncset.done $0x0  }
0x8e: {  	[sflag:s23] =	ssyncadd.s32 $0xFFFFF800  }
0x8f: {  	_ =	swait.ge [sflag:s23], $0x800  }
0x90: {  	[sflag:s23] =	ssyncset.done $0x0  }
0x91: {  	[sflag:s23] =	ssyncadd.s32 $0xFFFFF800  }
0x92: {  	_ =	swait.ge [sflag:s23], $0x800  }
0x93: {  	[sflag:s23] =	ssyncset.done $0x0  }
0x94: {  	s1 =	sadd.s32 $0x4F80, s28;
	[sflag:s23] =	ssyncadd.s32 $0xFFFFF800  }
0x95: {  	[spmem:s2] =	stream.indirect.scatter.add.f32 [tilespmem:s15], [sflag:$0x2], $0x10, s1, s14, $0xb8;
	[tilespmem:$0xB780] =	vst v63  }
0x96: {  	s1 =	sadd.s32 $0x5000, s28  }
0x97: {  	[spmem:s2] =	stream.indirect.scatter.add.f32 [tilespmem:s16], [sflag:$0x2], $0x10, s1, s14, $0xb8;
	[tilespmem:$0xB780] =	vst v63  }
0x98: {  	s1 =	sadd.s32 $0x5080, s28  }
0x99: {  	[spmem:s2] =	stream.indirect.scatter.add.f32 [tilespmem:s17], [sflag:$0x2], $0x10, s1, s14, $0xb8;
	[tilespmem:$0xB780] =	vst v63  }
0x9a: {  	s1 =	sadd.s32 $0x5100, s28  }
0x9b: {  	[spmem:s2] =	stream.indirect.scatter.add.f32 [tilespmem:s18], [sflag:$0x2], $0x10, s1, s14, $0xb8;
	[tilespmem:$0xB780] =	vst v63  }
0x9c: {  	s1 =	sadd.s32 $0x5180, s28  }
0x9d: {  	[spmem:s2] =	stream.indirect.scatter.add.f32 [tilespmem:s19], [sflag:$0x2], $0x10, s1, s14, $0xb8;
	[tilespmem:$0xB780] =	vst v63  }
0x9e: {  	s1 =	sadd.s32 $0x5200, s28  }
0x9f: {  	[spmem:s2] =	stream.indirect.scatter.add.f32 [tilespmem:s20], [sflag:$0x2], $0x10, s1, s14, $0xb8;
	[tilespmem:$0xB780] =	vst v63  }
0xa0: {  	s1 =	sadd.s32 $0x5280, s28  }
0xa1: {  	[spmem:s2] =	stream.indirect.scatter.add.f32 [tilespmem:s21], [sflag:$0x2], $0x10, s1, s14, $0xb8;
	[tilespmem:$0xB780] =	vst v63  }
0xa2: {  	s1 =	sadd.s32 $0x5300, s28  }
0xa3: {  	[spmem:s2] =	stream.indirect.scatter.add.f32 [tilespmem:s22], [sflag:$0x2], $0x10, s1, s14, $0xb8;
	[tilespmem:$0xB780] =	vst v63  }
0xa4: {  	_ =	swait.ge [sflag:s25], $0x800  }
0xa5: {  	[sflag:s25] =	ssyncset.done $0x0  }
0xa6: {  	[sflag:s25] =	ssyncadd.s32 $0xFFFFF800  }
0xa7: {  	_ =	swait.ge [sflag:s25], $0x800  }
0xa8: {  	[sflag:s25] =	ssyncset.done $0x0  }
0xa9: {  	[sflag:s25] =	ssyncadd.s32 $0xFFFFF800  }
0xaa: {  	_ =	swait.ge [sflag:s25], $0x800  }
0xab: {  	[sflag:s25] =	ssyncset.done $0x0  }
0xac: {  	[sflag:s25] =	ssyncadd.s32 $0xFFFFF800  }
0xad: {  	_ =	swait.ge [sflag:s25], $0x800  }
0xae: {  	[sflag:s25] =	ssyncset.done $0x0  }
0xaf: {  	[sflag:s25] =	ssyncadd.s32 $0xFFFFF800  }
0xb0: {  	_ =	swait.ge [sflag:s25], $0x800  }
0xb1: {  	[sflag:s25] =	ssyncset.done $0x0  }
0xb2: {  	[sflag:s25] =	ssyncadd.s32 $0xFFFFF800  }
0xb3: {  	_ =	swait.ge [sflag:s25], $0x800  }
0xb4: {  	[sflag:s25] =	ssyncset.done $0x0  }
0xb5: {  	[sflag:s25] =	ssyncadd.s32 $0xFFFFF800  }
.Ltmp0:
0xb6: {  	_ =	swait.ge [sflag:s25], $0x800;
	(pc) =	sbr.rel @p0 .LBB2_2-.Ltmp0, $4  }
0xb7: {  	[sflag:s25] =	ssyncset.done $0x0  }
0xb8: {  	[sflag:s25] =	ssyncadd.s32 $0xFFFFF800  }
0xb9: {  	_ =	swait.ge [sflag:s25], $0x800  }
0xba: {  	s31 =	smov.u32 s29;
	s28 =	sshra.s32 s30, $0x2;
	[sflag:s25] =	ssyncset.done $0x0  }
0xbb: {  	s1 =	sadd.s32 $0x2780, s28;
	[sflag:s25] =	ssyncadd.s32 $0xFFFFF800  }
0xbc: {  	[tilespmem:s15], [sflag:$0x1] =	stream.indirect.gather [hbm4b:s4+s14], $0x10, s1, s14, $0xb8;
	[tilespmem:$0xB780] =	vst v63  }
0xbd: {  	s29 =	sadd.s32 $0x2800, s28  }
0xbe: {  	[tilespmem:s16], [sflag:$0x1] =	stream.indirect.gather [hbm4b:s4+s14], $0x10, s29, s14, $0xb8;
	[tilespmem:$0xB780] =	vst v63  }
0xbf: {  	s30 =	sadd.s32 $0x2880, s28  }
0xc0: {  	[tilespmem:s17], [sflag:$0x1] =	stream.indirect.gather [hbm4b:s4+s14], $0x10, s30, s14, $0xb8;
	[tilespmem:$0xB780] =	vst v63  }
0xc1: {  	s31 =	sadd.s32 $0x2900, s28  }
0xc2: {  	[tilespmem:s18], [sflag:$0x1] =	stream.indirect.gather [hbm4b:s4+s14], $0x10, s31, s14, $0xb8;
	[tilespmem:$0xB780] =	vst v63  }
0xc3: {  	s29 =	sadd.s32 $0x2980, s28  }
0xc4: {  	[tilespmem:s19], [sflag:$0x1] =	stream.indirect.gather [hbm4b:s4+s14], $0x10, s29, s14, $0xb8;
	[tilespmem:$0xB780] =	vst v63  }
0xc5: {  	s30 =	sadd.s32 $0x2A00, s28  }
0xc6: {  	[tilespmem:s20], [sflag:$0x1] =	stream.indirect.gather [hbm4b:s4+s14], $0x10, s30, s14, $0xb8;
	[tilespmem:$0xB780] =	vst v63  }
0xc7: {  	s31 =	sadd.s32 $0x2A80, s28  }
0xc8: {  	[tilespmem:s21], [sflag:$0x1] =	stream.indirect.gather [hbm4b:s4+s14], $0x10, s31, s14, $0xb8;
	[tilespmem:$0xB780] =	vst v63  }
0xc9: {  	s29 =	sadd.s32 $0x2B00, s28  }
0xca: {  	[tilespmem:s22], [sflag:$0x1] =	stream.indirect.gather [hbm4b:s4+s14], $0x10, s29, s14, $0xb8;
	[tilespmem:$0xB780] =	vst v63  }
0xcb: {  	_ =	swait.ge [sflag:s23], $0x800  }
0xcc: {  	[sflag:s23] =	ssyncset.done $0x0  }
0xcd: {  	[sflag:s23] =	ssyncadd.s32 $0xFFFFF800  }
0xce: {  	_ =	swait.ge [sflag:s23], $0x800  }
0xcf: {  	[sflag:s23] =	ssyncset.done $0x0  }
0xd0: {  	[sflag:s23] =	ssyncadd.s32 $0xFFFFF800  }
0xd1: {  	_ =	swait.ge [sflag:s23], $0x800  }
0xd2: {  	[sflag:s23] =	ssyncset.done $0x0  }
0xd3: {  	[sflag:s23] =	ssyncadd.s32 $0xFFFFF800  }
0xd4: {  	_ =	swait.ge [sflag:s23], $0x800  }
0xd5: {  	[sflag:s23] =	ssyncset.done $0x0  }
0xd6: {  	[sflag:s23] =	ssyncadd.s32 $0xFFFFF800  }
0xd7: {  	_ =	swait.ge [sflag:s23], $0x800  }
0xd8: {  	[sflag:s23] =	ssyncset.done $0x0  }
0xd9: {  	[sflag:s23] =	ssyncadd.s32 $0xFFFFF800  }
0xda: {  	_ =	swait.ge [sflag:s23], $0x800  }
0xdb: {  	[sflag:s23] =	ssyncset.done $0x0  }
0xdc: {  	[sflag:s23] =	ssyncadd.s32 $0xFFFFF800  }
0xdd: {  	_ =	swait.ge [sflag:s23], $0x800  }
0xde: {  	[sflag:s23] =	ssyncset.done $0x0  }
0xdf: {  	[sflag:s23] =	ssyncadd.s32 $0xFFFFF800  }
0xe0: {  	_ =	swait.ge [sflag:s23], $0x800  }
0xe1: {  	[sflag:s23] =	ssyncset.done $0x0  }
0xe2: {  	s30 =	sadd.s32 $0x4F80, s28;
	[sflag:s23] =	ssyncadd.s32 $0xFFFFF800  }
0xe3: {  	[spmem:s2] =	stream.indirect.scatter.add.f32 [tilespmem:s15], [sflag:$0x2], $0x10, s30, s14, $0xb8;
	[tilespmem:$0xB780] =	vst v63  }
0xe4: {  	s31 =	sadd.s32 $0x5000, s28  }
0xe5: {  	[spmem:s2] =	stream.indirect.scatter.add.f32 [tilespmem:s16], [sflag:$0x2], $0x10, s31, s14, $0xb8;
	[tilespmem:$0xB780] =	vst v63  }
0xe6: {  	s29 =	sadd.s32 $0x5080, s28  }
0xe7: {  	[spmem:s2] =	stream.indirect.scatter.add.f32 [tilespmem:s17], [sflag:$0x2], $0x10, s29, s14, $0xb8;
	[tilespmem:$0xB780] =	vst v63  }
0xe8: {  	s30 =	sadd.s32 $0x5100, s28  }
0xe9: {  	[spmem:s2] =	stream.indirect.scatter.add.f32 [tilespmem:s18], [sflag:$0x2], $0x10, s30, s14, $0xb8;
	[tilespmem:$0xB780] =	vst v63  }
0xea: {  	s31 =	sadd.s32 $0x5180, s28  }
0xeb: {  	[spmem:s2] =	stream.indirect.scatter.add.f32 [tilespmem:s19], [sflag:$0x2], $0x10, s31, s14, $0xb8;
	[tilespmem:$0xB780] =	vst v63  }
0xec: {  	s29 =	sadd.s32 $0x5200, s28  }
0xed: {  	[spmem:s2] =	stream.indirect.scatter.add.f32 [tilespmem:s20], [sflag:$0x2], $0x10, s29, s14, $0xb8;
	[tilespmem:$0xB780] =	vst v63  }
0xee: {  	s30 =	sadd.s32 $0x5280, s28  }
0xef: {  	[spmem:s2] =	stream.indirect.scatter.add.f32 [tilespmem:s21], [sflag:$0x2], $0x10, s30, s14, $0xb8;
	[tilespmem:$0xB780] =	vst v63  }
0xf0: {  	s31 =	sadd.s32 $0x5300, s28  }
0xf1: {  	[spmem:s2] =	stream.indirect.scatter.add.f32 [tilespmem:s22], [sflag:$0x2], $0x10, s31, s14, $0xb8;
	[tilespmem:$0xB780] =	vst v63  }
0xf2: {  	_ =	swait.ge [sflag:s25], $0x800  }
0xf3: {  	[sflag:s25] =	ssyncset.done $0x0  }
0xf4: {  	[sflag:s25] =	ssyncadd.s32 $0xFFFFF800  }
0xf5: {  	_ =	swait.ge [sflag:s25], $0x800  }
0xf6: {  	[sflag:s25] =	ssyncset.done $0x0  }
0xf7: {  	[sflag:s25] =	ssyncadd.s32 $0xFFFFF800  }
0xf8: {  	_ =	swait.ge [sflag:s25], $0x800  }
0xf9: {  	[sflag:s25] =	ssyncset.done $0x0  }
0xfa: {  	[sflag:s25] =	ssyncadd.s32 $0xFFFFF800  }
0xfb: {  	_ =	swait.ge [sflag:s25], $0x800  }
0xfc: {  	[sflag:s25] =	ssyncset.done $0x0  }
0xfd: {  	[sflag:s25] =	ssyncadd.s32 $0xFFFFF800  }
0xfe: {  	_ =	swait.ge [sflag:s25], $0x800  }
0xff: {  	[sflag:s25] =	ssyncset.done $0x0  }
0x100: {  	[sflag:s25] =	ssyncadd.s32 $0xFFFFF800  }
0x101: {  	_ =	swait.ge [sflag:s25], $0x800  }
0x102: {  	[sflag:s25] =	ssyncset.done $0x0  }
0x103: {  	[sflag:s25] =	ssyncadd.s32 $0xFFFFF800  }
0x104: {  	_ =	swait.ge [sflag:s25], $0x800  }
0x105: {  	[sflag:s25] =	ssyncset.done $0x0  }
0x106: {  	[sflag:s25] =	ssyncadd.s32 $0xFFFFF800  }
0x107: {  	_ =	swait.ge [sflag:s25], $0x800  }
0x108: {  	s26 =	sadd.s32 $0x1, s26;
	[sflag:s25] =	ssyncset.done $0x0  }
0x109: {  	p0 =	sne.s32 s26, s9;
	[sflag:s25] =	ssyncadd.s32 $0xFFFFF800  }
.Ltmp1:
0x10a: {  	[bflag:$0x0] =	sbarrier.arrive $0xFFFF;
	(pc) =	sbr.rel @p0 .LBB2_1-.Ltmp1, $4  }
0x10b: {  	[hbm:s24], [sflag:s6] =	dma.local [spmem:s10], $0x4F0  }
0x10c: {  	_ =	swait.ge [sflag:s11], $0x4F0  }
0x10d: {  	[sflag:s11] =	ssyncset.done $0x0  }
0x10e: {  	[sflag:s11] =	ssyncadd.s32 $0xFFFFFB10  }
0x10f: {  	_ =	sfence.sel $0x180000  }
0x110: {  	[bflag:$0x0] =	sbarrier.arrive $0xFFFF  }
0x111: {  	_ =	strace $0x9000004A  }
0x112: {  	[bflag:$0x2] =	sbarrier.arrive $0xFFFF  }
0x113: {  	p0 =	sne.s32 s0, $0x0;
	s0 =	rddreg [dreg:$0x3]  }
0x114: {  	s0 =	sadd.s32 @!p0 $0x100000, s0  }
0x115: {  	[sflag:s0] =	ssyncadd.tile.s32 @!p0 $0x1;
	_ =	shalt  }
.Lfunc_end2:
_tile_overlayer_lowered:
.L_overlay_start_2:
0x116: {  	(tag) =	ssettag $0x2  }
0x117: {  	s0 =	rddreg [dreg:$0x0];
	s2 =	stileid.u32  }
0x118: {  	s1 =	rddreg [dreg:$0x1];
	p0 =	sne.s32 s2, $0x0  }
0x119: {  	s3 =	rddreg [dreg:$0x2];
	[bflag:$0x3] =	sbarrier.arrive $0xFFFF;
	s2 =	simm.s32 @!p0 $0x1C03  }
0x11a: {  	[timem:s3], [sflag:s2] =	dma.local @!p0 [hbm:s0], s1  }
0x11b: {  	s0 =	simm.s32 @!p0 $0x3  }
0x11c: {  	_ =	swait.ge @!p0 [sflag:s0], s1  }
0x11d: {  	s1 =	ssub.s32 @!p0 $0x0, s1;
	[sflag:s0] =	ssyncset.done @!p0 $0x0  }
0x11e: {  	[sflag:s0] =	ssyncadd.s32 @!p0 s1  }
0x11f: {  	[bflag:$0x3] =	sbarrier.arrive $0xFFFF  }
0x120: {  	_ =	shalt  }

// kernel: kernel.7.cloned.1.call-start
scs
__scs_entry_jumppad:
0x0: {  	(pc) =	sbr.rel $0x88, $3  }
0x1: {  	(tag) =	ssettag $0x0;
	lr =	simm.s32 $0x1  }
0x2: {  	[smem:$0x3F99] =	sst lr;
	_ =	strace $0xD0000000  }
0x3: {  	_ = 	snop  }
0x4: {  	_ = 	snop  }
0x5: {  	_ = 	snop  }
0x6: {  	_ = 	snop  }
0x7: {  	_ = 	snop  }
__scs_overlays_trampoline_lowered:
0x8: {  	[smem:$0x3FA8] =	sst s0  }
0x9: {  	[smem:$0x3FA9] =	sst s1  }
0xa: {  	[smem:$0x3FAA] =	sst s2  }
0xb: {  	[smem:$0x3FAB] =	sst s3  }
0xc: {  	[smem:$0x3FAC] =	sst s4  }
0xd: {  	[smem:$0x3FAD] =	sst s5  }
0xe: {  	[smem:$0x3FAE] =	sst s6  }
0xf: {  	[smem:$0x3FAF] =	sst s7  }
0x10: {  	[smem:$0x3FB0] =	sst s8  }
0x11: {  	[smem:$0x3FB1] =	sst s9;
	s0 =	simm.s32 @!p0 $0x0  }
0x12: {  	s1 =	sld [smem:$0x3F97];
	s0 =	simm.s32 @p0 $0x1  }
0x13: {  	[smem:$0x3FB2] =	sst s0;
	s0 =	simm.s32 @!p1 $0x0  }
0x14: {  	s2 =	sld [smem:$0x3F96];
	s0 =	simm.s32 @p1 $0x1  }
0x15: {  	[smem:$0x3FB3] =	sst s0;
	s0 =	simm.s32 @!p2 $0x0  }
0x16: {  	s3 =	sld [smem:$0x3FDB];
	s0 =	simm.s32 @p2 $0x1  }
0x17: {  	s4 =	simm.s32 $0x1BF5;
	[smem:$0x3FB5] =	sst s0  }
0x18: {  	s0 =	sld [smem:$0x3F98];
	_ =	swait.ge [sflag:s4], $0x0  }
0x19: {  	s7 =	sld [smem:$0x3F99]  }
0x1a: {  	s8 =	sadd.s32 $0xFFFFE003, lr  }
0x1b: {  	s9 =	sadd.s32 $0xFFFFFEF7, lr;
	s5 =	simm.s32 $0xFFFFFFFF;
	p2 =	slt.u32 s8, $0xFFFFF086  }
0x1c: {  	p1 =	slt.u32 s9, $0xF7A;
	s5 =	simm.s32 @!p2 $0x0  }
0x1d: {  	s5 =	simm.s32 @p1 $0x1;
	p0 =	seq.s32 s7, s2  }
0x1e: {  	s7 =	smul.u32 @!p0 $0xF7A, s2;
	p2 =	seq.s32 @!p0 s5, $0x0  }
0x1f: {  	s9 =	smul.u32 $0xF7A, s1;
	s8 =	simm.s32 @!p0 $0x1BF5;
	p2 =	por !p2, p0  }
0x20: {  	[sflag:s8] =	ssyncset.s32 @!p0 $0xFFFFF086;
	s6 =	sadd.s32 @!p0 s3, s7;
	s7 =	simm.s32 @!p0 $0x108  }
0x21: {  	s3 =	sadd.s32 s3, s9;
	s6 =	sadd.s32 @!p0 $0x88, s6;
	s7 =	simm.s32 @p2 $0x1082  }
0x22: {  	[simem:s7], [sflag:s8] =	dma.local @!p0 [hbm:s6], $0xF7A  }
0x23: {  	s9 =	sor.u32 $0xD0000000, s2;
	s6 =	simm.s32 $0x108;
	_ =	swait.ge @!p0 [sflag:s8], $0x0  }
0x24: {  	s3 =	sadd.s32 $0x88, s3;
	s6 =	simm.s32 @!p1 $0x1082;
	[sflag:s4] =	ssyncset.s32 $0xFFFFF086  }
0x25: {  	[simem:s6], [sflag:s4] =	dma.local [hbm:s3], $0xF7A  }
0x26: {  	[smem:$0x3F99] =	sst s1;
	(tag) =	ssettag s2;
	_ =	strace s9  }
0x27: {  	s1 =	sld [smem:$0x3FA9]  }
0x28: {  	s2 =	sld [smem:$0x3FAA]  }
0x29: {  	s4 =	sld [smem:$0x3FAC]  }
0x2a: {  	p0 =	seq.s32 s5, $0x0;
	s5 =	sld [smem:$0x3FAD]  }
0x2b: {  	s6 =	sld [smem:$0x3FAE]  }
0x2c: {  	s7 =	sld [smem:$0x3FAF]  }
0x2d: {  	s3 =	simm.s32 $0x108;
	s8 =	sld [smem:$0x3FB0]  }
0x2e: {  	s3 =	simm.s32 @!p0 $0x1082;
	s9 =	sld [smem:$0x3FB1]  }
0x2f: {  	lr =	sadd.s32 s0, s3;
	s0 =	sld [smem:$0x3FA8]  }
0x30: {  	s3 =	sld [smem:$0x3FAB]  }
0x31: {  	[smem:$0x3FB4] =	sst s10  }
0x32: {  	s10 =	sld [smem:$0x3FB2];
	_ =	sdelay $0x3  }
0x33: {  	p0 =	seq.s32 s10, $0x1;
	s10 =	sld [smem:$0x3FB4];
	_ =	sdelay $0x3  }
0x34: {  	[smem:$0x3FB4] =	sst s10  }
0x35: {  	s10 =	sld [smem:$0x3FB3];
	_ =	sdelay $0x3  }
0x36: {  	p1 =	seq.s32 s10, $0x1;
	s10 =	sld [smem:$0x3FB4];
	_ =	sdelay $0x3  }
0x37: {  	[smem:$0x3FB4] =	sst s10  }
0x38: {  	s10 =	sld [smem:$0x3FB5]  }
0x39: {  	_ = 	snop;
	(pc) =	sbr.ind lr, $3  }
0x3a: {  	_ = 	snop  }
0x3b: {  	_ = 	snop  }
0x3c: {  	p2 =	seq.s32 s10, $0x1;
	s10 =	sld [smem:$0x3FB4]  }
0x3d: {  	_ =	shalt  }
0x3e: {  	_ =	shalt  }
0x3f: {  	_ =	shalt  }
0x40: {  	_ =	shalt  }
0x41: {  	_ =	shalt  }
0x42: {  	_ =	shalt  }
0x43: {  	_ =	shalt  }
0x44: {  	_ =	shalt  }
0x45: {  	_ =	shalt  }
0x46: {  	_ =	shalt  }
0x47: {  	_ =	shalt  }
0x48: {  	_ =	shalt  }
0x49: {  	_ =	shalt  }
0x4a: {  	_ =	shalt  }
0x4b: {  	_ =	shalt  }
0x4c: {  	_ =	shalt  }
0x4d: {  	_ =	shalt  }
0x4e: {  	_ =	shalt  }
0x4f: {  	_ =	shalt  }
0x50: {  	_ =	shalt  }
0x51: {  	_ =	shalt  }
0x52: {  	_ =	shalt  }
0x53: {  	_ =	shalt  }
0x54: {  	_ =	shalt  }
0x55: {  	_ =	shalt  }
0x56: {  	_ =	shalt  }
0x57: {  	_ =	shalt  }
0x58: {  	_ =	shalt  }
0x59: {  	_ =	shalt  }
0x5a: {  	_ =	shalt  }
0x5b: {  	_ =	shalt  }
0x5c: {  	_ =	shalt  }
0x5d: {  	_ =	shalt  }
0x5e: {  	_ =	shalt  }
0x5f: {  	_ =	shalt  }
0x60: {  	_ =	shalt  }
0x61: {  	_ =	shalt  }
0x62: {  	_ =	shalt  }
0x63: {  	_ =	shalt  }
0x64: {  	_ =	shalt  }
0x65: {  	_ =	shalt  }
0x66: {  	_ =	shalt  }
0x67: {  	_ =	shalt  }
0x68: {  	_ =	shalt  }
0x69: {  	_ =	shalt  }
0x6a: {  	_ =	shalt  }
0x6b: {  	_ =	shalt  }
0x6c: {  	_ =	shalt  }
0x6d: {  	_ =	shalt  }
0x6e: {  	_ =	shalt  }
0x6f: {  	_ =	shalt  }
0x70: {  	_ =	shalt  }
0x71: {  	_ =	shalt  }
0x72: {  	_ =	shalt  }
0x73: {  	_ =	shalt  }
0x74: {  	_ =	shalt  }
0x75: {  	_ =	shalt  }
0x76: {  	_ =	shalt  }
0x77: {  	_ =	shalt  }
0x78: {  	_ =	shalt  }
0x79: {  	_ =	shalt  }
0x7a: {  	_ =	shalt  }
0x7b: {  	_ =	shalt  }
0x7c: {  	_ =	shalt  }
0x7d: {  	_ =	shalt  }
0x7e: {  	_ =	shalt  }
0x7f: {  	_ =	shalt  }
0x80: {  	_ =	shalt  }
0x81: {  	_ =	shalt  }
0x82: {  	_ =	shalt  }
0x83: {  	_ =	shalt  }
0x84: {  	_ =	shalt  }
0x85: {  	_ =	shalt  }
0x86: {  	_ =	shalt  }
0x87: {  	_ =	shalt  }
.Lfunc_end0:
.L_simem_size_0:
called_computation_lowered:
.L_overlay_start_0:
0x88: {  	s2 =	sld [smem:$0x3FD9]  }
0x89: {  	s3 =	sld [smem:$0x3FFE];
	_ =	sdelay $0x1  }
0x8a: {  	s1 =	srdreg.scid  }
0x8b: {  	s0 =	sand.u32 $0x1, s1  }
0x8c: {  	s17 =	sshll.u32 s0, $0xA;
	s2 =	sadd.s32 s3, s2  }
0x8d: {  	s2 =	sadd.s32 s2, s17  }
0x8e: {  	[smem:$0x3FC0] =	sst s2  }
0x8f: {  	_ = 	snop  }
0x90: {  	s2 =	sld [smem:$0x3FD0];
	(tm) =	ssettm $0x1  }
0x91: {  	s18 =	sld [smem:$0x3FFB];
	_ =	sdelay $0x3  }
0x92: {  	_ =	strace s18  }
0x93: {  	s3 =	sld [smem:$0x3FFC];
	_ =	sdelay $0x3  }
0x94: {  	_ =	strace s3  }
0x95: {  	s3 =	sld [smem:$0x3FFD];
	_ =	sdelay $0x3  }
0x96: {  	_ =	strace s3  }
0x97: {  	_ =	strace $0x8FFFFFFF  }
0x98: {  	s19 =	sld [smem:$0x3FDB];
	_ =	sdelay $0x1  }
0x99: {  	s4 =	simm.s32 $_scs_section_size  }
0x9a: {  	s5 =	simm.s32 $_size__tile_overlayer_lowered;
	s6 =	simm.s32 $_tile_overlayer_lowered  }
0x9b: {  	s22 =	simm.s32 $0x1BFF;
	s21 =	sshll.u32 s6, $0x1;
	s3 =	sadd.s32 s4, s19  }
0x9c: {  	s7 =	simm.s32 $0x0;
	s20 =	sshll.u32 s5, $0x1;
	s5 =	sadd.s32 s21, s3  }
0x9d: {  	[timem:s7], [sflag:s22] =	dma.local [hbm:s5], s20  }
0x9e: {  	_ =	swait.ge [sflag:s22], s20  }
0x9f: {  	s4 =	ssub.s32 $0x0, s20;
	[sflag:s22] =	ssyncset.done $0x0  }
0xa0: {  	[sflag:s22] =	ssyncadd.s32 s4;
	_ =	sdelay $0x1  }
0xa1: {  	s23 =	simm.s32 $0x1B8B  }
0xa2: {  	_ =	swait.ge [sflag:s23], $0x1  }
0xa3: {  	[sflag:s23] =	ssyncset.done $0x0  }
0xa4: {  	s25 =	simm.s32 $0x1B8E;
	s24 =	sld [smem:$0x3FFE];
	[sflag:s23] =	ssyncadd.s32 $0xFFFFFFFF  }
0xa5: {  	s26 =	simm.s32 $execute0_lowered;
	[smem:$0x3FD2] =	sst s25  }
0xa6: {  	s5 =	sshll.u32 s26, $0x1;
	_ =	strace $0x80000046;
	[dreg:$0x1] =	wrdreg $0xFFFFFFFF  }
0xa7: {  	s28 =	simm.s32 $_size_execute0_lowered;
	s3 =	sadd.s32 s3, s5;
	[dreg:$0x0] =	wrdreg $0x0  }
0xa8: {  	s5 =	sshll.u32 s28, $0x1;
	[dreg:$0x2] =	wrdreg s3  }
0xa9: {  	[dreg:$0x3] =	wrdreg s5  }
0xaa: {  	[dreg:$0x4] =	wrdreg $0xC0  }
0xab: {  	_ =	task [dreg:s7], $0x5FFFF  }
0xac: {  	[dreg:$0x1] =	wrdreg $0xFFFFFFFF  }
0xad: {  	[dreg:$0x0] =	wrdreg $0x60  }
0xae: {  	[dreg:$0x2] =	wrdreg s24  }
0xaf: {  	[dreg:$0x3] =	wrdreg s2  }
0xb0: {  	[dreg:$0x4] =	wrdreg $0x0  }
0xb1: {  	[dreg:$0x5] =	wrdreg $0x27800  }
0xb2: {  	[dreg:$0x6] =	wrdreg $0x9  }
0xb3: {  	_ =	task.clear_ibuf [dreg:s7], $0x7FFFF;
	_ =	strace $0x90000046  }
0xb4: {  	s29 =	simm.s32 $0x9;
	_ =	strace $0x80000048  }
0xb5: {  	_ =	swait.ge [sflag:s29], $0x1  }
0xb6: {  	[sflag:s29] =	ssyncadd.s32 $0xFFFFFFFF  }
0xb7: {  	_ =	strace $0x90000048  }
0xb8: {  	_ =	sfence  }
0xb9: {  	s30 =	sld [smem:$0x0];
	_ =	sdelay $0x2  }
0xba: {  	s31 =	sshll.u32 s1, $0xD;
	s1 =	sshrl.u32 s1, $0x2  }
0xbb: {  	s3 =	sand.u32 $0x4000, s31;
	s1 =	sadd.s32 s1, s30  }
0xbc: {  	s0 =	sor.u32 s3, s0;
	s1 =	sshll.u32 s1, $0x11  }
0xbd: {  	s0 =	sor.u32 s1, s0  }
0xbe: {  	s0 =	sadd.s32 $0x8F2B, s0  }
0xbf: {  	[sflag:s0] =	ssyncadd.remote.s32 $0x1  }
0xc0: {  	_ =	sfence.sel $0xFFFF  }
0xc1: {  	[dreg:$0x0] =	wrdreg $0xFFFFFFFF;
	(pc) =	sbr.abs _section_cstart, $3  }
0xc2: {  	[dreg:$0x1] =	wrdreg $0xFFFFFFFF  }
0xc3: {  	_ =	task.clear_ibuf [dreg:s7], $0x2FFFF;
	_ =	strace $0x9FFFFFFF  }
0xc4: {  	(tm) =	ssettm $0x7FFFFFFF  }
0xc5: {  	_ =	shalt  }
tec
execute0_lowered:
.L_overlay_start_1:
0x0: {  	(tag) =	ssettag $0x1  }
0x1: {  	s0 =	rddreg [dreg:$0x0]  }
0x2: {  	s1 =	rddreg [dreg:$0x1]  }
0x3: {  	s2 =	rddreg [dreg:$0x2]  }
0x4: {  	s4 =	srdreg.scid;
	s8 =	stileid.u32  }
0x5: {  	s3 =	rddreg [dreg:$0x3];
	s6 =	simm.s32 $0x0;
	s13 =	simm.s32 $0x4  }
0x6: {  	s18 =	simm.s32 $0x80;
	s19 =	simm.s32 $0x9F00;
	s20 =	simm.s32 $0xA700  }
0x7: {  	s21 =	simm.s32 $0xAF00;
	s28 =	simm.s32 $0xCF00;
	s29 =	simm.s32 $0xD700  }
0x8: {  	s30 =	simm.s32 $0x1;
	s31 =	simm.s32 $0x2;
	s4 =	sand.u32 $0x1, s4  }
0x9: {  	s5 =	sshll.u32 s8, $0x1;
	[smem:$0x7FF] =	sst s6;
	s9 =	smul.u32 $0x2780, s8  }
0xa: {  	s10 =	sadd.s32 $0x1A400, s0;
	s8 =	sshll.u32 s8, $0x6;
	s5 =	sor.u32 s4, s5  }
0xb: {  	_ =	strace $0x80000047;
	s7 =	smul.u32 $0x4F00, s4;
	s4 =	ssub.s32 $0x2, s4  }
0xc: {  	[dreg:$0x5] =	wrdreg s10;
	s8 =	sor.u32 $0x1C04, s8;
	s15 =	smul.u32 $0x500, s5  }
0xd: {  	s5 =	sadd.s32 $0x1400, s0;
	s16 =	sshrl.u32 s4, $0x1;
	s17 =	sshrl.u32 s9, $0x3  }
0xe: {  	s22 =	sadd.s32 s9, s2;
	s23 =	sadd.s32 s9, s3;
	s4 =	ssub.s32 s4, s16  }
0xf: {  	s1 =	sadd.s32 s1, s17;
	s12 =	sshrl.u32 s22, $0x3;
	s14 =	sshrl.u32 s23, $0x3  }
0x10: {  	s22 =	simm.s32 $0xB700;
	s6 =	sadd.s32 s15, s0;
	s0 =	sadd.s32 s7, s0  }
0x11: {  	[dreg:$0x6] =	wrdreg s1;
	s4 =	smax.u32 s4, $0x1;
	s15 =	simm.s32 $0xDF00  }
0x12: {  	s1 =	simm.s32 $0x3;
	s24 =	sadd.s32 $0x10400, s6;
	[dreg:$0x9] =	wrdreg s4  }
0x13: {  	s6 =	sadd.s32 $0x6400, s6;
	s25 =	sadd.s32 $0x24400, s0;
	[dreg:$0x7] =	wrdreg s24  }
0x14: {  	s0 =	sadd.s32 $0x1A600, s0;
	[dreg:$0x8] =	wrdreg s6;
	s26 =	sadd.s32 s17, s25  }
0x15: {  	s0 =	sadd.s32 s17, s0;
	s25 =	simm.s32 $0xBF00;
	[dreg:$0xa] =	wrdreg s26  }
0x16: {  	[dreg:$0xb] =	wrdreg s0;
	s26 =	simm.s32 $0xC700;
	s0 =	simm.s32 $0x0  }
.LBB2_1:
0x17: {  	s4 =	rddreg [dreg:$0x6]  }
0x18: {  	[spmem:s12], [sflag:s8] =	dma.local [hbm:s4], $0x4F0  }
0x19: {  	_ =	swait.ge [sflag:s13], $0x4F0  }
0x1a: {  	[sflag:s13] =	ssyncset.done $0x0  }
0x1b: {  	[sflag:s13] =	ssyncadd.s32 $0xFFFFFB10  }
0x1c: {  	[spmem:s14], [sflag:s8] =	dma.local [hbm:s4], $0x4F0  }
0x1d: {  	_ =	swait.ge [sflag:s13], $0x4F0  }
0x1e: {  	[sflag:s13] =	ssyncset.done $0x0  }
0x1f: {  	s16 =	simm.s32 $0x0;
	s6 =	rddreg [dreg:$0x5];
	[sflag:s13] =	ssyncadd.s32 $0xFFFFFB10  }
0x20: {  	[tilespmem:s15], [sflag:$0x4] =	stream.linear.gather [hbm4b:s6+s16], $0x800, $0x38;
	[tilespmem:$0xE700] =	vst v63  }
0x21: {  	_ =	swait.ge [sflag:s13], $0x800  }
0x22: {  	[sflag:s13] =	ssyncset.done $0x0  }
0x23: {  	s7 =	simm.s32 $0x4F00;
	s17 =	rddreg [dreg:$0x7];
	[sflag:s13] =	ssyncadd.s32 $0xFFFFF800  }
0x24: {  	[tilespmem:s7], [sflag:$0x4] =	stream.linear.gather [hbm4b:s17+s16], $0x2800, $0x38;
	[tilespmem:$0xE700] =	vst v63  }
0x25: {  	_ =	swait.ge [sflag:s13], $0x2800  }
0x26: {  	[sflag:s13] =	ssyncset.done $0x0  }
0x27: {  	s24 =	simm.s32 $0x7700;
	s23 =	rddreg [dreg:$0x8];
	[sflag:s13] =	ssyncadd.s32 $0xFFFFD800  }
0x28: {  	[tilespmem:s24], [sflag:$0x4] =	stream.linear.gather [hbm4b:s23+s16], $0x2800, $0x38;
	[tilespmem:$0xE700] =	vst v63  }
0x29: {  	_ =	swait.ge [sflag:s13], $0x2800  }
0x2a: {  	[sflag:s13] =	ssyncset.done $0x0  }
0x2b: {  	[sflag:s13] =	ssyncadd.s32 $0xFFFFD800  }
0x2c: {  	s9 =	simm.s32 $0x4F00;
	[bflag:$0x0] =	sbarrier.arrive $0xFFFF  }
0x2d: {  	[tilespmem:s19], [sflag:$0x1] =	stream.indirect.gather [hbm4b:s5+s18], $0x10, s9, s18, $0xb8;
	[tilespmem:$0xE700] =	vst v63  }
0x2e: {  	s10 =	simm.s32 $0x4F80  }
0x2f: {  	[tilespmem:s20], [sflag:$0x1] =	stream.indirect.gather [hbm4b:s5+s18], $0x10, s10, s18, $0xb8;
	[tilespmem:$0xE700] =	vst v63  }
0x30: {  	s11 =	simm.s32 $0x5000  }
0x31: {  	[tilespmem:s21], [sflag:$0x1] =	stream.indirect.gather [hbm4b:s5+s18], $0x10, s11, s18, $0xb8;
	[tilespmem:$0xE700] =	vst v63  }
0x32: {  	s16 =	simm.s32 $0x5080  }
0x33: {  	[tilespmem:s22], [sflag:$0x1] =	stream.indirect.gather [hbm4b:s5+s18], $0x10, s16, s18, $0xb8;
	[tilespmem:$0xE700] =	vst v63  }
0x34: {  	s17 =	simm.s32 $0x5100  }
0x35: {  	[tilespmem:s25], [sflag:$0x1] =	stream.indirect.gather [hbm4b:s5+s18], $0x10, s17, s18, $0xb8;
	[tilespmem:$0xE700] =	vst v63  }
0x36: {  	s23 =	simm.s32 $0x5180  }
0x37: {  	[tilespmem:s26], [sflag:$0x1] =	stream.indirect.gather [hbm4b:s5+s18], $0x10, s23, s18, $0xb8;
	[tilespmem:$0xE700] =	vst v63  }
0x38: {  	s24 =	simm.s32 $0x5200  }
0x39: {  	[tilespmem:s28], [sflag:$0x1] =	stream.indirect.gather [hbm4b:s5+s18], $0x10, s24, s18, $0xb8;
	[tilespmem:$0xE700] =	vst v63  }
0x3a: {  	s6 =	simm.s32 $0x5280  }
0x3b: {  	[tilespmem:s29], [sflag:$0x1] =	stream.indirect.gather [hbm4b:s5+s18], $0x10, s6, s18, $0xb8;
	[tilespmem:$0xE700] =	vst v63  }
0x3c: {  	s7 =	simm.s32 $0x7700  }
0x3d: {  	[spmem:s3] =	stream.indirect.scatter.add.f32 [tilespmem:s15], [sflag:$0x3], $0x10, s7, s18, $0xb8;
	[tilespmem:$0xE700] =	vst v63  }
0x3e: {  	s23 =	simm.s32 $0x7780  }
0x3f: {  	[spmem:s3] =	stream.indirect.scatter.add.f32 [tilespmem:s15], [sflag:$0x3], $0x10, s23, s18, $0xb8;
	[tilespmem:$0xE700] =	vst v63  }
0x40: {  	s24 =	simm.s32 $0x7800  }
0x41: {  	[spmem:s3] =	stream.indirect.scatter.add.f32 [tilespmem:s15], [sflag:$0x3], $0x10, s24, s18, $0xb8;
	[tilespmem:$0xE700] =	vst v63  }
0x42: {  	s9 =	simm.s32 $0x7880  }
0x43: {  	[spmem:s3] =	stream.indirect.scatter.add.f32 [tilespmem:s15], [sflag:$0x3], $0x10, s9, s18, $0xb8;
	[tilespmem:$0xE700] =	vst v63  }
0x44: {  	s10 =	simm.s32 $0x7900  }
0x45: {  	[spmem:s3] =	stream.indirect.scatter.add.f32 [tilespmem:s15], [sflag:$0x3], $0x10, s10, s18, $0xb8;
	[tilespmem:$0xE700] =	vst v63  }
0x46: {  	s11 =	simm.s32 $0x7980  }
0x47: {  	[spmem:s3] =	stream.indirect.scatter.add.f32 [tilespmem:s15], [sflag:$0x3], $0x10, s11, s18, $0xb8;
	[tilespmem:$0xE700] =	vst v63  }
0x48: {  	s16 =	simm.s32 $0x7A00  }
0x49: {  	[spmem:s3] =	stream.indirect.scatter.add.f32 [tilespmem:s15], [sflag:$0x3], $0x10, s16, s18, $0xb8;
	[tilespmem:$0xE700] =	vst v63  }
0x4a: {  	s17 =	simm.s32 $0x7A80  }
0x4b: {  	[spmem:s3] =	stream.indirect.scatter.add.f32 [tilespmem:s15], [sflag:$0x3], $0x10, s17, s18, $0xb8;
	[tilespmem:$0xE700] =	vst v63  }
0x4c: {  	_ =	swait.ge [sflag:s30], $0x800  }
0x4d: {  	[sflag:s30] =	ssyncset.done $0x0  }
0x4e: {  	[sflag:s30] =	ssyncadd.s32 $0xFFFFF800  }
0x4f: {  	_ =	swait.ge [sflag:s30], $0x800  }
0x50: {  	[sflag:s30] =	ssyncset.done $0x0  }
0x51: {  	[sflag:s30] =	ssyncadd.s32 $0xFFFFF800  }
0x52: {  	_ =	swait.ge [sflag:s30], $0x800  }
0x53: {  	[sflag:s30] =	ssyncset.done $0x0  }
0x54: {  	[sflag:s30] =	ssyncadd.s32 $0xFFFFF800  }
0x55: {  	_ =	swait.ge [sflag:s30], $0x800  }
0x56: {  	[sflag:s30] =	ssyncset.done $0x0  }
0x57: {  	[sflag:s30] =	ssyncadd.s32 $0xFFFFF800  }
0x58: {  	_ =	swait.ge [sflag:s30], $0x800  }
0x59: {  	[sflag:s30] =	ssyncset.done $0x0  }
0x5a: {  	[sflag:s30] =	ssyncadd.s32 $0xFFFFF800  }
0x5b: {  	_ =	swait.ge [sflag:s30], $0x800  }
0x5c: {  	[sflag:s30] =	ssyncset.done $0x0  }
0x5d: {  	[sflag:s30] =	ssyncadd.s32 $0xFFFFF800  }
0x5e: {  	_ =	swait.ge [sflag:s30], $0x800  }
0x5f: {  	[sflag:s30] =	ssyncset.done $0x0  }
0x60: {  	[sflag:s30] =	ssyncadd.s32 $0xFFFFF800  }
0x61: {  	_ =	swait.ge [sflag:s30], $0x800  }
0x62: {  	[sflag:s30] =	ssyncset.done $0x0  }
0x63: {  	[sflag:s30] =	ssyncadd.s32 $0xFFFFF800  }
0x64: {  	[spmem:s2] =	stream.indirect.scatter.add.f32 [tilespmem:s19], [sflag:$0x2], $0x10, s7, s18, $0xb8;
	[tilespmem:$0xE700] =	vst v63  }
0x65: {  	_ = 	snop  }
0x66: {  	[spmem:s2] =	stream.indirect.scatter.add.f32 [tilespmem:s20], [sflag:$0x2], $0x10, s23, s18, $0xb8;
	[tilespmem:$0xE700] =	vst v63  }
0x67: {  	_ = 	snop  }
0x68: {  	[spmem:s2] =	stream.indirect.scatter.add.f32 [tilespmem:s21], [sflag:$0x2], $0x10, s24, s18, $0xb8;
	[tilespmem:$0xE700] =	vst v63  }
0x69: {  	_ = 	snop  }
0x6a: {  	[spmem:s2] =	stream.indirect.scatter.add.f32 [tilespmem:s22], [sflag:$0x2], $0x10, s9, s18, $0xb8;
	[tilespmem:$0xE700] =	vst v63  }
0x6b: {  	_ = 	snop  }
0x6c: {  	[spmem:s2] =	stream.indirect.scatter.add.f32 [tilespmem:s25], [sflag:$0x2], $0x10, s10, s18, $0xb8;
	[tilespmem:$0xE700] =	vst v63  }
0x6d: {  	_ = 	snop  }
0x6e: {  	[spmem:s2] =	stream.indirect.scatter.add.f32 [tilespmem:s26], [sflag:$0x2], $0x10, s11, s18, $0xb8;
	[tilespmem:$0xE700] =	vst v63  }
0x6f: {  	_ = 	snop  }
0x70: {  	[spmem:s2] =	stream.indirect.scatter.add.f32 [tilespmem:s28], [sflag:$0x2], $0x10, s16, s18, $0xb8;
	[tilespmem:$0xE700] =	vst v63  }
0x71: {  	_ = 	snop  }
0x72: {  	[spmem:s2] =	stream.indirect.scatter.add.f32 [tilespmem:s29], [sflag:$0x2], $0x10, s17, s18, $0xb8;
	[tilespmem:$0xE700] =	vst v63  }
0x73: {  	_ =	swait.ge [sflag:s31], $0x800  }
0x74: {  	[sflag:s31] =	ssyncset.done $0x0  }
0x75: {  	[sflag:s31] =	ssyncadd.s32 $0xFFFFF800  }
0x76: {  	_ =	swait.ge [sflag:s31], $0x800  }
0x77: {  	[sflag:s31] =	ssyncset.done $0x0  }
0x78: {  	[sflag:s31] =	ssyncadd.s32 $0xFFFFF800  }
0x79: {  	_ =	swait.ge [sflag:s31], $0x800  }
0x7a: {  	[sflag:s31] =	ssyncset.done $0x0  }
0x7b: {  	[sflag:s31] =	ssyncadd.s32 $0xFFFFF800  }
0x7c: {  	_ =	swait.ge [sflag:s31], $0x800  }
0x7d: {  	[sflag:s31] =	ssyncset.done $0x0  }
0x7e: {  	[sflag:s31] =	ssyncadd.s32 $0xFFFFF800  }
0x7f: {  	_ =	swait.ge [sflag:s31], $0x800  }
0x80: {  	[sflag:s31] =	ssyncset.done $0x0  }
0x81: {  	[sflag:s31] =	ssyncadd.s32 $0xFFFFF800  }
0x82: {  	_ =	swait.ge [sflag:s31], $0x800  }
0x83: {  	[sflag:s31] =	ssyncset.done $0x0  }
0x84: {  	[sflag:s31] =	ssyncadd.s32 $0xFFFFF800  }
0x85: {  	_ =	swait.ge [sflag:s31], $0x800  }
0x86: {  	[sflag:s31] =	ssyncset.done $0x0  }
0x87: {  	[sflag:s31] =	ssyncadd.s32 $0xFFFFF800  }
0x88: {  	_ =	swait.ge [sflag:s31], $0x800  }
0x89: {  	[sflag:s31] =	ssyncset.done $0x0  }
0x8a: {  	[sflag:s31] =	ssyncadd.s32 $0xFFFFF800  }
0x8b: {  	_ =	swait.ge [sflag:s1], $0x800  }
0x8c: {  	[sflag:s1] =	ssyncset.done $0x0  }
0x8d: {  	[sflag:s1] =	ssyncadd.s32 $0xFFFFF800  }
0x8e: {  	_ =	swait.ge [sflag:s1], $0x800  }
0x8f: {  	[sflag:s1] =	ssyncset.done $0x0  }
0x90: {  	[sflag:s1] =	ssyncadd.s32 $0xFFFFF800  }
0x91: {  	_ =	swait.ge [sflag:s1], $0x800  }
0x92: {  	[sflag:s1] =	ssyncset.done $0x0  }
0x93: {  	[sflag:s1] =	ssyncadd.s32 $0xFFFFF800  }
0x94: {  	_ =	swait.ge [sflag:s1], $0x800  }
0x95: {  	[sflag:s1] =	ssyncset.done $0x0  }
0x96: {  	[sflag:s1] =	ssyncadd.s32 $0xFFFFF800  }
0x97: {  	_ =	swait.ge [sflag:s1], $0x800  }
0x98: {  	[sflag:s1] =	ssyncset.done $0x0  }
0x99: {  	[sflag:s1] =	ssyncadd.s32 $0xFFFFF800  }
0x9a: {  	_ =	swait.ge [sflag:s1], $0x800  }
0x9b: {  	[sflag:s1] =	ssyncset.done $0x0  }
0x9c: {  	[sflag:s1] =	ssyncadd.s32 $0xFFFFF800  }
0x9d: {  	_ =	swait.ge [sflag:s1], $0x800  }
0x9e: {  	[sflag:s1] =	ssyncset.done $0x0  }
0x9f: {  	[sflag:s1] =	ssyncadd.s32 $0xFFFFF800  }
0xa0: {  	_ =	swait.ge [sflag:s1], $0x800  }
0xa1: {  	s4 =	simm.s32 $0x2000;
	s6 =	simm.s32 $0x400;
	[sflag:s1] =	ssyncset.done $0x0  }
.LBB2_2:
0xa2: {  	s7 =	sadd.s32 $0x4F00, s6  }
0xa3: {  	[sflag:s1] =	ssyncadd.s32 $0xFFFFF800;
	s17 =	smov.u32 s4;
	s16 =	sadd.s32 $0x1000, s4  }
0xa4: {  	[tilespmem:s19], [sflag:$0x1] =	stream.indirect.gather [hbm4b:s5+s18], $0x10, s7, s18, $0xb8;
	[tilespmem:$0xE700] =	vst v63  }
0xa5: {  	p0 =	sne.s32 s4, $0x9000;
	s4 =	sadd.s32 $0x4F80, s6  }
0xa6: {  	[tilespmem:s20], [sflag:$0x1] =	stream.indirect.gather [hbm4b:s5+s18], $0x10, s4, s18, $0xb8;
	[tilespmem:$0xE700] =	vst v63  }
0xa7: {  	s4 =	sadd.s32 $0x5000, s6  }
0xa8: {  	[tilespmem:s21], [sflag:$0x1] =	stream.indirect.gather [hbm4b:s5+s18], $0x10, s4, s18, $0xb8;
	[tilespmem:$0xE700] =	vst v63  }
0xa9: {  	s4 =	sadd.s32 $0x5080, s6  }
0xaa: {  	[tilespmem:s22], [sflag:$0x1] =	stream.indirect.gather [hbm4b:s5+s18], $0x10, s4, s18, $0xb8;
	[tilespmem:$0xE700] =	vst v63  }
0xab: {  	s4 =	sadd.s32 $0x5100, s6  }
0xac: {  	[tilespmem:s25], [sflag:$0x1] =	stream.indirect.gather [hbm4b:s5+s18], $0x10, s4, s18, $0xb8;
	[tilespmem:$0xE700] =	vst v63  }
0xad: {  	s4 =	sadd.s32 $0x5180, s6  }
0xae: {  	[tilespmem:s26], [sflag:$0x1] =	stream.indirect.gather [hbm4b:s5+s18], $0x10, s4, s18, $0xb8;
	[tilespmem:$0xE700] =	vst v63  }
0xaf: {  	s4 =	sadd.s32 $0x5200, s6  }
0xb0: {  	[tilespmem:s28], [sflag:$0x1] =	stream.indirect.gather [hbm4b:s5+s18], $0x10, s4, s18, $0xb8;
	[tilespmem:$0xE700] =	vst v63  }
0xb1: {  	s4 =	sadd.s32 $0x5280, s6  }
0xb2: {  	[tilespmem:s29], [sflag:$0x1] =	stream.indirect.gather [hbm4b:s5+s18], $0x10, s4, s18, $0xb8;
	[tilespmem:$0xE700] =	vst v63  }
0xb3: {  	s9 =	sadd.s32 $0x7700, s6  }
0xb4: {  	[spmem:s3] =	stream.indirect.scatter.add.f32 [tilespmem:s15], [sflag:$0x3], $0x10, s9, s18, $0xb8;
	[tilespmem:$0xE700] =	vst v63  }
0xb5: {  	s10 =	sadd.s32 $0x7780, s6  }
0xb6: {  	[spmem:s3] =	stream.indirect.scatter.add.f32 [tilespmem:s15], [sflag:$0x3], $0x10, s10, s18, $0xb8;
	[tilespmem:$0xE700] =	vst v63  }
0xb7: {  	s11 =	sadd.s32 $0x7800, s6  }
0xb8: {  	[spmem:s3] =	stream.indirect.scatter.add.f32 [tilespmem:s15], [sflag:$0x3], $0x10, s11, s18, $0xb8;
	[tilespmem:$0xE700] =	vst v63  }
0xb9: {  	s23 =	sadd.s32 $0x7880, s6  }
0xba: {  	[spmem:s3] =	stream.indirect.scatter.add.f32 [tilespmem:s15], [sflag:$0x3], $0x10, s23, s18, $0xb8;
	[tilespmem:$0xE700] =	vst v63  }
0xbb: {  	s24 =	sadd.s32 $0x7900, s6  }
0xbc: {  	[spmem:s3] =	stream.indirect.scatter.add.f32 [tilespmem:s15], [sflag:$0x3], $0x10, s24, s18, $0xb8;
	[tilespmem:$0xE700] =	vst v63  }
0xbd: {  	s4 =	sadd.s32 $0x7980, s6  }
0xbe: {  	[spmem:s3] =	stream.indirect.scatter.add.f32 [tilespmem:s15], [sflag:$0x3], $0x10, s4, s18, $0xb8;
	[tilespmem:$0xE700] =	vst v63  }
0xbf: {  	s7 =	sadd.s32 $0x7A00, s6  }
0xc0: {  	[spmem:s3] =	stream.indirect.scatter.add.f32 [tilespmem:s15], [sflag:$0x3], $0x10, s7, s18, $0xb8;
	[tilespmem:$0xE700] =	vst v63  }
0xc1: {  	s6 =	sadd.s32 $0x7A80, s6  }
0xc2: {  	[spmem:s3] =	stream.indirect.scatter.add.f32 [tilespmem:s15], [sflag:$0x3], $0x10, s6, s18, $0xb8;
	[tilespmem:$0xE700] =	vst v63  }
0xc3: {  	_ =	swait.ge [sflag:s30], $0x800  }
0xc4: {  	[sflag:s30] =	ssyncset.done $0x0  }
0xc5: {  	[sflag:s30] =	ssyncadd.s32 $0xFFFFF800  }
0xc6: {  	_ =	swait.ge [sflag:s30], $0x800  }
0xc7: {  	[sflag:s30] =	ssyncset.done $0x0  }
0xc8: {  	[sflag:s30] =	ssyncadd.s32 $0xFFFFF800  }
0xc9: {  	_ =	swait.ge [sflag:s30], $0x800  }
0xca: {  	[sflag:s30] =	ssyncset.done $0x0  }
0xcb: {  	[sflag:s30] =	ssyncadd.s32 $0xFFFFF800  }
0xcc: {  	_ =	swait.ge [sflag:s30], $0x800  }
0xcd: {  	[sflag:s30] =	ssyncset.done $0x0  }
0xce: {  	[sflag:s30] =	ssyncadd.s32 $0xFFFFF800  }
0xcf: {  	_ =	swait.ge [sflag:s30], $0x800  }
0xd0: {  	[sflag:s30] =	ssyncset.done $0x0  }
0xd1: {  	[sflag:s30] =	ssyncadd.s32 $0xFFFFF800  }
0xd2: {  	_ =	swait.ge [sflag:s30], $0x800  }
0xd3: {  	[sflag:s30] =	ssyncset.done $0x0  }
0xd4: {  	[sflag:s30] =	ssyncadd.s32 $0xFFFFF800  }
0xd5: {  	_ =	swait.ge [sflag:s30], $0x800  }
0xd6: {  	[sflag:s30] =	ssyncset.done $0x0  }
0xd7: {  	[sflag:s30] =	ssyncadd.s32 $0xFFFFF800  }
0xd8: {  	_ =	swait.ge [sflag:s30], $0x800  }
0xd9: {  	[sflag:s30] =	ssyncset.done $0x0  }
0xda: {  	[sflag:s30] =	ssyncadd.s32 $0xFFFFF800  }
0xdb: {  	[spmem:s2] =	stream.indirect.scatter.add.f32 [tilespmem:s19], [sflag:$0x2], $0x10, s9, s18, $0xb8;
	[tilespmem:$0xE700] =	vst v63  }
0xdc: {  	_ = 	snop  }
0xdd: {  	[spmem:s2] =	stream.indirect.scatter.add.f32 [tilespmem:s20], [sflag:$0x2], $0x10, s10, s18, $0xb8;
	[tilespmem:$0xE700] =	vst v63  }
0xde: {  	_ = 	snop  }
0xdf: {  	[spmem:s2] =	stream.indirect.scatter.add.f32 [tilespmem:s21], [sflag:$0x2], $0x10, s11, s18, $0xb8;
	[tilespmem:$0xE700] =	vst v63  }
0xe0: {  	_ = 	snop  }
0xe1: {  	[spmem:s2] =	stream.indirect.scatter.add.f32 [tilespmem:s22], [sflag:$0x2], $0x10, s23, s18, $0xb8;
	[tilespmem:$0xE700] =	vst v63  }
0xe2: {  	_ = 	snop  }
0xe3: {  	[spmem:s2] =	stream.indirect.scatter.add.f32 [tilespmem:s25], [sflag:$0x2], $0x10, s24, s18, $0xb8;
	[tilespmem:$0xE700] =	vst v63  }
0xe4: {  	_ = 	snop  }
0xe5: {  	[spmem:s2] =	stream.indirect.scatter.add.f32 [tilespmem:s26], [sflag:$0x2], $0x10, s4, s18, $0xb8;
	[tilespmem:$0xE700] =	vst v63  }
0xe6: {  	_ = 	snop  }
0xe7: {  	[spmem:s2] =	stream.indirect.scatter.add.f32 [tilespmem:s28], [sflag:$0x2], $0x10, s7, s18, $0xb8;
	[tilespmem:$0xE700] =	vst v63  }
0xe8: {  	_ = 	snop  }
0xe9: {  	[spmem:s2] =	stream.indirect.scatter.add.f32 [tilespmem:s29], [sflag:$0x2], $0x10, s6, s18, $0xb8;
	[tilespmem:$0xE700] =	vst v63  }
0xea: {  	_ =	swait.ge [sflag:s31], $0x800  }
0xeb: {  	[sflag:s31] =	ssyncset.done $0x0  }
0xec: {  	[sflag:s31] =	ssyncadd.s32 $0xFFFFF800  }
0xed: {  	_ =	swait.ge [sflag:s31], $0x800  }
0xee: {  	[sflag:s31] =	ssyncset.done $0x0  }
0xef: {  	[sflag:s31] =	ssyncadd.s32 $0xFFFFF800  }
0xf0: {  	_ =	swait.ge [sflag:s31], $0x800  }
0xf1: {  	[sflag:s31] =	ssyncset.done $0x0  }
0xf2: {  	[sflag:s31] =	ssyncadd.s32 $0xFFFFF800  }
0xf3: {  	_ =	swait.ge [sflag:s31], $0x800  }
0xf4: {  	[sflag:s31] =	ssyncset.done $0x0  }
0xf5: {  	[sflag:s31] =	ssyncadd.s32 $0xFFFFF800  }
0xf6: {  	_ =	swait.ge [sflag:s31], $0x800  }
0xf7: {  	[sflag:s31] =	ssyncset.done $0x0  }
0xf8: {  	[sflag:s31] =	ssyncadd.s32 $0xFFFFF800  }
0xf9: {  	_ =	swait.ge [sflag:s31], $0x800  }
0xfa: {  	[sflag:s31] =	ssyncset.done $0x0  }
0xfb: {  	[sflag:s31] =	ssyncadd.s32 $0xFFFFF800  }
0xfc: {  	_ =	swait.ge [sflag:s31], $0x800  }
0xfd: {  	[sflag:s31] =	ssyncset.done $0x0  }
0xfe: {  	[sflag:s31] =	ssyncadd.s32 $0xFFFFF800  }
0xff: {  	_ =	swait.ge [sflag:s31], $0x800  }
0x100: {  	[sflag:s31] =	ssyncset.done $0x0  }
0x101: {  	[sflag:s31] =	ssyncadd.s32 $0xFFFFF800  }
0x102: {  	_ =	swait.ge [sflag:s1], $0x800  }
0x103: {  	[sflag:s1] =	ssyncset.done $0x0  }
0x104: {  	[sflag:s1] =	ssyncadd.s32 $0xFFFFF800  }
0x105: {  	_ =	swait.ge [sflag:s1], $0x800  }
0x106: {  	[sflag:s1] =	ssyncset.done $0x0  }
0x107: {  	[sflag:s1] =	ssyncadd.s32 $0xFFFFF800  }
0x108: {  	_ =	swait.ge [sflag:s1], $0x800  }
0x109: {  	[sflag:s1] =	ssyncset.done $0x0  }
0x10a: {  	[sflag:s1] =	ssyncadd.s32 $0xFFFFF800  }
0x10b: {  	_ =	swait.ge [sflag:s1], $0x800  }
0x10c: {  	[sflag:s1] =	ssyncset.done $0x0  }
0x10d: {  	[sflag:s1] =	ssyncadd.s32 $0xFFFFF800  }
0x10e: {  	_ =	swait.ge [sflag:s1], $0x800  }
0x10f: {  	[sflag:s1] =	ssyncset.done $0x0  }
0x110: {  	[sflag:s1] =	ssyncadd.s32 $0xFFFFF800  }
0x111: {  	_ =	swait.ge [sflag:s1], $0x800  }
0x112: {  	[sflag:s1] =	ssyncset.done $0x0  }
0x113: {  	[sflag:s1] =	ssyncadd.s32 $0xFFFFF800  }
.Ltmp0:
0x114: {  	_ =	swait.ge [sflag:s1], $0x800;
	(pc) =	sbr.rel @p0 .LBB2_2-.Ltmp0, $4  }
0x115: {  	[sflag:s1] =	ssyncset.done $0x0  }
0x116: {  	[sflag:s1] =	ssyncadd.s32 $0xFFFFF800  }
0x117: {  	_ =	swait.ge [sflag:s1], $0x800  }
0x118: {  	s4 =	smov.u32 s16;
	s6 =	sshra.s32 s17, $0x2;
	[sflag:s1] =	ssyncset.done $0x0  }
0x119: {  	s4 =	sadd.s32 $0x4F00, s6;
	[sflag:s1] =	ssyncadd.s32 $0xFFFFF800  }
0x11a: {  	[tilespmem:s19], [sflag:$0x1] =	stream.indirect.gather [hbm4b:s5+s18], $0x10, s4, s18, $0xb8;
	[tilespmem:$0xE700] =	vst v63  }
0x11b: {  	s24 =	sadd.s32 $0x4F80, s6  }
0x11c: {  	[tilespmem:s20], [sflag:$0x1] =	stream.indirect.gather [hbm4b:s5+s18], $0x10, s24, s18, $0xb8;
	[tilespmem:$0xE700] =	vst v63  }
0x11d: {  	s7 =	sadd.s32 $0x5000, s6  }
0x11e: {  	[tilespmem:s21], [sflag:$0x1] =	stream.indirect.gather [hbm4b:s5+s18], $0x10, s7, s18, $0xb8;
	[tilespmem:$0xE700] =	vst v63  }
0x11f: {  	s9 =	sadd.s32 $0x5080, s6  }
0x120: {  	[tilespmem:s22], [sflag:$0x1] =	stream.indirect.gather [hbm4b:s5+s18], $0x10, s9, s18, $0xb8;
	[tilespmem:$0xE700] =	vst v63  }
0x121: {  	s10 =	sadd.s32 $0x5100, s6  }
0x122: {  	[tilespmem:s25], [sflag:$0x1] =	stream.indirect.gather [hbm4b:s5+s18], $0x10, s10, s18, $0xb8;
	[tilespmem:$0xE700] =	vst v63  }
0x123: {  	s11 =	sadd.s32 $0x5180, s6  }
0x124: {  	[tilespmem:s26], [sflag:$0x1] =	stream.indirect.gather [hbm4b:s5+s18], $0x10, s11, s18, $0xb8;
	[tilespmem:$0xE700] =	vst v63  }
0x125: {  	s16 =	sadd.s32 $0x5200, s6  }
0x126: {  	[tilespmem:s28], [sflag:$0x1] =	stream.indirect.gather [hbm4b:s5+s18], $0x10, s16, s18, $0xb8;
	[tilespmem:$0xE700] =	vst v63  }
0x127: {  	s17 =	sadd.s32 $0x5280, s6  }
0x128: {  	[tilespmem:s29], [sflag:$0x1] =	stream.indirect.gather [hbm4b:s5+s18], $0x10, s17, s18, $0xb8;
	[tilespmem:$0xE700] =	vst v63  }
0x129: {  	s23 =	sadd.s32 $0x7700, s6  }
0x12a: {  	[spmem:s3] =	stream.indirect.scatter.add.f32 [tilespmem:s15], [sflag:$0x3], $0x10, s23, s18, $0xb8;
	[tilespmem:$0xE700] =	vst v63  }
0x12b: {  	s7 =	sadd.s32 $0x7780, s6  }
0x12c: {  	[spmem:s3] =	stream.indirect.scatter.add.f32 [tilespmem:s15], [sflag:$0x3], $0x10, s7, s18, $0xb8;
	[tilespmem:$0xE700] =	vst v63  }
0x12d: {  	s9 =	sadd.s32 $0x7800, s6  }
0x12e: {  	[spmem:s3] =	stream.indirect.scatter.add.f32 [tilespmem:s15], [sflag:$0x3], $0x10, s9, s18, $0xb8;
	[tilespmem:$0xE700] =	vst v63  }
0x12f: {  	s10 =	sadd.s32 $0x7880, s6  }
0x130: {  	[spmem:s3] =	stream.indirect.scatter.add.f32 [tilespmem:s15], [sflag:$0x3], $0x10, s10, s18, $0xb8;
	[tilespmem:$0xE700] =	vst v63  }
0x131: {  	s11 =	sadd.s32 $0x7900, s6  }
0x132: {  	[spmem:s3] =	stream.indirect.scatter.add.f32 [tilespmem:s15], [sflag:$0x3], $0x10, s11, s18, $0xb8;
	[tilespmem:$0xE700] =	vst v63  }
0x133: {  	s16 =	sadd.s32 $0x7980, s6  }
0x134: {  	[spmem:s3] =	stream.indirect.scatter.add.f32 [tilespmem:s15], [sflag:$0x3], $0x10, s16, s18, $0xb8;
	[tilespmem:$0xE700] =	vst v63  }
0x135: {  	s17 =	sadd.s32 $0x7A00, s6  }
0x136: {  	[spmem:s3] =	stream.indirect.scatter.add.f32 [tilespmem:s15], [sflag:$0x3], $0x10, s17, s18, $0xb8;
	[tilespmem:$0xE700] =	vst v63  }
0x137: {  	s24 =	sadd.s32 $0x7A80, s6  }
0x138: {  	[spmem:s3] =	stream.indirect.scatter.add.f32 [tilespmem:s15], [sflag:$0x3], $0x10, s24, s18, $0xb8;
	[tilespmem:$0xE700] =	vst v63  }
0x139: {  	_ =	swait.ge [sflag:s30], $0x800  }
0x13a: {  	[sflag:s30] =	ssyncset.done $0x0  }
0x13b: {  	[sflag:s30] =	ssyncadd.s32 $0xFFFFF800  }
0x13c: {  	_ =	swait.ge [sflag:s30], $0x800  }
0x13d: {  	[sflag:s30] =	ssyncset.done $0x0  }
0x13e: {  	[sflag:s30] =	ssyncadd.s32 $0xFFFFF800  }
0x13f: {  	_ =	swait.ge [sflag:s30], $0x800  }
0x140: {  	[sflag:s30] =	ssyncset.done $0x0  }
0x141: {  	[sflag:s30] =	ssyncadd.s32 $0xFFFFF800  }
0x142: {  	_ =	swait.ge [sflag:s30], $0x800  }
0x143: {  	[sflag:s30] =	ssyncset.done $0x0  }
0x144: {  	[sflag:s30] =	ssyncadd.s32 $0xFFFFF800  }
0x145: {  	_ =	swait.ge [sflag:s30], $0x800  }
0x146: {  	[sflag:s30] =	ssyncset.done $0x0  }
0x147: {  	[sflag:s30] =	ssyncadd.s32 $0xFFFFF800  }
0x148: {  	_ =	swait.ge [sflag:s30], $0x800  }
0x149: {  	[sflag:s30] =	ssyncset.done $0x0  }
0x14a: {  	[sflag:s30] =	ssyncadd.s32 $0xFFFFF800  }
0x14b: {  	_ =	swait.ge [sflag:s30], $0x800  }
0x14c: {  	[sflag:s30] =	ssyncset.done $0x0  }
0x14d: {  	[sflag:s30] =	ssyncadd.s32 $0xFFFFF800  }
0x14e: {  	_ =	swait.ge [sflag:s30], $0x800  }
0x14f: {  	[sflag:s30] =	ssyncset.done $0x0  }
0x150: {  	[sflag:s30] =	ssyncadd.s32 $0xFFFFF800  }
0x151: {  	[spmem:s2] =	stream.indirect.scatter.add.f32 [tilespmem:s19], [sflag:$0x2], $0x10, s23, s18, $0xb8;
	[tilespmem:$0xE700] =	vst v63  }
0x152: {  	_ = 	snop  }
0x153: {  	[spmem:s2] =	stream.indirect.scatter.add.f32 [tilespmem:s20], [sflag:$0x2], $0x10, s7, s18, $0xb8;
	[tilespmem:$0xE700] =	vst v63  }
0x154: {  	_ = 	snop  }
0x155: {  	[spmem:s2] =	stream.indirect.scatter.add.f32 [tilespmem:s21], [sflag:$0x2], $0x10, s9, s18, $0xb8;
	[tilespmem:$0xE700] =	vst v63  }
0x156: {  	_ = 	snop  }
0x157: {  	[spmem:s2] =	stream.indirect.scatter.add.f32 [tilespmem:s22], [sflag:$0x2], $0x10, s10, s18, $0xb8;
	[tilespmem:$0xE700] =	vst v63  }
0x158: {  	_ = 	snop  }
0x159: {  	[spmem:s2] =	stream.indirect.scatter.add.f32 [tilespmem:s25], [sflag:$0x2], $0x10, s11, s18, $0xb8;
	[tilespmem:$0xE700] =	vst v63  }
0x15a: {  	_ = 	snop  }
0x15b: {  	[spmem:s2] =	stream.indirect.scatter.add.f32 [tilespmem:s26], [sflag:$0x2], $0x10, s16, s18, $0xb8;
	[tilespmem:$0xE700] =	vst v63  }
0x15c: {  	_ = 	snop  }
0x15d: {  	[spmem:s2] =	stream.indirect.scatter.add.f32 [tilespmem:s28], [sflag:$0x2], $0x10, s17, s18, $0xb8;
	[tilespmem:$0xE700] =	vst v63  }
0x15e: {  	_ = 	snop  }
0x15f: {  	[spmem:s2] =	stream.indirect.scatter.add.f32 [tilespmem:s29], [sflag:$0x2], $0x10, s24, s18, $0xb8;
	[tilespmem:$0xE700] =	vst v63  }
0x160: {  	_ =	swait.ge [sflag:s31], $0x800  }
0x161: {  	[sflag:s31] =	ssyncset.done $0x0  }
0x162: {  	[sflag:s31] =	ssyncadd.s32 $0xFFFFF800  }
0x163: {  	_ =	swait.ge [sflag:s31], $0x800  }
0x164: {  	[sflag:s31] =	ssyncset.done $0x0  }
0x165: {  	[sflag:s31] =	ssyncadd.s32 $0xFFFFF800  }
0x166: {  	_ =	swait.ge [sflag:s31], $0x800  }
0x167: {  	[sflag:s31] =	ssyncset.done $0x0  }
0x168: {  	[sflag:s31] =	ssyncadd.s32 $0xFFFFF800  }
0x169: {  	_ =	swait.ge [sflag:s31], $0x800  }
0x16a: {  	[sflag:s31] =	ssyncset.done $0x0  }
0x16b: {  	[sflag:s31] =	ssyncadd.s32 $0xFFFFF800  }
0x16c: {  	_ =	swait.ge [sflag:s31], $0x800  }
0x16d: {  	[sflag:s31] =	ssyncset.done $0x0  }
0x16e: {  	[sflag:s31] =	ssyncadd.s32 $0xFFFFF800  }
0x16f: {  	_ =	swait.ge [sflag:s31], $0x800  }
0x170: {  	[sflag:s31] =	ssyncset.done $0x0  }
0x171: {  	[sflag:s31] =	ssyncadd.s32 $0xFFFFF800  }
0x172: {  	_ =	swait.ge [sflag:s31], $0x800  }
0x173: {  	[sflag:s31] =	ssyncset.done $0x0  }
0x174: {  	[sflag:s31] =	ssyncadd.s32 $0xFFFFF800  }
0x175: {  	_ =	swait.ge [sflag:s31], $0x800  }
0x176: {  	[sflag:s31] =	ssyncset.done $0x0  }
0x177: {  	[sflag:s31] =	ssyncadd.s32 $0xFFFFF800  }
0x178: {  	_ =	swait.ge [sflag:s1], $0x800  }
0x179: {  	[sflag:s1] =	ssyncset.done $0x0  }
0x17a: {  	[sflag:s1] =	ssyncadd.s32 $0xFFFFF800  }
0x17b: {  	_ =	swait.ge [sflag:s1], $0x800  }
0x17c: {  	[sflag:s1] =	ssyncset.done $0x0  }
0x17d: {  	[sflag:s1] =	ssyncadd.s32 $0xFFFFF800  }
0x17e: {  	_ =	swait.ge [sflag:s1], $0x800  }
0x17f: {  	[sflag:s1] =	ssyncset.done $0x0  }
0x180: {  	[sflag:s1] =	ssyncadd.s32 $0xFFFFF800  }
0x181: {  	_ =	swait.ge [sflag:s1], $0x800  }
0x182: {  	[sflag:s1] =	ssyncset.done $0x0  }
0x183: {  	[sflag:s1] =	ssyncadd.s32 $0xFFFFF800  }
0x184: {  	_ =	swait.ge [sflag:s1], $0x800  }
0x185: {  	[sflag:s1] =	ssyncset.done $0x0  }
0x186: {  	[sflag:s1] =	ssyncadd.s32 $0xFFFFF800  }
0x187: {  	_ =	swait.ge [sflag:s1], $0x800  }
0x188: {  	[sflag:s1] =	ssyncset.done $0x0  }
0x189: {  	[sflag:s1] =	ssyncadd.s32 $0xFFFFF800  }
0x18a: {  	_ =	swait.ge [sflag:s1], $0x800  }
0x18b: {  	[sflag:s1] =	ssyncset.done $0x0  }
0x18c: {  	[sflag:s1] =	ssyncadd.s32 $0xFFFFF800  }
0x18d: {  	_ =	swait.ge [sflag:s1], $0x800  }
0x18e: {  	[sflag:s1] =	ssyncset.done $0x0  }
0x18f: {  	[sflag:s1] =	ssyncadd.s32 $0xFFFFF800  }
0x190: {  	[bflag:$0x0] =	sbarrier.arrive $0xFFFF  }
0x191: {  	s17 =	rddreg [dreg:$0xa]  }
0x192: {  	[hbm:s17], [sflag:s8] =	dma.local [spmem:s12], $0x4F0  }
0x193: {  	_ =	swait.ge [sflag:s13], $0x4F0  }
0x194: {  	[sflag:s13] =	ssyncset.done $0x0  }
0x195: {  	s23 =	rddreg [dreg:$0xb];
	[sflag:s13] =	ssyncadd.s32 $0xFFFFFB10  }
0x196: {  	[hbm:s23], [sflag:s8] =	dma.local [spmem:s14], $0x4F0  }
0x197: {  	_ =	swait.ge [sflag:s13], $0x4F0  }
0x198: {  	s0 =	sadd.s32 $0x1, s0;
	s24 =	rddreg [dreg:$0x9]  }
0x199: {  	p0 =	sne.s32 s0, s24  }
.Ltmp1:
0x19a: {  	_ = 	snop;
	(pc) =	sbr.rel @p0 .LBB2_1-.Ltmp1, $3  }
0x19b: {  	_ =	sdelay $0x1  }
0x19c: {  	[sflag:s13] =	ssyncset.done $0x0  }
0x19d: {  	[sflag:s13] =	ssyncadd.s32 $0xFFFFFB10  }
0x19e: {  	_ =	sfence.sel $0x180000  }
0x19f: {  	[bflag:$0x0] =	sbarrier.arrive $0xFFFF  }
0x1a0: {  	_ =	strace $0x90000047  }
0x1a1: {  	s0 =	stileid.u32;
	[bflag:$0x2] =	sbarrier.arrive $0xFFFF  }
0x1a2: {  	p0 =	sne.s32 s0, $0x0;
	s0 =	rddreg [dreg:$0x4]  }
0x1a3: {  	s0 =	sadd.s32 @!p0 $0x100000, s0  }
0x1a4: {  	[sflag:s0] =	ssyncadd.tile.s32 @!p0 $0x1;
	_ =	shalt  }
.Lfunc_end2:
_tile_overlayer_lowered:
.L_overlay_start_2:
0x1a5: {  	(tag) =	ssettag $0x2  }
0x1a6: {  	s0 =	rddreg [dreg:$0x0];
	s2 =	stileid.u32  }
0x1a7: {  	s1 =	rddreg [dreg:$0x1];
	p0 =	sne.s32 s2, $0x0  }
0x1a8: {  	s3 =	rddreg [dreg:$0x2];
	[bflag:$0x3] =	sbarrier.arrive $0xFFFF;
	s2 =	simm.s32 @!p0 $0x1C04  }
0x1a9: {  	[timem:s3], [sflag:s2] =	dma.local @!p0 [hbm:s0], s1  }
0x1aa: {  	s0 =	simm.s32 @!p0 $0x4  }
0x1ab: {  	_ =	swait.ge @!p0 [sflag:s0], s1  }
0x1ac: {  	s1 =	ssub.s32 @!p0 $0x0, s1;
	[sflag:s0] =	ssyncset.done @!p0 $0x0  }
0x1ad: {  	[sflag:s0] =	ssyncadd.s32 @!p0 s1  }
0x1ae: {  	[bflag:$0x3] =	sbarrier.arrive $0xFFFF  }
0x1af: {  	_ =	shalt  }

</sc_bundles>
